<compile_context>
chip_gen: v7x
topology: tpu7x:2x2x1
jax: 0.10.2.dev20260603
libtpu: 0.0.44.dev20260713+nightly
codegen_flags: <defaults>
</compile_context>

<pallas_src>
import functools

import jax
import jax.numpy as jnp
from jax import lax
from jax.experimental import pallas as pl
from jax.experimental.pallas import tpu as pltpu
from jax.experimental.pallas import tpu_sc as plsc

H, E, K = 1024, 8, 2
N = 4096
BLK_R = 512
G = 24
P = G * BLK_R
RBLK = 512

NC, NS = 2, 16
NW = NC * NS
TOK_W = N // NW
TCH = 16
DTCH = 32


def _router_body(x_ref, rw_ref, i1_ref, i2_ref, w1_ref, w2_ref, b_ref,
                 r1_ref, r2_ref, c_ref, base_ref):
    @pl.when(pl.program_id(0) == 0)
    def _init():
        base_ref[...] = jnp.zeros_like(base_ref)

    x = x_ref[...]
    logits = jnp.dot(x, rw_ref[...].T, preferred_element_type=jnp.float32)
    m = jnp.max(logits, axis=-1, keepdims=True)
    p = jnp.exp(logits - m)
    probs = p / jnp.sum(p, axis=-1, keepdims=True)
    iota = jax.lax.broadcasted_iota(jnp.int32, probs.shape, 1)
    m1 = jnp.max(probs, axis=-1, keepdims=True)
    i1 = jnp.min(jnp.where(probs == m1, iota, E), axis=-1, keepdims=True)
    probs2 = jnp.where(iota == i1, -jnp.inf, probs)
    m2 = jnp.max(probs2, axis=-1, keepdims=True)
    i2 = jnp.min(jnp.where(probs2 == m2, iota, E), axis=-1, keepdims=True)
    denom = m1 + m2 + 1e-6
    w1 = m1 / denom
    w2 = m2 / denom
    i1_ref[...] = i1
    i2_ref[...] = i2
    w1_ref[...] = w1
    w2_ref[...] = w2
    b_ref[...] = w1 * m1 + w2 * m2
    oh1 = (iota == i1).astype(jnp.float32)
    oh2 = (iota == i2).astype(jnp.float32)
    ri = jax.lax.broadcasted_iota(jnp.int32, (RBLK, RBLK), 0)
    ci = jax.lax.broadcasted_iota(jnp.int32, (RBLK, RBLK), 1)
    tri = (ri > ci).astype(jnp.float32)
    base = base_ref[...]
    r1 = base + jnp.dot(tri, oh1, preferred_element_type=jnp.float32)
    base = base + jnp.sum(oh1, axis=0, keepdims=True)
    r2 = base + jnp.dot(tri, oh2, preferred_element_type=jnp.float32)
    base = base + jnp.sum(oh2, axis=0, keepdims=True)
    base_ref[...] = base
    r1_ref[...] = jnp.sum(r1 * oh1, axis=-1, keepdims=True).astype(jnp.int32)
    r2_ref[...] = jnp.sum(r2 * oh2, axis=-1, keepdims=True).astype(jnp.int32)
    c_ref[...] = base


def _router(x, router_w):
    o = jax.ShapeDtypeStruct((N, 1), jnp.float32)
    oi = jax.ShapeDtypeStruct((N, 1), jnp.int32)
    spec = pl.BlockSpec((RBLK, 1), lambda i: (i, 0))
    return pl.pallas_call(
        _router_body,
        grid=(N // RBLK,),
        in_specs=[
            pl.BlockSpec((RBLK, H), lambda i: (i, 0)),
            pl.BlockSpec((E, H), lambda i: (0, 0)),
        ],
        out_specs=[spec, spec, spec, spec, spec, spec, spec,
                   pl.BlockSpec((1, E), lambda i: (0, 0))],
        out_shape=[oi, oi, o, o, o, oi, oi,
                   jax.ShapeDtypeStruct((1, E), jnp.float32)],
        scratch_shapes=[pltpu.VMEM((1, E), jnp.float32)],
    )(x, router_w)


_SC_MESH = plsc.VectorSubcoreMesh(core_axis_name="c", subcore_axis_name="s")


@functools.partial(
    pl.kernel,
    out_type=jax.ShapeDtypeStruct((P, H), jnp.float32),
    mesh=_SC_MESH,
    scratch_types=[
        pltpu.VMEM((DTCH,), jnp.int32),
        pltpu.VMEM((DTCH,), jnp.int32),
        pltpu.VMEM((DTCH,), jnp.int32),
        pltpu.VMEM((DTCH,), jnp.int32),
        pltpu.VMEM((DTCH, H), jnp.float32),
        pltpu.VMEM((DTCH, H), jnp.float32),
        pltpu.SemaphoreType.DMA,
        pltpu.SemaphoreType.DMA,
        pltpu.SemaphoreType.DMA,
        pltpu.SemaphoreType.DMA,
    ],
)
def _dispatch_scatter(x_hbm, p1_hbm, p2_hbm, out_hbm, i1a, i2a, i1b, i2b,
                      r0, r1, sa0, sb0, sa1, sb1):
    wid = lax.axis_index("s") * NC + lax.axis_index("c")
    base = wid * TOK_W
    NCH = TOK_W // DTCH
    i1s, i2s = (i1a, i1b), (i2a, i2b)
    rows = (r0, r1)
    sas, sbs = (sa0, sa1), (sb0, sb1)
    scats = [None, None]
    for c in range(NCH):
        b = c & 1
        if scats[b] is not None:
            scats[b][0].wait()
            scats[b][1].wait()
            scats[b] = None
        off = base + c * DTCH
        pltpu.sync_copy(x_hbm.at[pl.ds(off, DTCH)], rows[b])
        pltpu.sync_copy(p1_hbm.at[pl.ds(off, DTCH)], i1s[b])
        pltpu.sync_copy(p2_hbm.at[pl.ds(off, DTCH)], i2s[b])
        scats[b] = (pltpu.async_copy(rows[b], out_hbm.at[i1s[b]], sas[b]),
                    pltpu.async_copy(rows[b], out_hbm.at[i2s[b]], sbs[b]))
    for sc in scats:
        if sc is not None:
            sc[0].wait()
            sc[1].wait()


@functools.partial(
    pl.kernel,
    out_type=(jax.ShapeDtypeStruct((N, H), jnp.float32),
              jax.ShapeDtypeStruct((N, H), jnp.float32)),
    mesh=_SC_MESH,
    scratch_types=[
        pltpu.VMEM((TCH,), jnp.int32),
        pltpu.VMEM((TCH,), jnp.int32),
        pltpu.VMEM((TCH,), jnp.int32),
        pltpu.VMEM((TCH,), jnp.int32),
        pltpu.VMEM((TCH, H), jnp.float32),
        pltpu.VMEM((TCH, H), jnp.float32),
        pltpu.VMEM((TCH, H), jnp.float32),
        pltpu.VMEM((TCH, H), jnp.float32),
        pltpu.SemaphoreType.DMA,
        pltpu.SemaphoreType.DMA,
        pltpu.SemaphoreType.DMA,
        pltpu.SemaphoreType.DMA,
        pltpu.SemaphoreType.DMA,
        pltpu.SemaphoreType.DMA,
        pltpu.SemaphoreType.DMA,
        pltpu.SemaphoreType.DMA,
    ],
)
def _combine(y_hbm, p1_hbm, p2_hbm, y1_hbm, y2_hbm, p1a, p2a, p1b, p2b,
             a0, b0, a1, b1, ga0, gb0, ga1, gb1, s10, s20, s11, s21):
    wid = lax.axis_index("s") * NC + lax.axis_index("c")
    base = wid * TOK_W
    NCH = TOK_W // TCH
    p1s, p2s = (p1a, p1b), (p2a, p2b)
    avs, bvs = (a0, a1), (b0, b1)
    gsa, gsb = (ga0, ga1), (gb0, gb1)
    s1s, s2s = (s10, s11), (s20, s21)

    def start(c, b):
        off = base + c * TCH
        pltpu.sync_copy(p1_hbm.at[pl.ds(off, TCH)], p1s[b])
        pltpu.sync_copy(p2_hbm.at[pl.ds(off, TCH)], p2s[b])
        return (pltpu.async_copy(y_hbm.at[p1s[b]], avs[b], gsa[b]),
                pltpu.async_copy(y_hbm.at[p2s[b]], bvs[b], gsb[b]))

    stores = [None, None]
    gn = start(0, 0)
    for c in range(NCH):
        b = c & 1
        gcur = gn
        if c + 1 < NCH:
            if stores[b ^ 1] is not None:
                stores[b ^ 1][0].wait()
                stores[b ^ 1][1].wait()
                stores[b ^ 1] = None
            gn = start(c + 1, b ^ 1)
        gcur[0].wait()
        gcur[1].wait()
        off = base + c * TCH
        stores[b] = (
            pltpu.async_copy(avs[b], y1_hbm.at[pl.ds(off, TCH)], s1s[b]),
            pltpu.async_copy(bvs[b], y2_hbm.at[pl.ds(off, TCH)], s2s[b]))
    for st in stores:
        if st is not None:
            st[0].wait()
            st[1].wait()


def _gmm_body(eb_ref, x_ref, w_ref, y_ref):
    y_ref[...] = jnp.dot(x_ref[...].astype(jnp.bfloat16), w_ref[0],
                         preferred_element_type=jnp.float32)


def _gmm(eb, x_sorted, ws):
    grid_spec = pltpu.PrefetchScalarGridSpec(
        num_scalar_prefetch=1,
        grid=(G,),
        in_specs=[
            pl.BlockSpec((BLK_R, H), lambda t, eb: (t, 0)),
            pl.BlockSpec((1, H, H), lambda t, eb: (eb[t], 0, 0)),
        ],
        out_specs=pl.BlockSpec((BLK_R, H), lambda t, eb: (t, 0)),
    )
    return pl.pallas_call(
        _gmm_body,
        grid_spec=grid_spec,
        out_shape=jax.ShapeDtypeStruct((P, H), jnp.float32),
    )(eb, x_sorted, ws)


def _final_body(y1_ref, y2_ref, w1_ref, w2_ref, b_ref, out_ref):
    out_ref[...] = (y1_ref[...] * w1_ref[...] + y2_ref[...] * w2_ref[...]
                    + b_ref[...])


def _final(y1, y2, w1, w2, bias):
    blk = 512
    wspec = pl.BlockSpec((blk, 1), lambda i: (i, 0))
    return pl.pallas_call(
        _final_body,
        grid=(N // blk,),
        in_specs=[
            pl.BlockSpec((blk, H), lambda i: (i, 0)),
            pl.BlockSpec((blk, H), lambda i: (i, 0)),
            wspec, wspec, wspec,
        ],
        out_specs=pl.BlockSpec((blk, H), lambda i: (i, 0)),
        out_shape=jax.ShapeDtypeStruct((N, H), jnp.float32),
    )(y1, y2, w1, w2, bias)


@jax.jit
def _moe(x, router_w, ws_bf16):
    i1, i2, w1, w2, bias, r1, r2, cnt = _router(x, router_w)
    i1, i2 = i1[:, 0], i2[:, 0]
    r1, r2 = r1[:, 0], r2[:, 0]
    counts = cnt.reshape(E).astype(jnp.int32)
    nblk = -(-counts // BLK_R)
    blk_off = jnp.concatenate([jnp.zeros(1, jnp.int32),
                               jnp.cumsum(nblk)[:-1].astype(jnp.int32)])
    cum_nblk = jnp.cumsum(nblk).astype(jnp.int32)
    t_iota = jnp.arange(G, dtype=jnp.int32)
    eb = jnp.minimum(
        jnp.sum((cum_nblk[None, :] <= t_iota[:, None]).astype(jnp.int32),
                axis=1), E - 1)
    p1 = blk_off[i1] * BLK_R + r1
    p2 = blk_off[i2] * BLK_R + r2
    x_sorted = _dispatch_scatter(x, p1, p2)
    y = _gmm(eb, x_sorted, ws_bf16)
    y1, y2 = _combine(y, p1, p2)
    return _final(y1, y2, w1, w2, bias)


def kernel(hidden_states, router_w, expert_weights, expert_mapping):
    b, s, h = hidden_states.shape
    x = hidden_states.reshape(-1, h)
    out = _moe(x, router_w, expert_weights.astype(jnp.bfloat16))
    return out.reshape(b, s, h)

# --- scband reference (transcript-rebuilt; emitter-appended) ---
"""Pipeline reference for scband-tiny-mo-e-2027224563962 (READ-ONLY COPY).

The authoritative reference and input builder live on the scoring server;
editing this copy changes nothing except your own understanding.
"""

import jax, jax.numpy as jnp
import numpy as np

H, E, K, D = 1024, 8, 2, 4
B, S = 2, 2048


def _make_expert_mapping(E, D):
    m = np.zeros((1, 1, E, D), dtype=np.int64)
    for e in range(E):
        m[0, 0, e, e % D] = 1
    return jnp.asarray(m)


def setup_inputs(seed: int = 0) -> dict:
    key = jax.random.key(seed)
    k1, k2, k3 = jax.random.split(key, 3)
    hidden_states = jax.random.normal(k1, (B, S, H), dtype=jnp.float32)
    # learned params per init_kwargs
    router_w = jax.random.normal(k2, (E, H), dtype=jnp.float32) * 0.02  # nn.Linear(H, E, bias=False)
    expert_weights = jax.random.normal(k3, (E, H, H), dtype=jnp.float32) * 0.02
    expert_mapping = _make_expert_mapping(E, D)
    return {
        "hidden_states": hidden_states,
        "router_w": router_w,
        "expert_weights": expert_weights,
        "expert_mapping": expert_mapping,
    }


def reference(hidden_states, router_w, expert_weights, expert_mapping):
    Bq, Sq, Hq = hidden_states.shape
    x = hidden_states.reshape(-1, Hq)  # [N, H], N = B*S
    # router
    router_logits = x @ router_w.T  # [N, E]
    router_probs = jax.nn.softmax(router_logits, axis=-1)
    topk_vals, topk_idx = jax.lax.top_k(router_probs, K)  # [N, K]
    topk_weights = topk_vals / (jnp.sum(topk_vals, axis=-1, keepdims=True) + 1e-06)
    # all_to_all_dispatch + dense expert compute (simulated single-cluster):
    # every expert processes all dispatched tokens, matching einsum('nh,eho->eno')
    expert_out = jnp.einsum('nh,eho->eno', x, expert_weights)  # [E, N, H]
    # all_to_all_combine: gather per-slot expert output for each token
    # combined[k, n, :] = expert_out[topk_idx[n, k], n, :]
    combined = jnp.take_along_axis(expert_out, topk_idx.T[..., None], axis=0)  # [K, N, H]
    # moe_expert_token_remap bias: remap_mapping.sum(-1) reduces the per-token
    # one-hot expert-prob map to the selected router prob for each top-k slot
    remap_bias = topk_vals.T[..., None]  # [K, N, 1]
    combined = combined + remap_bias
    # weighted combine over top-k slots
    out = jnp.sum(combined * topk_weights.T[..., None], axis=0)  # [N, H]
    return out.reshape(Bq, Sq, Hq)

if __name__ == "__main__":
    import jax
    _d = setup_inputs()
    print(jax.jit(kernel)(*tuple(_d.values())))

</pallas_src>

<mosaic_0001>
#map = affine_map<(d0, d1) -> (0, 0)>
#map1 = affine_map<(d0, d1) -> (0)>
module attributes {stable_mosaic.version = 14 : i64} {
  func.func @_combine(%arg0: i32, %arg1: i32, %arg2: memref<12288x1024xf32, #tpu.memory_space<hbm>>, %arg3: memref<4096xi32, #tpu.memory_space<hbm>>, %arg4: memref<4096xi32, #tpu.memory_space<hbm>>, %arg5: memref<4096x1024xf32, #tpu.memory_space<hbm>>, %arg6: memref<4096x1024xf32, #tpu.memory_space<hbm>>, %arg7: memref<16xi32, #tpu.memory_space<vmem>>, %arg8: memref<16xi32, #tpu.memory_space<vmem>>, %arg9: memref<16xi32, #tpu.memory_space<vmem>>, %arg10: memref<16xi32, #tpu.memory_space<vmem>>, %arg11: memref<16x1024xf32, #tpu.memory_space<vmem>>, %arg12: memref<16x1024xf32, #tpu.memory_space<vmem>>, %arg13: memref<16x1024xf32, #tpu.memory_space<vmem>>, %arg14: memref<16x1024xf32, #tpu.memory_space<vmem>>, %arg15: memref<!tpu.dma_semaphore, #tpu.memory_space<semaphore_mem>>, %arg16: memref<!tpu.dma_semaphore, #tpu.memory_space<semaphore_mem>>, %arg17: memref<!tpu.dma_semaphore, #tpu.memory_space<semaphore_mem>>, %arg18: memref<!tpu.dma_semaphore, #tpu.memory_space<semaphore_mem>>, %arg19: memref<!tpu.dma_semaphore, #tpu.memory_space<semaphore_mem>>, %arg20: memref<!tpu.dma_semaphore, #tpu.memory_space<semaphore_mem>>, %arg21: memref<!tpu.dma_semaphore, #tpu.memory_space<semaphore_mem>>, %arg22: memref<!tpu.dma_semaphore, #tpu.memory_space<semaphore_mem>>) attributes {dimension_semantics = [#tpu.dimension_semantics<core_parallel>, #tpu.dimension_semantics<subcore_parallel>], iteration_bounds = array<i64: 2, 16>, scalar_prefetch = 0 : i64, scratch_operands = 16 : i64, tpu.core_type = #tpu.core_type<sc_vector_subcore>, window_params = [{transform_indices = #map}, {transform_indices = #map1}, {transform_indices = #map1}, {transform_indices = #map}, {transform_indices = #map}]} {
    %mul3A = arith.constant 2 : i32
    %mul3A_0 = arith.muli %arg1, %mul3A : i32
    %add3A = arith.addi %mul3A_0, %arg0 : i32
    %mul3A_1 = arith.constant 128 : i32
    %mul3A_2 = arith.muli %add3A, %mul3A_1 : i32
    %add3A_3 = arith.constant 0 : i32
    %add3A_4 = arith.addi %mul3A_2, %add3A_3 : i32
    "tpu.region"() ({
      %run_scoped3A = tpu.sem_alloc : memref<!tpu.dma_semaphore, #tpu.memory_space<semaphore_mem>>
      %dma_start3A_257 = tpu.memref_slice %arg3[%add3A_4] : memref<4096xi32, #tpu.memory_space<hbm>> -> memref<16xi32, #tpu.memory_space<hbm>>
      %dma_start3A_258 = tpu.memref_slice %arg3[%add3A_4] : memref<4096xi32, #tpu.memory_space<hbm>> -> memref<16xi32, #tpu.memory_space<hbm>>
      tpu.enqueue_dma source(%dma_start3A_258 : memref<16xi32, #tpu.memory_space<hbm>>) target(%arg7 : memref<16xi32, #tpu.memory_space<vmem>>) target_semaphore(%run_scoped3A : memref<!tpu.dma_semaphore, #tpu.memory_space<semaphore_mem>>)
      %dma_wait3A_259 = tpu.memref_slice %arg3[%add3A_4] : memref<4096xi32, #tpu.memory_space<hbm>> -> memref<16xi32, #tpu.memory_space<hbm>>
      %dma_wait3A_260 = tpu.memref_slice %arg3[%add3A_4] : memref<4096xi32, #tpu.memory_space<hbm>> -> memref<16xi32, #tpu.memory_space<hbm>>
      tpu.wait_dma2 semaphore(%run_scoped3A : memref<!tpu.dma_semaphore, #tpu.memory_space<semaphore_mem>>) src(%dma_wait3A_260 : memref<16xi32, #tpu.memory_space<hbm>>) dst(%arg7 : memref<16xi32, #tpu.memory_space<vmem>>)
      tpu.yield
    }) : () -> ()
    "tpu.region"() ({
      %run_scoped3A = tpu.sem_alloc : memref<!tpu.dma_semaphore, #tpu.memory_space<semaphore_mem>>
      %dma_start3A_257 = tpu.memref_slice %arg4[%add3A_4] : memref<4096xi32, #tpu.memory_space<hbm>> -> memref<16xi32, #tpu.memory_space<hbm>>
      %dma_start3A_258 = tpu.memref_slice %arg4[%add3A_4] : memref<4096xi32, #tpu.memory_space<hbm>> -> memref<16xi32, #tpu.memory_space<hbm>>
      tpu.enqueue_dma source(%dma_start3A_258 : memref<16xi32, #tpu.memory_space<hbm>>) target(%arg8 : memref<16xi32, #tpu.memory_space<vmem>>) target_semaphore(%run_scoped3A : memref<!tpu.dma_semaphore, #tpu.memory_space<semaphore_mem>>)
      %dma_wait3A_259 = tpu.memref_slice %arg4[%add3A_4] : memref<4096xi32, #tpu.memory_space<hbm>> -> memref<16xi32, #tpu.memory_space<hbm>>
      %dma_wait3A_260 = tpu.memref_slice %arg4[%add3A_4] : memref<4096xi32, #tpu.memory_space<hbm>> -> memref<16xi32, #tpu.memory_space<hbm>>
      tpu.wait_dma2 semaphore(%run_scoped3A : memref<!tpu.dma_semaphore, #tpu.memory_space<semaphore_mem>>) src(%dma_wait3A_260 : memref<16xi32, #tpu.memory_space<hbm>>) dst(%arg8 : memref<16xi32, #tpu.memory_space<vmem>>)
      tpu.yield
    }) : () -> ()
    %dma_start3A = arith.constant 0 : i32
    %dma_start3A_5 = arith.constant 0 : i32
    %dma_start3A_6 = tpu.memref_slice %arg2[%dma_start3A, %dma_start3A_5] : memref<12288x1024xf32, #tpu.memory_space<hbm>> -> memref<12288x1024xf32, #tpu.memory_space<hbm>>
    tpu.enqueue_indirect_dma source(%dma_start3A_6 : memref<12288x1024xf32, #tpu.memory_space<hbm>>) target(%arg11 : memref<16x1024xf32, #tpu.memory_space<vmem>>) offsets(%arg7 : memref<16xi32, #tpu.memory_space<vmem>>) semaphore(%arg15 : memref<!tpu.dma_semaphore, #tpu.memory_space<semaphore_mem>>)
    %dma_start3A_7 = arith.constant 0 : i32
    %dma_start3A_8 = arith.constant 0 : i32
    %dma_start3A_9 = tpu.memref_slice %arg2[%dma_start3A_7, %dma_start3A_8] : memref<12288x1024xf32, #tpu.memory_space<hbm>> -> memref<12288x1024xf32, #tpu.memory_space<hbm>>
    tpu.enqueue_indirect_dma source(%dma_start3A_9 : memref<12288x1024xf32, #tpu.memory_space<hbm>>) target(%arg12 : memref<16x1024xf32, #tpu.memory_space<vmem>>) offsets(%arg8 : memref<16xi32, #tpu.memory_space<vmem>>) semaphore(%arg16 : memref<!tpu.dma_semaphore, #tpu.memory_space<semaphore_mem>>)
    %add3A_10 = arith.constant 16 : i32
    %add3A_11 = arith.addi %mul3A_2, %add3A_10 : i32
    "tpu.region"() ({
      %run_scoped3A = tpu.sem_alloc : memref<!tpu.dma_semaphore, #tpu.memory_space<semaphore_mem>>
      %dma_start3A_257 = tpu.memref_slice %arg3[%add3A_11] : memref<4096xi32, #tpu.memory_space<hbm>> -> memref<16xi32, #tpu.memory_space<hbm>>
      %dma_start3A_258 = tpu.memref_slice %arg3[%add3A_11] : memref<4096xi32, #tpu.memory_space<hbm>> -> memref<16xi32, #tpu.memory_space<hbm>>
      tpu.enqueue_dma source(%dma_start3A_258 : memref<16xi32, #tpu.memory_space<hbm>>) target(%arg9 : memref<16xi32, #tpu.memory_space<vmem>>) target_semaphore(%run_scoped3A : memref<!tpu.dma_semaphore, #tpu.memory_space<semaphore_mem>>)
      %dma_wait3A_259 = tpu.memref_slice %arg3[%add3A_11] : memref<4096xi32, #tpu.memory_space<hbm>> -> memref<16xi32, #tpu.memory_space<hbm>>
      %dma_wait3A_260 = tpu.memref_slice %arg3[%add3A_11] : memref<4096xi32, #tpu.memory_space<hbm>> -> memref<16xi32, #tpu.memory_space<hbm>>
      tpu.wait_dma2 semaphore(%run_scoped3A : memref<!tpu.dma_semaphore, #tpu.memory_space<semaphore_mem>>) src(%dma_wait3A_260 : memref<16xi32, #tpu.memory_space<hbm>>) dst(%arg9 : memref<16xi32, #tpu.memory_space<vmem>>)
      tpu.yield
    }) : () -> ()
    "tpu.region"() ({
      %run_scoped3A = tpu.sem_alloc : memref<!tpu.dma_semaphore, #tpu.memory_space<semaphore_mem>>
      %dma_start3A_257 = tpu.memref_slice %arg4[%add3A_11] : memref<4096xi32, #tpu.memory_space<hbm>> -> memref<16xi32, #tpu.memory_space<hbm>>
      %dma_start3A_258 = tpu.memref_slice %arg4[%add3A_11] : memref<4096xi32, #tpu.memory_space<hbm>> -> memref<16xi32, #tpu.memory_space<hbm>>
      tpu.enqueue_dma source(%dma_start3A_258 : memref<16xi32, #tpu.memory_space<hbm>>) target(%arg10 : memref<16xi32, #tpu.memory_space<vmem>>) target_semaphore(%run_scoped3A : memref<!tpu.dma_semaphore, #tpu.memory_space<semaphore_mem>>)
      %dma_wait3A_259 = tpu.memref_slice %arg4[%add3A_11] : memref<4096xi32, #tpu.memory_space<hbm>> -> memref<16xi32, #tpu.memory_space<hbm>>
      %dma_wait3A_260 = tpu.memref_slice %arg4[%add3A_11] : memref<4096xi32, #tpu.memory_space<hbm>> -> memref<16xi32, #tpu.memory_space<hbm>>
      tpu.wait_dma2 semaphore(%run_scoped3A : memref<!tpu.dma_semaphore, #tpu.memory_space<semaphore_mem>>) src(%dma_wait3A_260 : memref<16xi32, #tpu.memory_space<hbm>>) dst(%arg10 : memref<16xi32, #tpu.memory_space<vmem>>)
      tpu.yield
    }) : () -> ()
    %dma_start3A_12 = arith.constant 0 : i32
    %dma_start3A_13 = arith.constant 0 : i32
    %dma_start3A_14 = tpu.memref_slice %arg2[%dma_start3A_12, %dma_start3A_13] : memref<12288x1024xf32, #tpu.memory_space<hbm>> -> memref<12288x1024xf32, #tpu.memory_space<hbm>>
    tpu.enqueue_indirect_dma source(%dma_start3A_14 : memref<12288x1024xf32, #tpu.memory_space<hbm>>) target(%arg13 : memref<16x1024xf32, #tpu.memory_space<vmem>>) offsets(%arg9 : memref<16xi32, #tpu.memory_space<vmem>>) semaphore(%arg17 : memref<!tpu.dma_semaphore, #tpu.memory_space<semaphore_mem>>)
    %dma_start3A_15 = arith.constant 0 : i32
    %dma_start3A_16 = arith.constant 0 : i32
    %dma_start3A_17 = tpu.memref_slice %arg2[%dma_start3A_15, %dma_start3A_16] : memref<12288x1024xf32, #tpu.memory_space<hbm>> -> memref<12288x1024xf32, #tpu.memory_space<hbm>>
    tpu.enqueue_indirect_dma source(%dma_start3A_17 : memref<12288x1024xf32, #tpu.memory_space<hbm>>) target(%arg14 : memref<16x1024xf32, #tpu.memory_space<vmem>>) offsets(%arg10 : memref<16xi32, #tpu.memory_space<vmem>>) semaphore(%arg18 : memref<!tpu.dma_semaphore, #tpu.memory_space<semaphore_mem>>)
    %dma_wait3A = arith.constant 0 : i32
    %dma_wait3A_18 = arith.constant 0 : i32
    %dma_wait3A_19 = tpu.memref_slice %arg2[%dma_wait3A, %dma_wait3A_18] : memref<12288x1024xf32, #tpu.memory_space<hbm>> -> memref<12288x1024xf32, #tpu.memory_space<hbm>>
    tpu.wait_indirect_dma semaphore(%arg15 : memref<!tpu.dma_semaphore, #tpu.memory_space<semaphore_mem>>) src(%dma_wait3A_19 : memref<12288x1024xf32, #tpu.memory_space<hbm>>) dst(%arg11 : memref<16x1024xf32, #tpu.memory_space<vmem>>)
    %dma_wait3A_20 = arith.constant 0 : i32
    %dma_wait3A_21 = arith.constant 0 : i32
    %dma_wait3A_22 = tpu.memref_slice %arg2[%dma_wait3A_20, %dma_wait3A_21] : memref<12288x1024xf32, #tpu.memory_space<hbm>> -> memref<12288x1024xf32, #tpu.memory_space<hbm>>
    tpu.wait_indirect_dma semaphore(%arg16 : memref<!tpu.dma_semaphore, #tpu.memory_space<semaphore_mem>>) src(%dma_wait3A_22 : memref<12288x1024xf32, #tpu.memory_space<hbm>>) dst(%arg12 : memref<16x1024xf32, #tpu.memory_space<vmem>>)
    %add3A_23 = arith.constant 0 : i32
    %add3A_24 = arith.addi %mul3A_2, %add3A_23 : i32
    %dma_start3A_25 = arith.constant 0 : i32
    %dma_start3A_26 = tpu.memref_slice %arg5[%add3A_24, %dma_start3A_25] : memref<4096x1024xf32, #tpu.memory_space<hbm>> -> memref<16x1024xf32, #tpu.memory_space<hbm>>
    %dma_start3A_27 = arith.constant 0 : i32
    %dma_start3A_28 = tpu.memref_slice %arg5[%add3A_24, %dma_start3A_27] : memref<4096x1024xf32, #tpu.memory_space<hbm>> -> memref<16x1024xf32, #tpu.memory_space<hbm>>
    tpu.enqueue_dma source(%arg11 : memref<16x1024xf32, #tpu.memory_space<vmem>>) target(%dma_start3A_28 : memref<16x1024xf32, #tpu.memory_space<hbm>>) target_semaphore(%arg19 : memref<!tpu.dma_semaphore, #tpu.memory_space<semaphore_mem>>)
    %dma_start3A_29 = arith.constant 0 : i32
    %dma_start3A_30 = tpu.memref_slice %arg6[%add3A_24, %dma_start3A_29] : memref<4096x1024xf32, #tpu.memory_space<hbm>> -> memref<16x1024xf32, #tpu.memory_space<hbm>>
    %dma_start3A_31 = arith.constant 0 : i32
    %dma_start3A_32 = tpu.memref_slice %arg6[%add3A_24, %dma_start3A_31] : memref<4096x1024xf32, #tpu.memory_space<hbm>> -> memref<16x1024xf32, #tpu.memory_space<hbm>>
    tpu.enqueue_dma source(%arg12 : memref<16x1024xf32, #tpu.memory_space<vmem>>) target(%dma_start3A_32 : memref<16x1024xf32, #tpu.memory_space<hbm>>) target_semaphore(%arg20 : memref<!tpu.dma_semaphore, #tpu.memory_space<semaphore_mem>>)
    %dma_wait3A_33 = arith.constant 0 : i32
    %dma_wait3A_34 = tpu.memref_slice %arg5[%add3A_24, %dma_wait3A_33] : memref<4096x1024xf32, #tpu.memory_space<hbm>> -> memref<16x1024xf32, #tpu.memory_space<hbm>>
    %dma_wait3A_35 = arith.constant 0 : i32
    %dma_wait3A_36 = tpu.memref_slice %arg5[%add3A_24, %dma_wait3A_35] : memref<4096x1024xf32, #tpu.memory_space<hbm>> -> memref<16x1024xf32, #tpu.memory_space<hbm>>
    tpu.wait_dma2 semaphore(%arg19 : memref<!tpu.dma_semaphore, #tpu.memory_space<semaphore_mem>>) src(%arg11 : memref<16x1024xf32, #tpu.memory_space<vmem>>) dst(%dma_wait3A_36 : memref<16x1024xf32, #tpu.memory_space<hbm>>)
    %dma_wait3A_37 = arith.constant 0 : i32
    %dma_wait3A_38 = tpu.memref_slice %arg6[%add3A_24, %dma_wait3A_37] : memref<4096x1024xf32, #tpu.memory_space<hbm>> -> memref<16x1024xf32, #tpu.memory_space<hbm>>
    %dma_wait3A_39 = arith.constant 0 : i32
    %dma_wait3A_40 = tpu.memref_slice %arg6[%add3A_24, %dma_wait3A_39] : memref<4096x1024xf32, #tpu.memory_space<hbm>> -> memref<16x1024xf32, #tpu.memory_space<hbm>>
    tpu.wait_dma2 semaphore(%arg20 : memref<!tpu.dma_semaphore, #tpu.memory_space<semaphore_mem>>) src(%arg12 : memref<16x1024xf32, #tpu.memory_space<vmem>>) dst(%dma_wait3A_40 : memref<16x1024xf32, #tpu.memory_space<hbm>>)
    %add3A_41 = arith.constant 32 : i32
    %add3A_42 = arith.addi %mul3A_2, %add3A_41 : i32
    "tpu.region"() ({
      %run_scoped3A = tpu.sem_alloc : memref<!tpu.dma_semaphore, #tpu.memory_space<semaphore_mem>>
      %dma_start3A_257 = tpu.memref_slice %arg3[%add3A_42] : memref<4096xi32, #tpu.memory_space<hbm>> -> memref<16xi32, #tpu.memory_space<hbm>>
      %dma_start3A_258 = tpu.memref_slice %arg3[%add3A_42] : memref<4096xi32, #tpu.memory_space<hbm>> -> memref<16xi32, #tpu.memory_space<hbm>>
      tpu.enqueue_dma source(%dma_start3A_258 : memref<16xi32, #tpu.memory_space<hbm>>) target(%arg7 : memref<16xi32, #tpu.memory_space<vmem>>) target_semaphore(%run_scoped3A : memref<!tpu.dma_semaphore, #tpu.memory_space<semaphore_mem>>)
      %dma_wait3A_259 = tpu.memref_slice %arg3[%add3A_42] : memref<4096xi32, #tpu.memory_space<hbm>> -> memref<16xi32, #tpu.memory_space<hbm>>
      %dma_wait3A_260 = tpu.memref_slice %arg3[%add3A_42] : memref<4096xi32, #tpu.memory_space<hbm>> -> memref<16xi32, #tpu.memory_space<hbm>>
      tpu.wait_dma2 semaphore(%run_scoped3A : memref<!tpu.dma_semaphore, #tpu.memory_space<semaphore_mem>>) src(%dma_wait3A_260 : memref<16xi32, #tpu.memory_space<hbm>>) dst(%arg7 : memref<16xi32, #tpu.memory_space<vmem>>)
      tpu.yield
    }) : () -> ()
    "tpu.region"() ({
      %run_scoped3A = tpu.sem_alloc : memref<!tpu.dma_semaphore, #tpu.memory_space<semaphore_mem>>
      %dma_start3A_257 = tpu.memref_slice %arg4[%add3A_42] : memref<4096xi32, #tpu.memory_space<hbm>> -> memref<16xi32, #tpu.memory_space<hbm>>
      %dma_start3A_258 = tpu.memref_slice %arg4[%add3A_42] : memref<4096xi32, #tpu.memory_space<hbm>> -> memref<16xi32, #tpu.memory_space<hbm>>
      tpu.enqueue_dma source(%dma_start3A_258 : memref<16xi32, #tpu.memory_space<hbm>>) target(%arg8 : memref<16xi32, #tpu.memory_space<vmem>>) target_semaphore(%run_scoped3A : memref<!tpu.dma_semaphore, #tpu.memory_space<semaphore_mem>>)
      %dma_wait3A_259 = tpu.memref_slice %arg4[%add3A_42] : memref<4096xi32, #tpu.memory_space<hbm>> -> memref<16xi32, #tpu.memory_space<hbm>>
      %dma_wait3A_260 = tpu.memref_slice %arg4[%add3A_42] : memref<4096xi32, #tpu.memory_space<hbm>> -> memref<16xi32, #tpu.memory_space<hbm>>
      tpu.wait_dma2 semaphore(%run_scoped3A : memref<!tpu.dma_semaphore, #tpu.memory_space<semaphore_mem>>) src(%dma_wait3A_260 : memref<16xi32, #tpu.memory_space<hbm>>) dst(%arg8 : memref<16xi32, #tpu.memory_space<vmem>>)
      tpu.yield
    }) : () -> ()
    %dma_start3A_43 = arith.constant 0 : i32
    %dma_start3A_44 = arith.constant 0 : i32
    %dma_start3A_45 = tpu.memref_slice %arg2[%dma_start3A_43, %dma_start3A_44] : memref<12288x1024xf32, #tpu.memory_space<hbm>> -> memref<12288x1024xf32, #tpu.memory_space<hbm>>
    tpu.enqueue_indirect_dma source(%dma_start3A_45 : memref<12288x1024xf32, #tpu.memory_space<hbm>>) target(%arg11 : memref<16x1024xf32, #tpu.memory_space<vmem>>) offsets(%arg7 : memref<16xi32, #tpu.memory_space<vmem>>) semaphore(%arg15 : memref<!tpu.dma_semaphore, #tpu.memory_space<semaphore_mem>>)
    %dma_start3A_46 = arith.constant 0 : i32
    %dma_start3A_47 = arith.constant 0 : i32
    %dma_start3A_48 = tpu.memref_slice %arg2[%dma_start3A_46, %dma_start3A_47] : memref<12288x1024xf32, #tpu.memory_space<hbm>> -> memref<12288x1024xf32, #tpu.memory_space<hbm>>
    tpu.enqueue_indirect_dma source(%dma_start3A_48 : memref<12288x1024xf32, #tpu.memory_space<hbm>>) target(%arg12 : memref<16x1024xf32, #tpu.memory_space<vmem>>) offsets(%arg8 : memref<16xi32, #tpu.memory_space<vmem>>) semaphore(%arg16 : memref<!tpu.dma_semaphore, #tpu.memory_space<semaphore_mem>>)
    %dma_wait3A_49 = arith.constant 0 : i32
    %dma_wait3A_50 = arith.constant 0 : i32
    %dma_wait3A_51 = tpu.memref_slice %arg2[%dma_wait3A_49, %dma_wait3A_50] : memref<12288x1024xf32, #tpu.memory_space<hbm>> -> memref<12288x1024xf32, #tpu.memory_space<hbm>>
    tpu.wait_indirect_dma semaphore(%arg17 : memref<!tpu.dma_semaphore, #tpu.memory_space<semaphore_mem>>) src(%dma_wait3A_51 : memref<12288x1024xf32, #tpu.memory_space<hbm>>) dst(%arg13 : memref<16x1024xf32, #tpu.memory_space<vmem>>)
    %dma_wait3A_52 = arith.constant 0 : i32
    %dma_wait3A_53 = arith.constant 0 : i32
    %dma_wait3A_54 = tpu.memref_slice %arg2[%dma_wait3A_52, %dma_wait3A_53] : memref<12288x1024xf32, #tpu.memory_space<hbm>> -> memref<12288x1024xf32, #tpu.memory_space<hbm>>
    tpu.wait_indirect_dma semaphore(%arg18 : memref<!tpu.dma_semaphore, #tpu.memory_space<semaphore_mem>>) src(%dma_wait3A_54 : memref<12288x1024xf32, #tpu.memory_space<hbm>>) dst(%arg14 : memref<16x1024xf32, #tpu.memory_space<vmem>>)
    %add3A_55 = arith.constant 16 : i32
    %add3A_56 = arith.addi %mul3A_2, %add3A_55 : i32
    %dma_start3A_57 = arith.constant 0 : i32
    %dma_start3A_58 = tpu.memref_slice %arg5[%add3A_56, %dma_start3A_57] : memref<4096x1024xf32, #tpu.memory_space<hbm>> -> memref<16x1024xf32, #tpu.memory_space<hbm>>
    %dma_start3A_59 = arith.constant 0 : i32
    %dma_start3A_60 = tpu.memref_slice %arg5[%add3A_56, %dma_start3A_59] : memref<4096x1024xf32, #tpu.memory_space<hbm>> -> memref<16x1024xf32, #tpu.memory_space<hbm>>
    tpu.enqueue_dma source(%arg13 : memref<16x1024xf32, #tpu.memory_space<vmem>>) target(%dma_start3A_60 : memref<16x1024xf32, #tpu.memory_space<hbm>>) target_semaphore(%arg21 : memref<!tpu.dma_semaphore, #tpu.memory_space<semaphore_mem>>)
    %dma_start3A_61 = arith.constant 0 : i32
    %dma_start3A_62 = tpu.memref_slice %arg6[%add3A_56, %dma_start3A_61] : memref<4096x1024xf32, #tpu.memory_space<hbm>> -> memref<16x1024xf32, #tpu.memory_space<hbm>>
    %dma_start3A_63 = arith.constant 0 : i32
    %dma_start3A_64 = tpu.memref_slice %arg6[%add3A_56, %dma_start3A_63] : memref<4096x1024xf32, #tpu.memory_space<hbm>> -> memref<16x1024xf32, #tpu.memory_space<hbm>>
    tpu.enqueue_dma source(%arg14 : memref<16x1024xf32, #tpu.memory_space<vmem>>) target(%dma_start3A_64 : memref<16x1024xf32, #tpu.memory_space<hbm>>) target_semaphore(%arg22 : memref<!tpu.dma_semaphore, #tpu.memory_space<semaphore_mem>>)
    %dma_wait3A_65 = arith.constant 0 : i32
    %dma_wait3A_66 = tpu.memref_slice %arg5[%add3A_56, %dma_wait3A_65] : memref<4096x1024xf32, #tpu.memory_space<hbm>> -> memref<16x1024xf32, #tpu.memory_space<hbm>>
    %dma_wait3A_67 = arith.constant 0 : i32
    %dma_wait3A_68 = tpu.memref_slice %arg5[%add3A_56, %dma_wait3A_67] : memref<4096x1024xf32, #tpu.memory_space<hbm>> -> memref<16x1024xf32, #tpu.memory_space<hbm>>
    tpu.wait_dma2 semaphore(%arg21 : memref<!tpu.dma_semaphore, #tpu.memory_space<semaphore_mem>>) src(%arg13 : memref<16x1024xf32, #tpu.memory_space<vmem>>) dst(%dma_wait3A_68 : memref<16x1024xf32, #tpu.memory_space<hbm>>)
    %dma_wait3A_69 = arith.constant 0 : i32
    %dma_wait3A_70 = tpu.memref_slice %arg6[%add3A_56, %dma_wait3A_69] : memref<4096x1024xf32, #tpu.memory_space<hbm>> -> memref<16x1024xf32, #tpu.memory_space<hbm>>
    %dma_wait3A_71 = arith.constant 0 : i32
    %dma_wait3A_72 = tpu.memref_slice %arg6[%add3A_56, %dma_wait3A_71] : memref<4096x1024xf32, #tpu.memory_space<hbm>> -> memref<16x1024xf32, #tpu.memory_space<hbm>>
    tpu.wait_dma2 semaphore(%arg22 : memref<!tpu.dma_semaphore, #tpu.memory_space<semaphore_mem>>) src(%arg14 : memref<16x1024xf32, #tpu.memory_space<vmem>>) dst(%dma_wait3A_72 : memref<16x1024xf32, #tpu.memory_space<hbm>>)
    %add3A_73 = arith.constant 48 : i32
    %add3A_74 = arith.addi %mul3A_2, %add3A_73 : i32
    "tpu.region"() ({
      %run_scoped3A = tpu.sem_alloc : memref<!tpu.dma_semaphore, #tpu.memory_space<semaphore_mem>>
      %dma_start3A_257 = tpu.memref_slice %arg3[%add3A_74] : memref<4096xi32, #tpu.memory_space<hbm>> -> memref<16xi32, #tpu.memory_space<hbm>>
      %dma_start3A_258 = tpu.memref_slice %arg3[%add3A_74] : memref<4096xi32, #tpu.memory_space<hbm>> -> memref<16xi32, #tpu.memory_space<hbm>>
      tpu.enqueue_dma source(%dma_start3A_258 : memref<16xi32, #tpu.memory_space<hbm>>) target(%arg9 : memref<16xi32, #tpu.memory_space<vmem>>) target_semaphore(%run_scoped3A : memref<!tpu.dma_semaphore, #tpu.memory_space<semaphore_mem>>)
      %dma_wait3A_259 = tpu.memref_slice %arg3[%add3A_74] : memref<4096xi32, #tpu.memory_space<hbm>> -> memref<16xi32, #tpu.memory_space<hbm>>
      %dma_wait3A_260 = tpu.memref_slice %arg3[%add3A_74] : memref<4096xi32, #tpu.memory_space<hbm>> -> memref<16xi32, #tpu.memory_space<hbm>>
      tpu.wait_dma2 semaphore(%run_scoped3A : memref<!tpu.dma_semaphore, #tpu.memory_space<semaphore_mem>>) src(%dma_wait3A_260 : memref<16xi32, #tpu.memory_space<hbm>>) dst(%arg9 : memref<16xi32, #tpu.memory_space<vmem>>)
      tpu.yield
    }) : () -> ()
    "tpu.region"() ({
      %run_scoped3A = tpu.sem_alloc : memref<!tpu.dma_semaphore, #tpu.memory_space<semaphore_mem>>
      %dma_start3A_257 = tpu.memref_slice %arg4[%add3A_74] : memref<4096xi32, #tpu.memory_space<hbm>> -> memref<16xi32, #tpu.memory_space<hbm>>
      %dma_start3A_258 = tpu.memref_slice %arg4[%add3A_74] : memref<4096xi32, #tpu.memory_space<hbm>> -> memref<16xi32, #tpu.memory_space<hbm>>
      tpu.enqueue_dma source(%dma_start3A_258 : memref<16xi32, #tpu.memory_space<hbm>>) target(%arg10 : memref<16xi32, #tpu.memory_space<vmem>>) target_semaphore(%run_scoped3A : memref<!tpu.dma_semaphore, #tpu.memory_space<semaphore_mem>>)
      %dma_wait3A_259 = tpu.memref_slice %arg4[%add3A_74] : memref<4096xi32, #tpu.memory_space<hbm>> -> memref<16xi32, #tpu.memory_space<hbm>>
      %dma_wait3A_260 = tpu.memref_slice %arg4[%add3A_74] : memref<4096xi32, #tpu.memory_space<hbm>> -> memref<16xi32, #tpu.memory_space<hbm>>
      tpu.wait_dma2 semaphore(%run_scoped3A : memref<!tpu.dma_semaphore, #tpu.memory_space<semaphore_mem>>) src(%dma_wait3A_260 : memref<16xi32, #tpu.memory_space<hbm>>) dst(%arg10 : memref<16xi32, #tpu.memory_space<vmem>>)
      tpu.yield
    }) : () -> ()
    %dma_start3A_75 = arith.constant 0 : i32
    %dma_start3A_76 = arith.constant 0 : i32
    %dma_start3A_77 = tpu.memref_slice %arg2[%dma_start3A_75, %dma_start3A_76] : memref<12288x1024xf32, #tpu.memory_space<hbm>> -> memref<12288x1024xf32, #tpu.memory_space<hbm>>
    tpu.enqueue_indirect_dma source(%dma_start3A_77 : memref<12288x1024xf32, #tpu.memory_space<hbm>>) target(%arg13 : memref<16x1024xf32, #tpu.memory_space<vmem>>) offsets(%arg9 : memref<16xi32, #tpu.memory_space<vmem>>) semaphore(%arg17 : memref<!tpu.dma_semaphore, #tpu.memory_space<semaphore_mem>>)
    %dma_start3A_78 = arith.constant 0 : i32
    %dma_start3A_79 = arith.constant 0 : i32
    %dma_start3A_80 = tpu.memref_slice %arg2[%dma_start3A_78, %dma_start3A_79] : memref<12288x1024xf32, #tpu.memory_space<hbm>> -> memref<12288x1024xf32, #tpu.memory_space<hbm>>
    tpu.enqueue_indirect_dma source(%dma_start3A_80 : memref<12288x1024xf32, #tpu.memory_space<hbm>>) target(%arg14 : memref<16x1024xf32, #tpu.memory_space<vmem>>) offsets(%arg10 : memref<16xi32, #tpu.memory_space<vmem>>) semaphore(%arg18 : memref<!tpu.dma_semaphore, #tpu.memory_space<semaphore_mem>>)
    %dma_wait3A_81 = arith.constant 0 : i32
    %dma_wait3A_82 = arith.constant 0 : i32
    %dma_wait3A_83 = tpu.memref_slice %arg2[%dma_wait3A_81, %dma_wait3A_82] : memref<12288x1024xf32, #tpu.memory_space<hbm>> -> memref<12288x1024xf32, #tpu.memory_space<hbm>>
    tpu.wait_indirect_dma semaphore(%arg15 : memref<!tpu.dma_semaphore, #tpu.memory_space<semaphore_mem>>) src(%dma_wait3A_83 : memref<12288x1024xf32, #tpu.memory_space<hbm>>) dst(%arg11 : memref<16x1024xf32, #tpu.memory_space<vmem>>)
    %dma_wait3A_84 = arith.constant 0 : i32
    %dma_wait3A_85 = arith.constant 0 : i32
    %dma_wait3A_86 = tpu.memref_slice %arg2[%dma_wait3A_84, %dma_wait3A_85] : memref<12288x1024xf32, #tpu.memory_space<hbm>> -> memref<12288x1024xf32, #tpu.memory_space<hbm>>
    tpu.wait_indirect_dma semaphore(%arg16 : memref<!tpu.dma_semaphore, #tpu.memory_space<semaphore_mem>>) src(%dma_wait3A_86 : memref<12288x1024xf32, #tpu.memory_space<hbm>>) dst(%arg12 : memref<16x1024xf32, #tpu.memory_space<vmem>>)
    %add3A_87 = arith.constant 32 : i32
    %add3A_88 = arith.addi %mul3A_2, %add3A_87 : i32
    %dma_start3A_89 = arith.constant 0 : i32
    %dma_start3A_90 = tpu.memref_slice %arg5[%add3A_88, %dma_start3A_89] : memref<4096x1024xf32, #tpu.memory_space<hbm>> -> memref<16x1024xf32, #tpu.memory_space<hbm>>
    %dma_start3A_91 = arith.constant 0 : i32
    %dma_start3A_92 = tpu.memref_slice %arg5[%add3A_88, %dma_start3A_91] : memref<4096x1024xf32, #tpu.memory_space<hbm>> -> memref<16x1024xf32, #tpu.memory_space<hbm>>
    tpu.enqueue_dma source(%arg11 : memref<16x1024xf32, #tpu.memory_space<vmem>>) target(%dma_start3A_92 : memref<16x1024xf32, #tpu.memory_space<hbm>>) target_semaphore(%arg19 : memref<!tpu.dma_semaphore, #tpu.memory_space<semaphore_mem>>)
    %dma_start3A_93 = arith.constant 0 : i32
    %dma_start3A_94 = tpu.memref_slice %arg6[%add3A_88, %dma_start3A_93] : memref<4096x1024xf32, #tpu.memory_space<hbm>> -> memref<16x1024xf32, #tpu.memory_space<hbm>>
    %dma_start3A_95 = arith.constant 0 : i32
    %dma_start3A_96 = tpu.memref_slice %arg6[%add3A_88, %dma_start3A_95] : memref<4096x1024xf32, #tpu.memory_space<hbm>> -> memref<16x1024xf32, #tpu.memory_space<hbm>>
    tpu.enqueue_dma source(%arg12 : memref<16x1024xf32, #tpu.memory_space<vmem>>) target(%dma_start3A_96 : memref<16x1024xf32, #tpu.memory_space<hbm>>) target_semaphore(%arg20 : memref<!tpu.dma_semaphore, #tpu.memory_space<semaphore_mem>>)
    %dma_wait3A_97 = arith.constant 0 : i32
    %dma_wait3A_98 = tpu.memref_slice %arg5[%add3A_88, %dma_wait3A_97] : memref<4096x1024xf32, #tpu.memory_space<hbm>> -> memref<16x1024xf32, #tpu.memory_space<hbm>>
    %dma_wait3A_99 = arith.constant 0 : i32
    %dma_wait3A_100 = tpu.memref_slice %arg5[%add3A_88, %dma_wait3A_99] : memref<4096x1024xf32, #tpu.memory_space<hbm>> -> memref<16x1024xf32, #tpu.memory_space<hbm>>
    tpu.wait_dma2 semaphore(%arg19 : memref<!tpu.dma_semaphore, #tpu.memory_space<semaphore_mem>>) src(%arg11 : memref<16x1024xf32, #tpu.memory_space<vmem>>) dst(%dma_wait3A_100 : memref<16x1024xf32, #tpu.memory_space<hbm>>)
    %dma_wait3A_101 = arith.constant 0 : i32
    %dma_wait3A_102 = tpu.memref_slice %arg6[%add3A_88, %dma_wait3A_101] : memref<4096x1024xf32, #tpu.memory_space<hbm>> -> memref<16x1024xf32, #tpu.memory_space<hbm>>
    %dma_wait3A_103 = arith.constant 0 : i32
    %dma_wait3A_104 = tpu.memref_slice %arg6[%add3A_88, %dma_wait3A_103] : memref<4096x1024xf32, #tpu.memory_space<hbm>> -> memref<16x1024xf32, #tpu.memory_space<hbm>>
    tpu.wait_dma2 semaphore(%arg20 : memref<!tpu.dma_semaphore, #tpu.memory_space<semaphore_mem>>) src(%arg12 : memref<16x1024xf32, #tpu.memory_space<vmem>>) dst(%dma_wait3A_104 : memref<16x1024xf32, #tpu.memory_space<hbm>>)
    %add3A_105 = arith.constant 64 : i32
    %add3A_106 = arith.addi %mul3A_2, %add3A_105 : i32
    "tpu.region"() ({
      %run_scoped3A = tpu.sem_alloc : memref<!tpu.dma_semaphore, #tpu.memory_space<semaphore_mem>>
      %dma_start3A_257 = tpu.memref_slice %arg3[%add3A_106] : memref<4096xi32, #tpu.memory_space<hbm>> -> memref<16xi32, #tpu.memory_space<hbm>>
      %dma_start3A_258 = tpu.memref_slice %arg3[%add3A_106] : memref<4096xi32, #tpu.memory_space<hbm>> -> memref<16xi32, #tpu.memory_space<hbm>>
      tpu.enqueue_dma source(%dma_start3A_258 : memref<16xi32, #tpu.memory_space<hbm>>) target(%arg7 : memref<16xi32, #tpu.memory_space<vmem>>) target_semaphore(%run_scoped3A : memref<!tpu.dma_semaphore, #tpu.memory_space<semaphore_mem>>)
      %dma_wait3A_259 = tpu.memref_slice %arg3[%add3A_106] : memref<4096xi32, #tpu.memory_space<hbm>> -> memref<16xi32, #tpu.memory_space<hbm>>
      %dma_wait3A_260 = tpu.memref_slice %arg3[%add3A_106] : memref<4096xi32, #tpu.memory_space<hbm>> -> memref<16xi32, #tpu.memory_space<hbm>>
      tpu.wait_dma2 semaphore(%run_scoped3A : memref<!tpu.dma_semaphore, #tpu.memory_space<semaphore_mem>>) src(%dma_wait3A_260 : memref<16xi32, #tpu.memory_space<hbm>>) dst(%arg7 : memref<16xi32, #tpu.memory_space<vmem>>)
      tpu.yield
    }) : () -> ()
    "tpu.region"() ({
      %run_scoped3A = tpu.sem_alloc : memref<!tpu.dma_semaphore, #tpu.memory_space<semaphore_mem>>
      %dma_start3A_257 = tpu.memref_slice %arg4[%add3A_106] : memref<4096xi32, #tpu.memory_space<hbm>> -> memref<16xi32, #tpu.memory_space<hbm>>
      %dma_start3A_258 = tpu.memref_slice %arg4[%add3A_106] : memref<4096xi32, #tpu.memory_space<hbm>> -> memref<16xi32, #tpu.memory_space<hbm>>
      tpu.enqueue_dma source(%dma_start3A_258 : memref<16xi32, #tpu.memory_space<hbm>>) target(%arg8 : memref<16xi32, #tpu.memory_space<vmem>>) target_semaphore(%run_scoped3A : memref<!tpu.dma_semaphore, #tpu.memory_space<semaphore_mem>>)
      %dma_wait3A_259 = tpu.memref_slice %arg4[%add3A_106] : memref<4096xi32, #tpu.memory_space<hbm>> -> memref<16xi32, #tpu.memory_space<hbm>>
      %dma_wait3A_260 = tpu.memref_slice %arg4[%add3A_106] : memref<4096xi32, #tpu.memory_space<hbm>> -> memref<16xi32, #tpu.memory_space<hbm>>
      tpu.wait_dma2 semaphore(%run_scoped3A : memref<!tpu.dma_semaphore, #tpu.memory_space<semaphore_mem>>) src(%dma_wait3A_260 : memref<16xi32, #tpu.memory_space<hbm>>) dst(%arg8 : memref<16xi32, #tpu.memory_space<vmem>>)
      tpu.yield
    }) : () -> ()
    %dma_start3A_107 = arith.constant 0 : i32
    %dma_start3A_108 = arith.constant 0 : i32
    %dma_start3A_109 = tpu.memref_slice %arg2[%dma_start3A_107, %dma_start3A_108] : memref<12288x1024xf32, #tpu.memory_space<hbm>> -> memref<12288x1024xf32, #tpu.memory_space<hbm>>
    tpu.enqueue_indirect_dma source(%dma_start3A_109 : memref<12288x1024xf32, #tpu.memory_space<hbm>>) target(%arg11 : memref<16x1024xf32, #tpu.memory_space<vmem>>) offsets(%arg7 : memref<16xi32, #tpu.memory_space<vmem>>) semaphore(%arg15 : memref<!tpu.dma_semaphore, #tpu.memory_space<semaphore_mem>>)
    %dma_start3A_110 = arith.constant 0 : i32
    %dma_start3A_111 = arith.constant 0 : i32
    %dma_start3A_112 = tpu.memref_slice %arg2[%dma_start3A_110, %dma_start3A_111] : memref<12288x1024xf32, #tpu.memory_space<hbm>> -> memref<12288x1024xf32, #tpu.memory_space<hbm>>
    tpu.enqueue_indirect_dma source(%dma_start3A_112 : memref<12288x1024xf32, #tpu.memory_space<hbm>>) target(%arg12 : memref<16x1024xf32, #tpu.memory_space<vmem>>) offsets(%arg8 : memref<16xi32, #tpu.memory_space<vmem>>) semaphore(%arg16 : memref<!tpu.dma_semaphore, #tpu.memory_space<semaphore_mem>>)
    %dma_wait3A_113 = arith.constant 0 : i32
    %dma_wait3A_114 = arith.constant 0 : i32
    %dma_wait3A_115 = tpu.memref_slice %arg2[%dma_wait3A_113, %dma_wait3A_114] : memref<12288x1024xf32, #tpu.memory_space<hbm>> -> memref<12288x1024xf32, #tpu.memory_space<hbm>>
    tpu.wait_indirect_dma semaphore(%arg17 : memref<!tpu.dma_semaphore, #tpu.memory_space<semaphore_mem>>) src(%dma_wait3A_115 : memref<12288x1024xf32, #tpu.memory_space<hbm>>) dst(%arg13 : memref<16x1024xf32, #tpu.memory_space<vmem>>)
    %dma_wait3A_116 = arith.constant 0 : i32
    %dma_wait3A_117 = arith.constant 0 : i32
    %dma_wait3A_118 = tpu.memref_slice %arg2[%dma_wait3A_116, %dma_wait3A_117] : memref<12288x1024xf32, #tpu.memory_space<hbm>> -> memref<12288x1024xf32, #tpu.memory_space<hbm>>
    tpu.wait_indirect_dma semaphore(%arg18 : memref<!tpu.dma_semaphore, #tpu.memory_space<semaphore_mem>>) src(%dma_wait3A_118 : memref<12288x1024xf32, #tpu.memory_space<hbm>>) dst(%arg14 : memref<16x1024xf32, #tpu.memory_space<vmem>>)
    %add3A_119 = arith.constant 48 : i32
    %add3A_120 = arith.addi %mul3A_2, %add3A_119 : i32
    %dma_start3A_121 = arith.constant 0 : i32
    %dma_start3A_122 = tpu.memref_slice %arg5[%add3A_120, %dma_start3A_121] : memref<4096x1024xf32, #tpu.memory_space<hbm>> -> memref<16x1024xf32, #tpu.memory_space<hbm>>
    %dma_start3A_123 = arith.constant 0 : i32
    %dma_start3A_124 = tpu.memref_slice %arg5[%add3A_120, %dma_start3A_123] : memref<4096x1024xf32, #tpu.memory_space<hbm>> -> memref<16x1024xf32, #tpu.memory_space<hbm>>
    tpu.enqueue_dma source(%arg13 : memref<16x1024xf32, #tpu.memory_space<vmem>>) target(%dma_start3A_124 : memref<16x1024xf32, #tpu.memory_space<hbm>>) target_semaphore(%arg21 : memref<!tpu.dma_semaphore, #tpu.memory_space<semaphore_mem>>)
    %dma_start3A_125 = arith.constant 0 : i32
    %dma_start3A_126 = tpu.memref_slice %arg6[%add3A_120, %dma_start3A_125] : memref<4096x1024xf32, #tpu.memory_space<hbm>> -> memref<16x1024xf32, #tpu.memory_space<hbm>>
    %dma_start3A_127 = arith.constant 0 : i32
    %dma_start3A_128 = tpu.memref_slice %arg6[%add3A_120, %dma_start3A_127] : memref<4096x1024xf32, #tpu.memory_space<hbm>> -> memref<16x1024xf32, #tpu.memory_space<hbm>>
    tpu.enqueue_dma source(%arg14 : memref<16x1024xf32, #tpu.memory_space<vmem>>) target(%dma_start3A_128 : memref<16x1024xf32, #tpu.memory_space<hbm>>) target_semaphore(%arg22 : memref<!tpu.dma_semaphore, #tpu.memory_space<semaphore_mem>>)
    %dma_wait3A_129 = arith.constant 0 : i32
    %dma_wait3A_130 = tpu.memref_slice %arg5[%add3A_120, %dma_wait3A_129] : memref<4096x1024xf32, #tpu.memory_space<hbm>> -> memref<16x1024xf32, #tpu.memory_space<hbm>>
    %dma_wait3A_131 = arith.constant 0 : i32
    %dma_wait3A_132 = tpu.memref_slice %arg5[%add3A_120, %dma_wait3A_131] : memref<4096x1024xf32, #tpu.memory_space<hbm>> -> memref<16x1024xf32, #tpu.memory_space<hbm>>
    tpu.wait_dma2 semaphore(%arg21 : memref<!tpu.dma_semaphore, #tpu.memory_space<semaphore_mem>>) src(%arg13 : memref<16x1024xf32, #tpu.memory_space<vmem>>) dst(%dma_wait3A_132 : memref<16x1024xf32, #tpu.memory_space<hbm>>)
    %dma_wait3A_133 = arith.constant 0 : i32
    %dma_wait3A_134 = tpu.memref_slice %arg6[%add3A_120, %dma_wait3A_133] : memref<4096x1024xf32, #tpu.memory_space<hbm>> -> memref<16x1024xf32, #tpu.memory_space<hbm>>
    %dma_wait3A_135 = arith.constant 0 : i32
    %dma_wait3A_136 = tpu.memref_slice %arg6[%add3A_120, %dma_wait3A_135] : memref<4096x1024xf32, #tpu.memory_space<hbm>> -> memref<16x1024xf32, #tpu.memory_space<hbm>>
    tpu.wait_dma2 semaphore(%arg22 : memref<!tpu.dma_semaphore, #tpu.memory_space<semaphore_mem>>) src(%arg14 : memref<16x1024xf32, #tpu.memory_space<vmem>>) dst(%dma_wait3A_136 : memref<16x1024xf32, #tpu.memory_space<hbm>>)
    %add3A_137 = arith.constant 80 : i32
    %add3A_138 = arith.addi %mul3A_2, %add3A_137 : i32
    "tpu.region"() ({
      %run_scoped3A = tpu.sem_alloc : memref<!tpu.dma_semaphore, #tpu.memory_space<semaphore_mem>>
      %dma_start3A_257 = tpu.memref_slice %arg3[%add3A_138] : memref<4096xi32, #tpu.memory_space<hbm>> -> memref<16xi32, #tpu.memory_space<hbm>>
      %dma_start3A_258 = tpu.memref_slice %arg3[%add3A_138] : memref<4096xi32, #tpu.memory_space<hbm>> -> memref<16xi32, #tpu.memory_space<hbm>>
      tpu.enqueue_dma source(%dma_start3A_258 : memref<16xi32, #tpu.memory_space<hbm>>) target(%arg9 : memref<16xi32, #tpu.memory_space<vmem>>) target_semaphore(%run_scoped3A : memref<!tpu.dma_semaphore, #tpu.memory_space<semaphore_mem>>)
      %dma_wait3A_259 = tpu.memref_slice %arg3[%add3A_138] : memref<4096xi32, #tpu.memory_space<hbm>> -> memref<16xi32, #tpu.memory_space<hbm>>
      %dma_wait3A_260 = tpu.memref_slice %arg3[%add3A_138] : memref<4096xi32, #tpu.memory_space<hbm>> -> memref<16xi32, #tpu.memory_space<hbm>>
      tpu.wait_dma2 semaphore(%run_scoped3A : memref<!tpu.dma_semaphore, #tpu.memory_space<semaphore_mem>>) src(%dma_wait3A_260 : memref<16xi32, #tpu.memory_space<hbm>>) dst(%arg9 : memref<16xi32, #tpu.memory_space<vmem>>)
      tpu.yield
    }) : () -> ()
    "tpu.region"() ({
      %run_scoped3A = tpu.sem_alloc : memref<!tpu.dma_semaphore, #tpu.memory_space<semaphore_mem>>
      %dma_start3A_257 = tpu.memref_slice %arg4[%add3A_138] : memref<4096xi32, #tpu.memory_space<hbm>> -> memref<16xi32, #tpu.memory_space<hbm>>
      %dma_start3A_258 = tpu.memref_slice %arg4[%add3A_138] : memref<4096xi32, #tpu.memory_space<hbm>> -> memref<16xi32, #tpu.memory_space<hbm>>
      tpu.enqueue_dma source(%dma_start3A_258 : memref<16xi32, #tpu.memory_space<hbm>>) target(%arg10 : memref<16xi32, #tpu.memory_space<vmem>>) target_semaphore(%run_scoped3A : memref<!tpu.dma_semaphore, #tpu.memory_space<semaphore_mem>>)
      %dma_wait3A_259 = tpu.memref_slice %arg4[%add3A_138] : memref<4096xi32, #tpu.memory_space<hbm>> -> memref<16xi32, #tpu.memory_space<hbm>>
      %dma_wait3A_260 = tpu.memref_slice %arg4[%add3A_138] : memref<4096xi32, #tpu.memory_space<hbm>> -> memref<16xi32, #tpu.memory_space<hbm>>
      tpu.wait_dma2 semaphore(%run_scoped3A : memref<!tpu.dma_semaphore, #tpu.memory_space<semaphore_mem>>) src(%dma_wait3A_260 : memref<16xi32, #tpu.memory_space<hbm>>) dst(%arg10 : memref<16xi32, #tpu.memory_space<vmem>>)
      tpu.yield
    }) : () -> ()
    %dma_start3A_139 = arith.constant 0 : i32
    %dma_start3A_140 = arith.constant 0 : i32
    %dma_start3A_141 = tpu.memref_slice %arg2[%dma_start3A_139, %dma_start3A_140] : memref<12288x1024xf32, #tpu.memory_space<hbm>> -> memref<12288x1024xf32, #tpu.memory_space<hbm>>
    tpu.enqueue_indirect_dma source(%dma_start3A_141 : memref<12288x1024xf32, #tpu.memory_space<hbm>>) target(%arg13 : memref<16x1024xf32, #tpu.memory_space<vmem>>) offsets(%arg9 : memref<16xi32, #tpu.memory_space<vmem>>) semaphore(%arg17 : memref<!tpu.dma_semaphore, #tpu.memory_space<semaphore_mem>>)
    %dma_start3A_142 = arith.constant 0 : i32
    %dma_start3A_143 = arith.constant 0 : i32
    %dma_start3A_144 = tpu.memref_slice %arg2[%dma_start3A_142, %dma_start3A_143] : memref<12288x1024xf32, #tpu.memory_space<hbm>> -> memref<12288x1024xf32, #tpu.memory_space<hbm>>
    tpu.enqueue_indirect_dma source(%dma_start3A_144 : memref<12288x1024xf32, #tpu.memory_space<hbm>>) target(%arg14 : memref<16x1024xf32, #tpu.memory_space<vmem>>) offsets(%arg10 : memref<16xi32, #tpu.memory_space<vmem>>) semaphore(%arg18 : memref<!tpu.dma_semaphore, #tpu.memory_space<semaphore_mem>>)
    %dma_wait3A_145 = arith.constant 0 : i32
    %dma_wait3A_146 = arith.constant 0 : i32
    %dma_wait3A_147 = tpu.memref_slice %arg2[%dma_wait3A_145, %dma_wait3A_146] : memref<12288x1024xf32, #tpu.memory_space<hbm>> -> memref<12288x1024xf32, #tpu.memory_space<hbm>>
    tpu.wait_indirect_dma semaphore(%arg15 : memref<!tpu.dma_semaphore, #tpu.memory_space<semaphore_mem>>) src(%dma_wait3A_147 : memref<12288x1024xf32, #tpu.memory_space<hbm>>) dst(%arg11 : memref<16x1024xf32, #tpu.memory_space<vmem>>)
    %dma_wait3A_148 = arith.constant 0 : i32
    %dma_wait3A_149 = arith.constant 0 : i32
    %dma_wait3A_150 = tpu.memref_slice %arg2[%dma_wait3A_148, %dma_wait3A_149] : memref<12288x1024xf32, #tpu.memory_space<hbm>> -> memref<12288x1024xf32, #tpu.memory_space<hbm>>
    tpu.wait_indirect_dma semaphore(%arg16 : memref<!tpu.dma_semaphore, #tpu.memory_space<semaphore_mem>>) src(%dma_wait3A_150 : memref<12288x1024xf32, #tpu.memory_space<hbm>>) dst(%arg12 : memref<16x1024xf32, #tpu.memory_space<vmem>>)
    %add3A_151 = arith.constant 64 : i32
    %add3A_152 = arith.addi %mul3A_2, %add3A_151 : i32
    %dma_start3A_153 = arith.constant 0 : i32
    %dma_start3A_154 = tpu.memref_slice %arg5[%add3A_152, %dma_start3A_153] : memref<4096x1024xf32, #tpu.memory_space<hbm>> -> memref<16x1024xf32, #tpu.memory_space<hbm>>
    %dma_start3A_155 = arith.constant 0 : i32
    %dma_start3A_156 = tpu.memref_slice %arg5[%add3A_152, %dma_start3A_155] : memref<4096x1024xf32, #tpu.memory_space<hbm>> -> memref<16x1024xf32, #tpu.memory_space<hbm>>
    tpu.enqueue_dma source(%arg11 : memref<16x1024xf32, #tpu.memory_space<vmem>>) target(%dma_start3A_156 : memref<16x1024xf32, #tpu.memory_space<hbm>>) target_semaphore(%arg19 : memref<!tpu.dma_semaphore, #tpu.memory_space<semaphore_mem>>)
    %dma_start3A_157 = arith.constant 0 : i32
    %dma_start3A_158 = tpu.memref_slice %arg6[%add3A_152, %dma_start3A_157] : memref<4096x1024xf32, #tpu.memory_space<hbm>> -> memref<16x1024xf32, #tpu.memory_space<hbm>>
    %dma_start3A_159 = arith.constant 0 : i32
    %dma_start3A_160 = tpu.memref_slice %arg6[%add3A_152, %dma_start3A_159] : memref<4096x1024xf32, #tpu.memory_space<hbm>> -> memref<16x1024xf32, #tpu.memory_space<hbm>>
    tpu.enqueue_dma source(%arg12 : memref<16x1024xf32, #tpu.memory_space<vmem>>) target(%dma_start3A_160 : memref<16x1024xf32, #tpu.memory_space<hbm>>) target_semaphore(%arg20 : memref<!tpu.dma_semaphore, #tpu.memory_space<semaphore_mem>>)
    %dma_wait3A_161 = arith.constant 0 : i32
    %dma_wait3A_162 = tpu.memref_slice %arg5[%add3A_152, %dma_wait3A_161] : memref<4096x1024xf32, #tpu.memory_space<hbm>> -> memref<16x1024xf32, #tpu.memory_space<hbm>>
    %dma_wait3A_163 = arith.constant 0 : i32
    %dma_wait3A_164 = tpu.memref_slice %arg5[%add3A_152, %dma_wait3A_163] : memref<4096x1024xf32, #tpu.memory_space<hbm>> -> memref<16x1024xf32, #tpu.memory_space<hbm>>
    tpu.wait_dma2 semaphore(%arg19 : memref<!tpu.dma_semaphore, #tpu.memory_space<semaphore_mem>>) src(%arg11 : memref<16x1024xf32, #tpu.memory_space<vmem>>) dst(%dma_wait3A_164 : memref<16x1024xf32, #tpu.memory_space<hbm>>)
    %dma_wait3A_165 = arith.constant 0 : i32
    %dma_wait3A_166 = tpu.memref_slice %arg6[%add3A_152, %dma_wait3A_165] : memref<4096x1024xf32, #tpu.memory_space<hbm>> -> memref<16x1024xf32, #tpu.memory_space<hbm>>
    %dma_wait3A_167 = arith.constant 0 : i32
    %dma_wait3A_168 = tpu.memref_slice %arg6[%add3A_152, %dma_wait3A_167] : memref<4096x1024xf32, #tpu.memory_space<hbm>> -> memref<16x1024xf32, #tpu.memory_space<hbm>>
    tpu.wait_dma2 semaphore(%arg20 : memref<!tpu.dma_semaphore, #tpu.memory_space<semaphore_mem>>) src(%arg12 : memref<16x1024xf32, #tpu.memory_space<vmem>>) dst(%dma_wait3A_168 : memref<16x1024xf32, #tpu.memory_space<hbm>>)
    %add3A_169 = arith.constant 96 : i32
    %add3A_170 = arith.addi %mul3A_2, %add3A_169 : i32
    "tpu.region"() ({
      %run_scoped3A = tpu.sem_alloc : memref<!tpu.dma_semaphore, #tpu.memory_space<semaphore_mem>>
      %dma_start3A_257 = tpu.memref_slice %arg3[%add3A_170] : memref<4096xi32, #tpu.memory_space<hbm>> -> memref<16xi32, #tpu.memory_space<hbm>>
      %dma_start3A_258 = tpu.memref_slice %arg3[%add3A_170] : memref<4096xi32, #tpu.memory_space<hbm>> -> memref<16xi32, #tpu.memory_space<hbm>>
      tpu.enqueue_dma source(%dma_start3A_258 : memref<16xi32, #tpu.memory_space<hbm>>) target(%arg7 : memref<16xi32, #tpu.memory_space<vmem>>) target_semaphore(%run_scoped3A : memref<!tpu.dma_semaphore, #tpu.memory_space<semaphore_mem>>)
      %dma_wait3A_259 = tpu.memref_slice %arg3[%add3A_170] : memref<4096xi32, #tpu.memory_space<hbm>> -> memref<16xi32, #tpu.memory_space<hbm>>
      %dma_wait3A_260 = tpu.memref_slice %arg3[%add3A_170] : memref<4096xi32, #tpu.memory_space<hbm>> -> memref<16xi32, #tpu.memory_space<hbm>>
      tpu.wait_dma2 semaphore(%run_scoped3A : memref<!tpu.dma_semaphore, #tpu.memory_space<semaphore_mem>>) src(%dma_wait3A_260 : memref<16xi32, #tpu.memory_space<hbm>>) dst(%arg7 : memref<16xi32, #tpu.memory_space<vmem>>)
      tpu.yield
    }) : () -> ()
    "tpu.region"() ({
      %run_scoped3A = tpu.sem_alloc : memref<!tpu.dma_semaphore, #tpu.memory_space<semaphore_mem>>
      %dma_start3A_257 = tpu.memref_slice %arg4[%add3A_170] : memref<4096xi32, #tpu.memory_space<hbm>> -> memref<16xi32, #tpu.memory_space<hbm>>
      %dma_start3A_258 = tpu.memref_slice %arg4[%add3A_170] : memref<4096xi32, #tpu.memory_space<hbm>> -> memref<16xi32, #tpu.memory_space<hbm>>
      tpu.enqueue_dma source(%dma_start3A_258 : memref<16xi32, #tpu.memory_space<hbm>>) target(%arg8 : memref<16xi32, #tpu.memory_space<vmem>>) target_semaphore(%run_scoped3A : memref<!tpu.dma_semaphore, #tpu.memory_space<semaphore_mem>>)
      %dma_wait3A_259 = tpu.memref_slice %arg4[%add3A_170] : memref<4096xi32, #tpu.memory_space<hbm>> -> memref<16xi32, #tpu.memory_space<hbm>>
      %dma_wait3A_260 = tpu.memref_slice %arg4[%add3A_170] : memref<4096xi32, #tpu.memory_space<hbm>> -> memref<16xi32, #tpu.memory_space<hbm>>
      tpu.wait_dma2 semaphore(%run_scoped3A : memref<!tpu.dma_semaphore, #tpu.memory_space<semaphore_mem>>) src(%dma_wait3A_260 : memref<16xi32, #tpu.memory_space<hbm>>) dst(%arg8 : memref<16xi32, #tpu.memory_space<vmem>>)
      tpu.yield
    }) : () -> ()
    %dma_start3A_171 = arith.constant 0 : i32
    %dma_start3A_172 = arith.constant 0 : i32
    %dma_start3A_173 = tpu.memref_slice %arg2[%dma_start3A_171, %dma_start3A_172] : memref<12288x1024xf32, #tpu.memory_space<hbm>> -> memref<12288x1024xf32, #tpu.memory_space<hbm>>
    tpu.enqueue_indirect_dma source(%dma_start3A_173 : memref<12288x1024xf32, #tpu.memory_space<hbm>>) target(%arg11 : memref<16x1024xf32, #tpu.memory_space<vmem>>) offsets(%arg7 : memref<16xi32, #tpu.memory_space<vmem>>) semaphore(%arg15 : memref<!tpu.dma_semaphore, #tpu.memory_space<semaphore_mem>>)
    %dma_start3A_174 = arith.constant 0 : i32
    %dma_start3A_175 = arith.constant 0 : i32
    %dma_start3A_176 = tpu.memref_slice %arg2[%dma_start3A_174, %dma_start3A_175] : memref<12288x1024xf32, #tpu.memory_space<hbm>> -> memref<12288x1024xf32, #tpu.memory_space<hbm>>
    tpu.enqueue_indirect_dma source(%dma_start3A_176 : memref<12288x1024xf32, #tpu.memory_space<hbm>>) target(%arg12 : memref<16x1024xf32, #tpu.memory_space<vmem>>) offsets(%arg8 : memref<16xi32, #tpu.memory_space<vmem>>) semaphore(%arg16 : memref<!tpu.dma_semaphore, #tpu.memory_space<semaphore_mem>>)
    %dma_wait3A_177 = arith.constant 0 : i32
    %dma_wait3A_178 = arith.constant 0 : i32
    %dma_wait3A_179 = tpu.memref_slice %arg2[%dma_wait3A_177, %dma_wait3A_178] : memref<12288x1024xf32, #tpu.memory_space<hbm>> -> memref<12288x1024xf32, #tpu.memory_space<hbm>>
    tpu.wait_indirect_dma semaphore(%arg17 : memref<!tpu.dma_semaphore, #tpu.memory_space<semaphore_mem>>) src(%dma_wait3A_179 : memref<12288x1024xf32, #tpu.memory_space<hbm>>) dst(%arg13 : memref<16x1024xf32, #tpu.memory_space<vmem>>)
    %dma_wait3A_180 = arith.constant 0 : i32
    %dma_wait3A_181 = arith.constant 0 : i32
    %dma_wait3A_182 = tpu.memref_slice %arg2[%dma_wait3A_180, %dma_wait3A_181] : memref<12288x1024xf32, #tpu.memory_space<hbm>> -> memref<12288x1024xf32, #tpu.memory_space<hbm>>
    tpu.wait_indirect_dma semaphore(%arg18 : memref<!tpu.dma_semaphore, #tpu.memory_space<semaphore_mem>>) src(%dma_wait3A_182 : memref<12288x1024xf32, #tpu.memory_space<hbm>>) dst(%arg14 : memref<16x1024xf32, #tpu.memory_space<vmem>>)
    %add3A_183 = arith.constant 80 : i32
    %add3A_184 = arith.addi %mul3A_2, %add3A_183 : i32
    %dma_start3A_185 = arith.constant 0 : i32
    %dma_start3A_186 = tpu.memref_slice %arg5[%add3A_184, %dma_start3A_185] : memref<4096x1024xf32, #tpu.memory_space<hbm>> -> memref<16x1024xf32, #tpu.memory_space<hbm>>
    %dma_start3A_187 = arith.constant 0 : i32
    %dma_start3A_188 = tpu.memref_slice %arg5[%add3A_184, %dma_start3A_187] : memref<4096x1024xf32, #tpu.memory_space<hbm>> -> memref<16x1024xf32, #tpu.memory_space<hbm>>
    tpu.enqueue_dma source(%arg13 : memref<16x1024xf32, #tpu.memory_space<vmem>>) target(%dma_start3A_188 : memref<16x1024xf32, #tpu.memory_space<hbm>>) target_semaphore(%arg21 : memref<!tpu.dma_semaphore, #tpu.memory_space<semaphore_mem>>)
    %dma_start3A_189 = arith.constant 0 : i32
    %dma_start3A_190 = tpu.memref_slice %arg6[%add3A_184, %dma_start3A_189] : memref<4096x1024xf32, #tpu.memory_space<hbm>> -> memref<16x1024xf32, #tpu.memory_space<hbm>>
    %dma_start3A_191 = arith.constant 0 : i32
    %dma_start3A_192 = tpu.memref_slice %arg6[%add3A_184, %dma_start3A_191] : memref<4096x1024xf32, #tpu.memory_space<hbm>> -> memref<16x1024xf32, #tpu.memory_space<hbm>>
    tpu.enqueue_dma source(%arg14 : memref<16x1024xf32, #tpu.memory_space<vmem>>) target(%dma_start3A_192 : memref<16x1024xf32, #tpu.memory_space<hbm>>) target_semaphore(%arg22 : memref<!tpu.dma_semaphore, #tpu.memory_space<semaphore_mem>>)
    %dma_wait3A_193 = arith.constant 0 : i32
    %dma_wait3A_194 = tpu.memref_slice %arg5[%add3A_184, %dma_wait3A_193] : memref<4096x1024xf32, #tpu.memory_space<hbm>> -> memref<16x1024xf32, #tpu.memory_space<hbm>>
    %dma_wait3A_195 = arith.constant 0 : i32
    %dma_wait3A_196 = tpu.memref_slice %arg5[%add3A_184, %dma_wait3A_195] : memref<4096x1024xf32, #tpu.memory_space<hbm>> -> memref<16x1024xf32, #tpu.memory_space<hbm>>
    tpu.wait_dma2 semaphore(%arg21 : memref<!tpu.dma_semaphore, #tpu.memory_space<semaphore_mem>>) src(%arg13 : memref<16x1024xf32, #tpu.memory_space<vmem>>) dst(%dma_wait3A_196 : memref<16x1024xf32, #tpu.memory_space<hbm>>)
    %dma_wait3A_197 = arith.constant 0 : i32
    %dma_wait3A_198 = tpu.memref_slice %arg6[%add3A_184, %dma_wait3A_197] : memref<4096x1024xf32, #tpu.memory_space<hbm>> -> memref<16x1024xf32, #tpu.memory_space<hbm>>
    %dma_wait3A_199 = arith.constant 0 : i32
    %dma_wait3A_200 = tpu.memref_slice %arg6[%add3A_184, %dma_wait3A_199] : memref<4096x1024xf32, #tpu.memory_space<hbm>> -> memref<16x1024xf32, #tpu.memory_space<hbm>>
    tpu.wait_dma2 semaphore(%arg22 : memref<!tpu.dma_semaphore, #tpu.memory_space<semaphore_mem>>) src(%arg14 : memref<16x1024xf32, #tpu.memory_space<vmem>>) dst(%dma_wait3A_200 : memref<16x1024xf32, #tpu.memory_space<hbm>>)
    %add3A_201 = arith.constant 112 : i32
    %add3A_202 = arith.addi %mul3A_2, %add3A_201 : i32
    "tpu.region"() ({
      %run_scoped3A = tpu.sem_alloc : memref<!tpu.dma_semaphore, #tpu.memory_space<semaphore_mem>>
      %dma_start3A_257 = tpu.memref_slice %arg3[%add3A_202] : memref<4096xi32, #tpu.memory_space<hbm>> -> memref<16xi32, #tpu.memory_space<hbm>>
      %dma_start3A_258 = tpu.memref_slice %arg3[%add3A_202] : memref<4096xi32, #tpu.memory_space<hbm>> -> memref<16xi32, #tpu.memory_space<hbm>>
      tpu.enqueue_dma source(%dma_start3A_258 : memref<16xi32, #tpu.memory_space<hbm>>) target(%arg9 : memref<16xi32, #tpu.memory_space<vmem>>) target_semaphore(%run_scoped3A : memref<!tpu.dma_semaphore, #tpu.memory_space<semaphore_mem>>)
      %dma_wait3A_259 = tpu.memref_slice %arg3[%add3A_202] : memref<4096xi32, #tpu.memory_space<hbm>> -> memref<16xi32, #tpu.memory_space<hbm>>
      %dma_wait3A_260 = tpu.memref_slice %arg3[%add3A_202] : memref<4096xi32, #tpu.memory_space<hbm>> -> memref<16xi32, #tpu.memory_space<hbm>>
      tpu.wait_dma2 semaphore(%run_scoped3A : memref<!tpu.dma_semaphore, #tpu.memory_space<semaphore_mem>>) src(%dma_wait3A_260 : memref<16xi32, #tpu.memory_space<hbm>>) dst(%arg9 : memref<16xi32, #tpu.memory_space<vmem>>)
      tpu.yield
    }) : () -> ()
    "tpu.region"() ({
      %run_scoped3A = tpu.sem_alloc : memref<!tpu.dma_semaphore, #tpu.memory_space<semaphore_mem>>
      %dma_start3A_257 = tpu.memref_slice %arg4[%add3A_202] : memref<4096xi32, #tpu.memory_space<hbm>> -> memref<16xi32, #tpu.memory_space<hbm>>
      %dma_start3A_258 = tpu.memref_slice %arg4[%add3A_202] : memref<4096xi32, #tpu.memory_space<hbm>> -> memref<16xi32, #tpu.memory_space<hbm>>
      tpu.enqueue_dma source(%dma_start3A_258 : memref<16xi32, #tpu.memory_space<hbm>>) target(%arg10 : memref<16xi32, #tpu.memory_space<vmem>>) target_semaphore(%run_scoped3A : memref<!tpu.dma_semaphore, #tpu.memory_space<semaphore_mem>>)
      %dma_wait3A_259 = tpu.memref_slice %arg4[%add3A_202] : memref<4096xi32, #tpu.memory_space<hbm>> -> memref<16xi32, #tpu.memory_space<hbm>>
      %dma_wait3A_260 = tpu.memref_slice %arg4[%add3A_202] : memref<4096xi32, #tpu.memory_space<hbm>> -> memref<16xi32, #tpu.memory_space<hbm>>
      tpu.wait_dma2 semaphore(%run_scoped3A : memref<!tpu.dma_semaphore, #tpu.memory_space<semaphore_mem>>) src(%dma_wait3A_260 : memref<16xi32, #tpu.memory_space<hbm>>) dst(%arg10 : memref<16xi32, #tpu.memory_space<vmem>>)
      tpu.yield
    }) : () -> ()
    %dma_start3A_203 = arith.constant 0 : i32
    %dma_start3A_204 = arith.constant 0 : i32
    %dma_start3A_205 = tpu.memref_slice %arg2[%dma_start3A_203, %dma_start3A_204] : memref<12288x1024xf32, #tpu.memory_space<hbm>> -> memref<12288x1024xf32, #tpu.memory_space<hbm>>
    tpu.enqueue_indirect_dma source(%dma_start3A_205 : memref<12288x1024xf32, #tpu.memory_space<hbm>>) target(%arg13 : memref<16x1024xf32, #tpu.memory_space<vmem>>) offsets(%arg9 : memref<16xi32, #tpu.memory_space<vmem>>) semaphore(%arg17 : memref<!tpu.dma_semaphore, #tpu.memory_space<semaphore_mem>>)
    %dma_start3A_206 = arith.constant 0 : i32
    %dma_start3A_207 = arith.constant 0 : i32
    %dma_start3A_208 = tpu.memref_slice %arg2[%dma_start3A_206, %dma_start3A_207] : memref<12288x1024xf32, #tpu.memory_space<hbm>> -> memref<12288x1024xf32, #tpu.memory_space<hbm>>
    tpu.enqueue_indirect_dma source(%dma_start3A_208 : memref<12288x1024xf32, #tpu.memory_space<hbm>>) target(%arg14 : memref<16x1024xf32, #tpu.memory_space<vmem>>) offsets(%arg10 : memref<16xi32, #tpu.memory_space<vmem>>) semaphore(%arg18 : memref<!tpu.dma_semaphore, #tpu.memory_space<semaphore_mem>>)
    %dma_wait3A_209 = arith.constant 0 : i32
    %dma_wait3A_210 = arith.constant 0 : i32
    %dma_wait3A_211 = tpu.memref_slice %arg2[%dma_wait3A_209, %dma_wait3A_210] : memref<12288x1024xf32, #tpu.memory_space<hbm>> -> memref<12288x1024xf32, #tpu.memory_space<hbm>>
    tpu.wait_indirect_dma semaphore(%arg15 : memref<!tpu.dma_semaphore, #tpu.memory_space<semaphore_mem>>) src(%dma_wait3A_211 : memref<12288x1024xf32, #tpu.memory_space<hbm>>) dst(%arg11 : memref<16x1024xf32, #tpu.memory_space<vmem>>)
    %dma_wait3A_212 = arith.constant 0 : i32
    %dma_wait3A_213 = arith.constant 0 : i32
    %dma_wait3A_214 = tpu.memref_slice %arg2[%dma_wait3A_212, %dma_wait3A_213] : memref<12288x1024xf32, #tpu.memory_space<hbm>> -> memref<12288x1024xf32, #tpu.memory_space<hbm>>
    tpu.wait_indirect_dma semaphore(%arg16 : memref<!tpu.dma_semaphore, #tpu.memory_space<semaphore_mem>>) src(%dma_wait3A_214 : memref<12288x1024xf32, #tpu.memory_space<hbm>>) dst(%arg12 : memref<16x1024xf32, #tpu.memory_space<vmem>>)
    %add3A_215 = arith.constant 96 : i32
    %add3A_216 = arith.addi %mul3A_2, %add3A_215 : i32
    %dma_start3A_217 = arith.constant 0 : i32
    %dma_start3A_218 = tpu.memref_slice %arg5[%add3A_216, %dma_start3A_217] : memref<4096x1024xf32, #tpu.memory_space<hbm>> -> memref<16x1024xf32, #tpu.memory_space<hbm>>
    %dma_start3A_219 = arith.constant 0 : i32
    %dma_start3A_220 = tpu.memref_slice %arg5[%add3A_216, %dma_start3A_219] : memref<4096x1024xf32, #tpu.memory_space<hbm>> -> memref<16x1024xf32, #tpu.memory_space<hbm>>
    tpu.enqueue_dma source(%arg11 : memref<16x1024xf32, #tpu.memory_space<vmem>>) target(%dma_start3A_220 : memref<16x1024xf32, #tpu.memory_space<hbm>>) target_semaphore(%arg19 : memref<!tpu.dma_semaphore, #tpu.memory_space<semaphore_mem>>)
    %dma_start3A_221 = arith.constant 0 : i32
    %dma_start3A_222 = tpu.memref_slice %arg6[%add3A_216, %dma_start3A_221] : memref<4096x1024xf32, #tpu.memory_space<hbm>> -> memref<16x1024xf32, #tpu.memory_space<hbm>>
    %dma_start3A_223 = arith.constant 0 : i32
    %dma_start3A_224 = tpu.memref_slice %arg6[%add3A_216, %dma_start3A_223] : memref<4096x1024xf32, #tpu.memory_space<hbm>> -> memref<16x1024xf32, #tpu.memory_space<hbm>>
    tpu.enqueue_dma source(%arg12 : memref<16x1024xf32, #tpu.memory_space<vmem>>) target(%dma_start3A_224 : memref<16x1024xf32, #tpu.memory_space<hbm>>) target_semaphore(%arg20 : memref<!tpu.dma_semaphore, #tpu.memory_space<semaphore_mem>>)
    %dma_wait3A_225 = arith.constant 0 : i32
    %dma_wait3A_226 = arith.constant 0 : i32
    %dma_wait3A_227 = tpu.memref_slice %arg2[%dma_wait3A_225, %dma_wait3A_226] : memref<12288x1024xf32, #tpu.memory_space<hbm>> -> memref<12288x1024xf32, #tpu.memory_space<hbm>>
    tpu.wait_indirect_dma semaphore(%arg17 : memref<!tpu.dma_semaphore, #tpu.memory_space<semaphore_mem>>) src(%dma_wait3A_227 : memref<12288x1024xf32, #tpu.memory_space<hbm>>) dst(%arg13 : memref<16x1024xf32, #tpu.memory_space<vmem>>)
    %dma_wait3A_228 = arith.constant 0 : i32
    %dma_wait3A_229 = arith.constant 0 : i32
    %dma_wait3A_230 = tpu.memref_slice %arg2[%dma_wait3A_228, %dma_wait3A_229] : memref<12288x1024xf32, #tpu.memory_space<hbm>> -> memref<12288x1024xf32, #tpu.memory_space<hbm>>
    tpu.wait_indirect_dma semaphore(%arg18 : memref<!tpu.dma_semaphore, #tpu.memory_space<semaphore_mem>>) src(%dma_wait3A_230 : memref<12288x1024xf32, #tpu.memory_space<hbm>>) dst(%arg14 : memref<16x1024xf32, #tpu.memory_space<vmem>>)
    %add3A_231 = arith.constant 112 : i32
    %add3A_232 = arith.addi %mul3A_2, %add3A_231 : i32
    %dma_start3A_233 = arith.constant 0 : i32
    %dma_start3A_234 = tpu.memref_slice %arg5[%add3A_232, %dma_start3A_233] : memref<4096x1024xf32, #tpu.memory_space<hbm>> -> memref<16x1024xf32, #tpu.memory_space<hbm>>
    %dma_start3A_235 = arith.constant 0 : i32
    %dma_start3A_236 = tpu.memref_slice %arg5[%add3A_232, %dma_start3A_235] : memref<4096x1024xf32, #tpu.memory_space<hbm>> -> memref<16x1024xf32, #tpu.memory_space<hbm>>
    tpu.enqueue_dma source(%arg13 : memref<16x1024xf32, #tpu.memory_space<vmem>>) target(%dma_start3A_236 : memref<16x1024xf32, #tpu.memory_space<hbm>>) target_semaphore(%arg21 : memref<!tpu.dma_semaphore, #tpu.memory_space<semaphore_mem>>)
    %dma_start3A_237 = arith.constant 0 : i32
    %dma_start3A_238 = tpu.memref_slice %arg6[%add3A_232, %dma_start3A_237] : memref<4096x1024xf32, #tpu.memory_space<hbm>> -> memref<16x1024xf32, #tpu.memory_space<hbm>>
    %dma_start3A_239 = arith.constant 0 : i32
    %dma_start3A_240 = tpu.memref_slice %arg6[%add3A_232, %dma_start3A_239] : memref<4096x1024xf32, #tpu.memory_space<hbm>> -> memref<16x1024xf32, #tpu.memory_space<hbm>>
    tpu.enqueue_dma source(%arg14 : memref<16x1024xf32, #tpu.memory_space<vmem>>) target(%dma_start3A_240 : memref<16x1024xf32, #tpu.memory_space<hbm>>) target_semaphore(%arg22 : memref<!tpu.dma_semaphore, #tpu.memory_space<semaphore_mem>>)
    %dma_wait3A_241 = arith.constant 0 : i32
    %dma_wait3A_242 = tpu.memref_slice %arg5[%add3A_216, %dma_wait3A_241] : memref<4096x1024xf32, #tpu.memory_space<hbm>> -> memref<16x1024xf32, #tpu.memory_space<hbm>>
    %dma_wait3A_243 = arith.constant 0 : i32
    %dma_wait3A_244 = tpu.memref_slice %arg5[%add3A_216, %dma_wait3A_243] : memref<4096x1024xf32, #tpu.memory_space<hbm>> -> memref<16x1024xf32, #tpu.memory_space<hbm>>
    tpu.wait_dma2 semaphore(%arg19 : memref<!tpu.dma_semaphore, #tpu.memory_space<semaphore_mem>>) src(%arg11 : memref<16x1024xf32, #tpu.memory_space<vmem>>) dst(%dma_wait3A_244 : memref<16x1024xf32, #tpu.memory_space<hbm>>)
    %dma_wait3A_245 = arith.constant 0 : i32
    %dma_wait3A_246 = tpu.memref_slice %arg6[%add3A_216, %dma_wait3A_245] : memref<4096x1024xf32, #tpu.memory_space<hbm>> -> memref<16x1024xf32, #tpu.memory_space<hbm>>
    %dma_wait3A_247 = arith.constant 0 : i32
    %dma_wait3A_248 = tpu.memref_slice %arg6[%add3A_216, %dma_wait3A_247] : memref<4096x1024xf32, #tpu.memory_space<hbm>> -> memref<16x1024xf32, #tpu.memory_space<hbm>>
    tpu.wait_dma2 semaphore(%arg20 : memref<!tpu.dma_semaphore, #tpu.memory_space<semaphore_mem>>) src(%arg12 : memref<16x1024xf32, #tpu.memory_space<vmem>>) dst(%dma_wait3A_248 : memref<16x1024xf32, #tpu.memory_space<hbm>>)
    %dma_wait3A_249 = arith.constant 0 : i32
    %dma_wait3A_250 = tpu.memref_slice %arg5[%add3A_232, %dma_wait3A_249] : memref<4096x1024xf32, #tpu.memory_space<hbm>> -> memref<16x1024xf32, #tpu.memory_space<hbm>>
    %dma_wait3A_251 = arith.constant 0 : i32
    %dma_wait3A_252 = tpu.memref_slice %arg5[%add3A_232, %dma_wait3A_251] : memref<4096x1024xf32, #tpu.memory_space<hbm>> -> memref<16x1024xf32, #tpu.memory_space<hbm>>
    tpu.wait_dma2 semaphore(%arg21 : memref<!tpu.dma_semaphore, #tpu.memory_space<semaphore_mem>>) src(%arg13 : memref<16x1024xf32, #tpu.memory_space<vmem>>) dst(%dma_wait3A_252 : memref<16x1024xf32, #tpu.memory_space<hbm>>)
    %dma_wait3A_253 = arith.constant 0 : i32
    %dma_wait3A_254 = tpu.memref_slice %arg6[%add3A_232, %dma_wait3A_253] : memref<4096x1024xf32, #tpu.memory_space<hbm>> -> memref<16x1024xf32, #tpu.memory_space<hbm>>
    %dma_wait3A_255 = arith.constant 0 : i32
    %dma_wait3A_256 = tpu.memref_slice %arg6[%add3A_232, %dma_wait3A_255] : memref<4096x1024xf32, #tpu.memory_space<hbm>> -> memref<16x1024xf32, #tpu.memory_space<hbm>>
    tpu.wait_dma2 semaphore(%arg22 : memref<!tpu.dma_semaphore, #tpu.memory_space<semaphore_mem>>) src(%arg14 : memref<16x1024xf32, #tpu.memory_space<vmem>>) dst(%dma_wait3A_256 : memref<16x1024xf32, #tpu.memory_space<hbm>>)
    return
  }
}

#map = affine_map<(d0, d1) -> (0, 0)>
#map1 = affine_map<(d0, d1) -> (0)>
module attributes {stable_mosaic.version = 14 : i64} {
  func.func @_dispatch_scatter(%arg0: i32, %arg1: i32, %arg2: memref<4096x1024xf32, #tpu.memory_space<hbm>>, %arg3: memref<4096xi32, #tpu.memory_space<hbm>>, %arg4: memref<4096xi32, #tpu.memory_space<hbm>>, %arg5: memref<12288x1024xf32, #tpu.memory_space<hbm>>, %arg6: memref<32xi32, #tpu.memory_space<vmem>>, %arg7: memref<32xi32, #tpu.memory_space<vmem>>, %arg8: memref<32xi32, #tpu.memory_space<vmem>>, %arg9: memref<32xi32, #tpu.memory_space<vmem>>, %arg10: memref<32x1024xf32, #tpu.memory_space<vmem>>, %arg11: memref<32x1024xf32, #tpu.memory_space<vmem>>, %arg12: memref<!tpu.dma_semaphore, #tpu.memory_space<semaphore_mem>>, %arg13: memref<!tpu.dma_semaphore, #tpu.memory_space<semaphore_mem>>, %arg14: memref<!tpu.dma_semaphore, #tpu.memory_space<semaphore_mem>>, %arg15: memref<!tpu.dma_semaphore, #tpu.memory_space<semaphore_mem>>) attributes {dimension_semantics = [#tpu.dimension_semantics<core_parallel>, #tpu.dimension_semantics<subcore_parallel>], iteration_bounds = array<i64: 2, 16>, scalar_prefetch = 0 : i64, scratch_operands = 10 : i64, tpu.core_type = #tpu.core_type<sc_vector_subcore>, window_params = [{transform_indices = #map}, {transform_indices = #map1}, {transform_indices = #map1}, {transform_indices = #map}]} {
    %mul3A = arith.constant 2 : i32
    %mul3A_0 = arith.muli %arg1, %mul3A : i32
    %add3A = arith.addi %mul3A_0, %arg0 : i32
    %mul3A_1 = arith.constant 128 : i32
    %mul3A_2 = arith.muli %add3A, %mul3A_1 : i32
    %add3A_3 = arith.constant 0 : i32
    %add3A_4 = arith.addi %mul3A_2, %add3A_3 : i32
    "tpu.region"() ({
      %run_scoped3A = tpu.sem_alloc : memref<!tpu.dma_semaphore, #tpu.memory_space<semaphore_mem>>
      %dma_start3A_57 = arith.constant 0 : i32
      %dma_start3A_58 = tpu.memref_slice %arg2[%add3A_4, %dma_start3A_57] : memref<4096x1024xf32, #tpu.memory_space<hbm>> -> memref<32x1024xf32, #tpu.memory_space<hbm>>
      %dma_start3A_59 = arith.constant 0 : i32
      %dma_start3A_60 = tpu.memref_slice %arg2[%add3A_4, %dma_start3A_59] : memref<4096x1024xf32, #tpu.memory_space<hbm>> -> memref<32x1024xf32, #tpu.memory_space<hbm>>
      tpu.enqueue_dma source(%dma_start3A_60 : memref<32x1024xf32, #tpu.memory_space<hbm>>) target(%arg10 : memref<32x1024xf32, #tpu.memory_space<vmem>>) target_semaphore(%run_scoped3A : memref<!tpu.dma_semaphore, #tpu.memory_space<semaphore_mem>>)
      %dma_wait3A_61 = arith.constant 0 : i32
      %dma_wait3A_62 = tpu.memref_slice %arg2[%add3A_4, %dma_wait3A_61] : memref<4096x1024xf32, #tpu.memory_space<hbm>> -> memref<32x1024xf32, #tpu.memory_space<hbm>>
      %dma_wait3A_63 = arith.constant 0 : i32
      %dma_wait3A_64 = tpu.memref_slice %arg2[%add3A_4, %dma_wait3A_63] : memref<4096x1024xf32, #tpu.memory_space<hbm>> -> memref<32x1024xf32, #tpu.memory_space<hbm>>
      tpu.wait_dma2 semaphore(%run_scoped3A : memref<!tpu.dma_semaphore, #tpu.memory_space<semaphore_mem>>) src(%dma_wait3A_64 : memref<32x1024xf32, #tpu.memory_space<hbm>>) dst(%arg10 : memref<32x1024xf32, #tpu.memory_space<vmem>>)
      tpu.yield
    }) : () -> ()
    "tpu.region"() ({
      %run_scoped3A = tpu.sem_alloc : memref<!tpu.dma_semaphore, #tpu.memory_space<semaphore_mem>>
      %dma_start3A_57 = tpu.memref_slice %arg3[%add3A_4] : memref<4096xi32, #tpu.memory_space<hbm>> -> memref<32xi32, #tpu.memory_space<hbm>>
      %dma_start3A_58 = tpu.memref_slice %arg3[%add3A_4] : memref<4096xi32, #tpu.memory_space<hbm>> -> memref<32xi32, #tpu.memory_space<hbm>>
      tpu.enqueue_dma source(%dma_start3A_58 : memref<32xi32, #tpu.memory_space<hbm>>) target(%arg6 : memref<32xi32, #tpu.memory_space<vmem>>) target_semaphore(%run_scoped3A : memref<!tpu.dma_semaphore, #tpu.memory_space<semaphore_mem>>)
      %dma_wait3A_59 = tpu.memref_slice %arg3[%add3A_4] : memref<4096xi32, #tpu.memory_space<hbm>> -> memref<32xi32, #tpu.memory_space<hbm>>
      %dma_wait3A_60 = tpu.memref_slice %arg3[%add3A_4] : memref<4096xi32, #tpu.memory_space<hbm>> -> memref<32xi32, #tpu.memory_space<hbm>>
      tpu.wait_dma2 semaphore(%run_scoped3A : memref<!tpu.dma_semaphore, #tpu.memory_space<semaphore_mem>>) src(%dma_wait3A_60 : memref<32xi32, #tpu.memory_space<hbm>>) dst(%arg6 : memref<32xi32, #tpu.memory_space<vmem>>)
      tpu.yield
    }) : () -> ()
    "tpu.region"() ({
      %run_scoped3A = tpu.sem_alloc : memref<!tpu.dma_semaphore, #tpu.memory_space<semaphore_mem>>
      %dma_start3A_57 = tpu.memref_slice %arg4[%add3A_4] : memref<4096xi32, #tpu.memory_space<hbm>> -> memref<32xi32, #tpu.memory_space<hbm>>
      %dma_start3A_58 = tpu.memref_slice %arg4[%add3A_4] : memref<4096xi32, #tpu.memory_space<hbm>> -> memref<32xi32, #tpu.memory_space<hbm>>
      tpu.enqueue_dma source(%dma_start3A_58 : memref<32xi32, #tpu.memory_space<hbm>>) target(%arg7 : memref<32xi32, #tpu.memory_space<vmem>>) target_semaphore(%run_scoped3A : memref<!tpu.dma_semaphore, #tpu.memory_space<semaphore_mem>>)
      %dma_wait3A_59 = tpu.memref_slice %arg4[%add3A_4] : memref<4096xi32, #tpu.memory_space<hbm>> -> memref<32xi32, #tpu.memory_space<hbm>>
      %dma_wait3A_60 = tpu.memref_slice %arg4[%add3A_4] : memref<4096xi32, #tpu.memory_space<hbm>> -> memref<32xi32, #tpu.memory_space<hbm>>
      tpu.wait_dma2 semaphore(%run_scoped3A : memref<!tpu.dma_semaphore, #tpu.memory_space<semaphore_mem>>) src(%dma_wait3A_60 : memref<32xi32, #tpu.memory_space<hbm>>) dst(%arg7 : memref<32xi32, #tpu.memory_space<vmem>>)
      tpu.yield
    }) : () -> ()
    %dma_start3A = arith.constant 0 : i32
    %dma_start3A_5 = arith.constant 0 : i32
    %dma_start3A_6 = tpu.memref_slice %arg5[%dma_start3A, %dma_start3A_5] : memref<12288x1024xf32, #tpu.memory_space<hbm>> -> memref<12288x1024xf32, #tpu.memory_space<hbm>>
    tpu.enqueue_indirect_dma source(%arg10 : memref<32x1024xf32, #tpu.memory_space<vmem>>) target(%dma_start3A_6 : memref<12288x1024xf32, #tpu.memory_space<hbm>>) offsets(%arg6 : memref<32xi32, #tpu.memory_space<vmem>>) semaphore(%arg12 : memref<!tpu.dma_semaphore, #tpu.memory_space<semaphore_mem>>)
    %dma_start3A_7 = arith.constant 0 : i32
    %dma_start3A_8 = arith.constant 0 : i32
    %dma_start3A_9 = tpu.memref_slice %arg5[%dma_start3A_7, %dma_start3A_8] : memref<12288x1024xf32, #tpu.memory_space<hbm>> -> memref<12288x1024xf32, #tpu.memory_space<hbm>>
    tpu.enqueue_indirect_dma source(%arg10 : memref<32x1024xf32, #tpu.memory_space<vmem>>) target(%dma_start3A_9 : memref<12288x1024xf32, #tpu.memory_space<hbm>>) offsets(%arg7 : memref<32xi32, #tpu.memory_space<vmem>>) semaphore(%arg13 : memref<!tpu.dma_semaphore, #tpu.memory_space<semaphore_mem>>)
    %add3A_10 = arith.constant 32 : i32
    %add3A_11 = arith.addi %mul3A_2, %add3A_10 : i32
    "tpu.region"() ({
      %run_scoped3A = tpu.sem_alloc : memref<!tpu.dma_semaphore, #tpu.memory_space<semaphore_mem>>
      %dma_start3A_57 = arith.constant 0 : i32
      %dma_start3A_58 = tpu.memref_slice %arg2[%add3A_11, %dma_start3A_57] : memref<4096x1024xf32, #tpu.memory_space<hbm>> -> memref<32x1024xf32, #tpu.memory_space<hbm>>
      %dma_start3A_59 = arith.constant 0 : i32
      %dma_start3A_60 = tpu.memref_slice %arg2[%add3A_11, %dma_start3A_59] : memref<4096x1024xf32, #tpu.memory_space<hbm>> -> memref<32x1024xf32, #tpu.memory_space<hbm>>
      tpu.enqueue_dma source(%dma_start3A_60 : memref<32x1024xf32, #tpu.memory_space<hbm>>) target(%arg11 : memref<32x1024xf32, #tpu.memory_space<vmem>>) target_semaphore(%run_scoped3A : memref<!tpu.dma_semaphore, #tpu.memory_space<semaphore_mem>>)
      %dma_wait3A_61 = arith.constant 0 : i32
      %dma_wait3A_62 = tpu.memref_slice %arg2[%add3A_11, %dma_wait3A_61] : memref<4096x1024xf32, #tpu.memory_space<hbm>> -> memref<32x1024xf32, #tpu.memory_space<hbm>>
      %dma_wait3A_63 = arith.constant 0 : i32
      %dma_wait3A_64 = tpu.memref_slice %arg2[%add3A_11, %dma_wait3A_63] : memref<4096x1024xf32, #tpu.memory_space<hbm>> -> memref<32x1024xf32, #tpu.memory_space<hbm>>
      tpu.wait_dma2 semaphore(%run_scoped3A : memref<!tpu.dma_semaphore, #tpu.memory_space<semaphore_mem>>) src(%dma_wait3A_64 : memref<32x1024xf32, #tpu.memory_space<hbm>>) dst(%arg11 : memref<32x1024xf32, #tpu.memory_space<vmem>>)
      tpu.yield
    }) : () -> ()
    "tpu.region"() ({
      %run_scoped3A = tpu.sem_alloc : memref<!tpu.dma_semaphore, #tpu.memory_space<semaphore_mem>>
      %dma_start3A_57 = tpu.memref_slice %arg3[%add3A_11] : memref<4096xi32, #tpu.memory_space<hbm>> -> memref<32xi32, #tpu.memory_space<hbm>>
      %dma_start3A_58 = tpu.memref_slice %arg3[%add3A_11] : memref<4096xi32, #tpu.memory_space<hbm>> -> memref<32xi32, #tpu.memory_space<hbm>>
      tpu.enqueue_dma source(%dma_start3A_58 : memref<32xi32, #tpu.memory_space<hbm>>) target(%arg8 : memref<32xi32, #tpu.memory_space<vmem>>) target_semaphore(%run_scoped3A : memref<!tpu.dma_semaphore, #tpu.memory_space<semaphore_mem>>)
      %dma_wait3A_59 = tpu.memref_slice %arg3[%add3A_11] : memref<4096xi32, #tpu.memory_space<hbm>> -> memref<32xi32, #tpu.memory_space<hbm>>
      %dma_wait3A_60 = tpu.memref_slice %arg3[%add3A_11] : memref<4096xi32, #tpu.memory_space<hbm>> -> memref<32xi32, #tpu.memory_space<hbm>>
      tpu.wait_dma2 semaphore(%run_scoped3A : memref<!tpu.dma_semaphore, #tpu.memory_space<semaphore_mem>>) src(%dma_wait3A_60 : memref<32xi32, #tpu.memory_space<hbm>>) dst(%arg8 : memref<32xi32, #tpu.memory_space<vmem>>)
      tpu.yield
    }) : () -> ()
    "tpu.region"() ({
      %run_scoped3A = tpu.sem_alloc : memref<!tpu.dma_semaphore, #tpu.memory_space<semaphore_mem>>
      %dma_start3A_57 = tpu.memref_slice %arg4[%add3A_11] : memref<4096xi32, #tpu.memory_space<hbm>> -> memref<32xi32, #tpu.memory_space<hbm>>
      %dma_start3A_58 = tpu.memref_slice %arg4[%add3A_11] : memref<4096xi32, #tpu.memory_space<hbm>> -> memref<32xi32, #tpu.memory_space<hbm>>
      tpu.enqueue_dma source(%dma_start3A_58 : memref<32xi32, #tpu.memory_space<hbm>>) target(%arg9 : memref<32xi32, #tpu.memory_space<vmem>>) target_semaphore(%run_scoped3A : memref<!tpu.dma_semaphore, #tpu.memory_space<semaphore_mem>>)
      %dma_wait3A_59 = tpu.memref_slice %arg4[%add3A_11] : memref<4096xi32, #tpu.memory_space<hbm>> -> memref<32xi32, #tpu.memory_space<hbm>>
      %dma_wait3A_60 = tpu.memref_slice %arg4[%add3A_11] : memref<4096xi32, #tpu.memory_space<hbm>> -> memref<32xi32, #tpu.memory_space<hbm>>
      tpu.wait_dma2 semaphore(%run_scoped3A : memref<!tpu.dma_semaphore, #tpu.memory_space<semaphore_mem>>) src(%dma_wait3A_60 : memref<32xi32, #tpu.memory_space<hbm>>) dst(%arg9 : memref<32xi32, #tpu.memory_space<vmem>>)
      tpu.yield
    }) : () -> ()
    %dma_start3A_12 = arith.constant 0 : i32
    %dma_start3A_13 = arith.constant 0 : i32
    %dma_start3A_14 = tpu.memref_slice %arg5[%dma_start3A_12, %dma_start3A_13] : memref<12288x1024xf32, #tpu.memory_space<hbm>> -> memref<12288x1024xf32, #tpu.memory_space<hbm>>
    tpu.enqueue_indirect_dma source(%arg11 : memref<32x1024xf32, #tpu.memory_space<vmem>>) target(%dma_start3A_14 : memref<12288x1024xf32, #tpu.memory_space<hbm>>) offsets(%arg8 : memref<32xi32, #tpu.memory_space<vmem>>) semaphore(%arg14 : memref<!tpu.dma_semaphore, #tpu.memory_space<semaphore_mem>>)
    %dma_start3A_15 = arith.constant 0 : i32
    %dma_start3A_16 = arith.constant 0 : i32
    %dma_start3A_17 = tpu.memref_slice %arg5[%dma_start3A_15, %dma_start3A_16] : memref<12288x1024xf32, #tpu.memory_space<hbm>> -> memref<12288x1024xf32, #tpu.memory_space<hbm>>
    tpu.enqueue_indirect_dma source(%arg11 : memref<32x1024xf32, #tpu.memory_space<vmem>>) target(%dma_start3A_17 : memref<12288x1024xf32, #tpu.memory_space<hbm>>) offsets(%arg9 : memref<32xi32, #tpu.memory_space<vmem>>) semaphore(%arg15 : memref<!tpu.dma_semaphore, #tpu.memory_space<semaphore_mem>>)
    %dma_wait3A = arith.constant 0 : i32
    %dma_wait3A_18 = arith.constant 0 : i32
    %dma_wait3A_19 = tpu.memref_slice %arg5[%dma_wait3A, %dma_wait3A_18] : memref<12288x1024xf32, #tpu.memory_space<hbm>> -> memref<12288x1024xf32, #tpu.memory_space<hbm>>
    tpu.wait_indirect_dma semaphore(%arg12 : memref<!tpu.dma_semaphore, #tpu.memory_space<semaphore_mem>>) src(%arg10 : memref<32x1024xf32, #tpu.memory_space<vmem>>) dst(%dma_wait3A_19 : memref<12288x1024xf32, #tpu.memory_space<hbm>>)
    %dma_wait3A_20 = arith.constant 0 : i32
    %dma_wait3A_21 = arith.constant 0 : i32
    %dma_wait3A_22 = tpu.memref_slice %arg5[%dma_wait3A_20, %dma_wait3A_21] : memref<12288x1024xf32, #tpu.memory_space<hbm>> -> memref<12288x1024xf32, #tpu.memory_space<hbm>>
    tpu.wait_indirect_dma semaphore(%arg13 : memref<!tpu.dma_semaphore, #tpu.memory_space<semaphore_mem>>) src(%arg10 : memref<32x1024xf32, #tpu.memory_space<vmem>>) dst(%dma_wait3A_22 : memref<12288x1024xf32, #tpu.memory_space<hbm>>)
    %add3A_23 = arith.constant 64 : i32
    %add3A_24 = arith.addi %mul3A_2, %add3A_23 : i32
    "tpu.region"() ({
      %run_scoped3A = tpu.sem_alloc : memref<!tpu.dma_semaphore, #tpu.memory_space<semaphore_mem>>
      %dma_start3A_57 = arith.constant 0 : i32
      %dma_start3A_58 = tpu.memref_slice %arg2[%add3A_24, %dma_start3A_57] : memref<4096x1024xf32, #tpu.memory_space<hbm>> -> memref<32x1024xf32, #tpu.memory_space<hbm>>
      %dma_start3A_59 = arith.constant 0 : i32
      %dma_start3A_60 = tpu.memref_slice %arg2[%add3A_24, %dma_start3A_59] : memref<4096x1024xf32, #tpu.memory_space<hbm>> -> memref<32x1024xf32, #tpu.memory_space<hbm>>
      tpu.enqueue_dma source(%dma_start3A_60 : memref<32x1024xf32, #tpu.memory_space<hbm>>) target(%arg10 : memref<32x1024xf32, #tpu.memory_space<vmem>>) target_semaphore(%run_scoped3A : memref<!tpu.dma_semaphore, #tpu.memory_space<semaphore_mem>>)
      %dma_wait3A_61 = arith.constant 0 : i32
      %dma_wait3A_62 = tpu.memref_slice %arg2[%add3A_24, %dma_wait3A_61] : memref<4096x1024xf32, #tpu.memory_space<hbm>> -> memref<32x1024xf32, #tpu.memory_space<hbm>>
      %dma_wait3A_63 = arith.constant 0 : i32
      %dma_wait3A_64 = tpu.memref_slice %arg2[%add3A_24, %dma_wait3A_63] : memref<4096x1024xf32, #tpu.memory_space<hbm>> -> memref<32x1024xf32, #tpu.memory_space<hbm>>
      tpu.wait_dma2 semaphore(%run_scoped3A : memref<!tpu.dma_semaphore, #tpu.memory_space<semaphore_mem>>) src(%dma_wait3A_64 : memref<32x1024xf32, #tpu.memory_space<hbm>>) dst(%arg10 : memref<32x1024xf32, #tpu.memory_space<vmem>>)
      tpu.yield
    }) : () -> ()
    "tpu.region"() ({
      %run_scoped3A = tpu.sem_alloc : memref<!tpu.dma_semaphore, #tpu.memory_space<semaphore_mem>>
      %dma_start3A_57 = tpu.memref_slice %arg3[%add3A_24] : memref<4096xi32, #tpu.memory_space<hbm>> -> memref<32xi32, #tpu.memory_space<hbm>>
      %dma_start3A_58 = tpu.memref_slice %arg3[%add3A_24] : memref<4096xi32, #tpu.memory_space<hbm>> -> memref<32xi32, #tpu.memory_space<hbm>>
      tpu.enqueue_dma source(%dma_start3A_58 : memref<32xi32, #tpu.memory_space<hbm>>) target(%arg6 : memref<32xi32, #tpu.memory_space<vmem>>) target_semaphore(%run_scoped3A : memref<!tpu.dma_semaphore, #tpu.memory_space<semaphore_mem>>)
      %dma_wait3A_59 = tpu.memref_slice %arg3[%add3A_24] : memref<4096xi32, #tpu.memory_space<hbm>> -> memref<32xi32, #tpu.memory_space<hbm>>
      %dma_wait3A_60 = tpu.memref_slice %arg3[%add3A_24] : memref<4096xi32, #tpu.memory_space<hbm>> -> memref<32xi32, #tpu.memory_space<hbm>>
      tpu.wait_dma2 semaphore(%run_scoped3A : memref<!tpu.dma_semaphore, #tpu.memory_space<semaphore_mem>>) src(%dma_wait3A_60 : memref<32xi32, #tpu.memory_space<hbm>>) dst(%arg6 : memref<32xi32, #tpu.memory_space<vmem>>)
      tpu.yield
    }) : () -> ()
    "tpu.region"() ({
      %run_scoped3A = tpu.sem_alloc : memref<!tpu.dma_semaphore, #tpu.memory_space<semaphore_mem>>
      %dma_start3A_57 = tpu.memref_slice %arg4[%add3A_24] : memref<4096xi32, #tpu.memory_space<hbm>> -> memref<32xi32, #tpu.memory_space<hbm>>
      %dma_start3A_58 = tpu.memref_slice %arg4[%add3A_24] : memref<4096xi32, #tpu.memory_space<hbm>> -> memref<32xi32, #tpu.memory_space<hbm>>
      tpu.enqueue_dma source(%dma_start3A_58 : memref<32xi32, #tpu.memory_space<hbm>>) target(%arg7 : memref<32xi32, #tpu.memory_space<vmem>>) target_semaphore(%run_scoped3A : memref<!tpu.dma_semaphore, #tpu.memory_space<semaphore_mem>>)
      %dma_wait3A_59 = tpu.memref_slice %arg4[%add3A_24] : memref<4096xi32, #tpu.memory_space<hbm>> -> memref<32xi32, #tpu.memory_space<hbm>>
      %dma_wait3A_60 = tpu.memref_slice %arg4[%add3A_24] : memref<4096xi32, #tpu.memory_space<hbm>> -> memref<32xi32, #tpu.memory_space<hbm>>
      tpu.wait_dma2 semaphore(%run_scoped3A : memref<!tpu.dma_semaphore, #tpu.memory_space<semaphore_mem>>) src(%dma_wait3A_60 : memref<32xi32, #tpu.memory_space<hbm>>) dst(%arg7 : memref<32xi32, #tpu.memory_space<vmem>>)
      tpu.yield
    }) : () -> ()
    %dma_start3A_25 = arith.constant 0 : i32
    %dma_start3A_26 = arith.constant 0 : i32
    %dma_start3A_27 = tpu.memref_slice %arg5[%dma_start3A_25, %dma_start3A_26] : memref<12288x1024xf32, #tpu.memory_space<hbm>> -> memref<12288x1024xf32, #tpu.memory_space<hbm>>
    tpu.enqueue_indirect_dma source(%arg10 : memref<32x1024xf32, #tpu.memory_space<vmem>>) target(%dma_start3A_27 : memref<12288x1024xf32, #tpu.memory_space<hbm>>) offsets(%arg6 : memref<32xi32, #tpu.memory_space<vmem>>) semaphore(%arg12 : memref<!tpu.dma_semaphore, #tpu.memory_space<semaphore_mem>>)
    %dma_start3A_28 = arith.constant 0 : i32
    %dma_start3A_29 = arith.constant 0 : i32
    %dma_start3A_30 = tpu.memref_slice %arg5[%dma_start3A_28, %dma_start3A_29] : memref<12288x1024xf32, #tpu.memory_space<hbm>> -> memref<12288x1024xf32, #tpu.memory_space<hbm>>
    tpu.enqueue_indirect_dma source(%arg10 : memref<32x1024xf32, #tpu.memory_space<vmem>>) target(%dma_start3A_30 : memref<12288x1024xf32, #tpu.memory_space<hbm>>) offsets(%arg7 : memref<32xi32, #tpu.memory_space<vmem>>) semaphore(%arg13 : memref<!tpu.dma_semaphore, #tpu.memory_space<semaphore_mem>>)
    %dma_wait3A_31 = arith.constant 0 : i32
    %dma_wait3A_32 = arith.constant 0 : i32
    %dma_wait3A_33 = tpu.memref_slice %arg5[%dma_wait3A_31, %dma_wait3A_32] : memref<12288x1024xf32, #tpu.memory_space<hbm>> -> memref<12288x1024xf32, #tpu.memory_space<hbm>>
    tpu.wait_indirect_dma semaphore(%arg14 : memref<!tpu.dma_semaphore, #tpu.memory_space<semaphore_mem>>) src(%arg11 : memref<32x1024xf32, #tpu.memory_space<vmem>>) dst(%dma_wait3A_33 : memref<12288x1024xf32, #tpu.memory_space<hbm>>)
    %dma_wait3A_34 = arith.constant 0 : i32
    %dma_wait3A_35 = arith.constant 0 : i32
    %dma_wait3A_36 = tpu.memref_slice %arg5[%dma_wait3A_34, %dma_wait3A_35] : memref<12288x1024xf32, #tpu.memory_space<hbm>> -> memref<12288x1024xf32, #tpu.memory_space<hbm>>
    tpu.wait_indirect_dma semaphore(%arg15 : memref<!tpu.dma_semaphore, #tpu.memory_space<semaphore_mem>>) src(%arg11 : memref<32x1024xf32, #tpu.memory_space<vmem>>) dst(%dma_wait3A_36 : memref<12288x1024xf32, #tpu.memory_space<hbm>>)
    %add3A_37 = arith.constant 96 : i32
    %add3A_38 = arith.addi %mul3A_2, %add3A_37 : i32
    "tpu.region"() ({
      %run_scoped3A = tpu.sem_alloc : memref<!tpu.dma_semaphore, #tpu.memory_space<semaphore_mem>>
      %dma_start3A_57 = arith.constant 0 : i32
      %dma_start3A_58 = tpu.memref_slice %arg2[%add3A_38, %dma_start3A_57] : memref<4096x1024xf32, #tpu.memory_space<hbm>> -> memref<32x1024xf32, #tpu.memory_space<hbm>>
      %dma_start3A_59 = arith.constant 0 : i32
      %dma_start3A_60 = tpu.memref_slice %arg2[%add3A_38, %dma_start3A_59] : memref<4096x1024xf32, #tpu.memory_space<hbm>> -> memref<32x1024xf32, #tpu.memory_space<hbm>>
      tpu.enqueue_dma source(%dma_start3A_60 : memref<32x1024xf32, #tpu.memory_space<hbm>>) target(%arg11 : memref<32x1024xf32, #tpu.memory_space<vmem>>) target_semaphore(%run_scoped3A : memref<!tpu.dma_semaphore, #tpu.memory_space<semaphore_mem>>)
      %dma_wait3A_61 = arith.constant 0 : i32
      %dma_wait3A_62 = tpu.memref_slice %arg2[%add3A_38, %dma_wait3A_61] : memref<4096x1024xf32, #tpu.memory_space<hbm>> -> memref<32x1024xf32, #tpu.memory_space<hbm>>
      %dma_wait3A_63 = arith.constant 0 : i32
      %dma_wait3A_64 = tpu.memref_slice %arg2[%add3A_38, %dma_wait3A_63] : memref<4096x1024xf32, #tpu.memory_space<hbm>> -> memref<32x1024xf32, #tpu.memory_space<hbm>>
      tpu.wait_dma2 semaphore(%run_scoped3A : memref<!tpu.dma_semaphore, #tpu.memory_space<semaphore_mem>>) src(%dma_wait3A_64 : memref<32x1024xf32, #tpu.memory_space<hbm>>) dst(%arg11 : memref<32x1024xf32, #tpu.memory_space<vmem>>)
      tpu.yield
    }) : () -> ()
    "tpu.region"() ({
      %run_scoped3A = tpu.sem_alloc : memref<!tpu.dma_semaphore, #tpu.memory_space<semaphore_mem>>
      %dma_start3A_57 = tpu.memref_slice %arg3[%add3A_38] : memref<4096xi32, #tpu.memory_space<hbm>> -> memref<32xi32, #tpu.memory_space<hbm>>
      %dma_start3A_58 = tpu.memref_slice %arg3[%add3A_38] : memref<4096xi32, #tpu.memory_space<hbm>> -> memref<32xi32, #tpu.memory_space<hbm>>
      tpu.enqueue_dma source(%dma_start3A_58 : memref<32xi32, #tpu.memory_space<hbm>>) target(%arg8 : memref<32xi32, #tpu.memory_space<vmem>>) target_semaphore(%run_scoped3A : memref<!tpu.dma_semaphore, #tpu.memory_space<semaphore_mem>>)
      %dma_wait3A_59 = tpu.memref_slice %arg3[%add3A_38] : memref<4096xi32, #tpu.memory_space<hbm>> -> memref<32xi32, #tpu.memory_space<hbm>>
      %dma_wait3A_60 = tpu.memref_slice %arg3[%add3A_38] : memref<4096xi32, #tpu.memory_space<hbm>> -> memref<32xi32, #tpu.memory_space<hbm>>
      tpu.wait_dma2 semaphore(%run_scoped3A : memref<!tpu.dma_semaphore, #tpu.memory_space<semaphore_mem>>) src(%dma_wait3A_60 : memref<32xi32, #tpu.memory_space<hbm>>) dst(%arg8 : memref<32xi32, #tpu.memory_space<vmem>>)
      tpu.yield
    }) : () -> ()
    "tpu.region"() ({
      %run_scoped3A = tpu.sem_alloc : memref<!tpu.dma_semaphore, #tpu.memory_space<semaphore_mem>>
      %dma_start3A_57 = tpu.memref_slice %arg4[%add3A_38] : memref<4096xi32, #tpu.memory_space<hbm>> -> memref<32xi32, #tpu.memory_space<hbm>>
      %dma_start3A_58 = tpu.memref_slice %arg4[%add3A_38] : memref<4096xi32, #tpu.memory_space<hbm>> -> memref<32xi32, #tpu.memory_space<hbm>>
      tpu.enqueue_dma source(%dma_start3A_58 : memref<32xi32, #tpu.memory_space<hbm>>) target(%arg9 : memref<32xi32, #tpu.memory_space<vmem>>) target_semaphore(%run_scoped3A : memref<!tpu.dma_semaphore, #tpu.memory_space<semaphore_mem>>)
      %dma_wait3A_59 = tpu.memref_slice %arg4[%add3A_38] : memref<4096xi32, #tpu.memory_space<hbm>> -> memref<32xi32, #tpu.memory_space<hbm>>
      %dma_wait3A_60 = tpu.memref_slice %arg4[%add3A_38] : memref<4096xi32, #tpu.memory_space<hbm>> -> memref<32xi32, #tpu.memory_space<hbm>>
      tpu.wait_dma2 semaphore(%run_scoped3A : memref<!tpu.dma_semaphore, #tpu.memory_space<semaphore_mem>>) src(%dma_wait3A_60 : memref<32xi32, #tpu.memory_space<hbm>>) dst(%arg9 : memref<32xi32, #tpu.memory_space<vmem>>)
      tpu.yield
    }) : () -> ()
    %dma_start3A_39 = arith.constant 0 : i32
    %dma_start3A_40 = arith.constant 0 : i32
    %dma_start3A_41 = tpu.memref_slice %arg5[%dma_start3A_39, %dma_start3A_40] : memref<12288x1024xf32, #tpu.memory_space<hbm>> -> memref<12288x1024xf32, #tpu.memory_space<hbm>>
    tpu.enqueue_indirect_dma source(%arg11 : memref<32x1024xf32, #tpu.memory_space<vmem>>) target(%dma_start3A_41 : memref<12288x1024xf32, #tpu.memory_space<hbm>>) offsets(%arg8 : memref<32xi32, #tpu.memory_space<vmem>>) semaphore(%arg14 : memref<!tpu.dma_semaphore, #tpu.memory_space<semaphore_mem>>)
    %dma_start3A_42 = arith.constant 0 : i32
    %dma_start3A_43 = arith.constant 0 : i32
    %dma_start3A_44 = tpu.memref_slice %arg5[%dma_start3A_42, %dma_start3A_43] : memref<12288x1024xf32, #tpu.memory_space<hbm>> -> memref<12288x1024xf32, #tpu.memory_space<hbm>>
    tpu.enqueue_indirect_dma source(%arg11 : memref<32x1024xf32, #tpu.memory_space<vmem>>) target(%dma_start3A_44 : memref<12288x1024xf32, #tpu.memory_space<hbm>>) offsets(%arg9 : memref<32xi32, #tpu.memory_space<vmem>>) semaphore(%arg15 : memref<!tpu.dma_semaphore, #tpu.memory_space<semaphore_mem>>)
    %dma_wait3A_45 = arith.constant 0 : i32
    %dma_wait3A_46 = arith.constant 0 : i32
    %dma_wait3A_47 = tpu.memref_slice %arg5[%dma_wait3A_45, %dma_wait3A_46] : memref<12288x1024xf32, #tpu.memory_space<hbm>> -> memref<12288x1024xf32, #tpu.memory_space<hbm>>
    tpu.wait_indirect_dma semaphore(%arg12 : memref<!tpu.dma_semaphore, #tpu.memory_space<semaphore_mem>>) src(%arg10 : memref<32x1024xf32, #tpu.memory_space<vmem>>) dst(%dma_wait3A_47 : memref<12288x1024xf32, #tpu.memory_space<hbm>>)
    %dma_wait3A_48 = arith.constant 0 : i32
    %dma_wait3A_49 = arith.constant 0 : i32
    %dma_wait3A_50 = tpu.memref_slice %arg5[%dma_wait3A_48, %dma_wait3A_49] : memref<12288x1024xf32, #tpu.memory_space<hbm>> -> memref<12288x1024xf32, #tpu.memory_space<hbm>>
    tpu.wait_indirect_dma semaphore(%arg13 : memref<!tpu.dma_semaphore, #tpu.memory_space<semaphore_mem>>) src(%arg10 : memref<32x1024xf32, #tpu.memory_space<vmem>>) dst(%dma_wait3A_50 : memref<12288x1024xf32, #tpu.memory_space<hbm>>)
    %dma_wait3A_51 = arith.constant 0 : i32
    %dma_wait3A_52 = arith.constant 0 : i32
    %dma_wait3A_53 = tpu.memref_slice %arg5[%dma_wait3A_51, %dma_wait3A_52] : memref<12288x1024xf32, #tpu.memory_space<hbm>> -> memref<12288x1024xf32, #tpu.memory_space<hbm>>
    tpu.wait_indirect_dma semaphore(%arg14 : memref<!tpu.dma_semaphore, #tpu.memory_space<semaphore_mem>>) src(%arg11 : memref<32x1024xf32, #tpu.memory_space<vmem>>) dst(%dma_wait3A_53 : memref<12288x1024xf32, #tpu.memory_space<hbm>>)
    %dma_wait3A_54 = arith.constant 0 : i32
    %dma_wait3A_55 = arith.constant 0 : i32
    %dma_wait3A_56 = tpu.memref_slice %arg5[%dma_wait3A_54, %dma_wait3A_55] : memref<12288x1024xf32, #tpu.memory_space<hbm>> -> memref<12288x1024xf32, #tpu.memory_space<hbm>>
    tpu.wait_indirect_dma semaphore(%arg15 : memref<!tpu.dma_semaphore, #tpu.memory_space<semaphore_mem>>) src(%arg11 : memref<32x1024xf32, #tpu.memory_space<vmem>>) dst(%dma_wait3A_56 : memref<12288x1024xf32, #tpu.memory_space<hbm>>)
    return
  }
}

module attributes {stable_mosaic.version = 14 : i64} {
  func.func @_router_body(%arg0: i32, %arg1: memref<512x1024xf32, #tpu.memory_space<vmem>>, %arg2: memref<8x1024xf32, #tpu.memory_space<vmem>>, %arg3: memref<512x1xi32, #tpu.memory_space<vmem>>, %arg4: memref<512x1xi32, #tpu.memory_space<vmem>>, %arg5: memref<512x1xf32, #tpu.memory_space<vmem>>, %arg6: memref<512x1xf32, #tpu.memory_space<vmem>>, %arg7: memref<512x1xf32, #tpu.memory_space<vmem>>, %arg8: memref<512x1xi32, #tpu.memory_space<vmem>>, %arg9: memref<512x1xi32, #tpu.memory_space<vmem>>, %arg10: memref<1x8xf32, #tpu.memory_space<vmem>>, %arg11: memref<1x8xf32, #tpu.memory_space<vmem>>) attributes {dimension_semantics = [#tpu.dimension_semantics<arbitrary>], iteration_bounds = array<i64: 8>, scalar_prefetch = 0 : i64, scratch_operands = 1 : i64, tpu.core_type = #tpu.core_type<tc>, window_params = [{transform_indices = @transform_0, window_bounds = array<i64: 512, 1024>}, {pipeline_mode = #tpu.pipeline_mode<synchronous>, transform_indices = @transform_1, window_bounds = array<i64: 8, 1024>}, {transform_indices = @transform_2, window_bounds = array<i64: 512, 1>}, {transform_indices = @transform_3, window_bounds = array<i64: 512, 1>}, {transform_indices = @transform_4, window_bounds = array<i64: 512, 1>}, {transform_indices = @transform_5, window_bounds = array<i64: 512, 1>}, {transform_indices = @transform_6, window_bounds = array<i64: 512, 1>}, {transform_indices = @transform_7, window_bounds = array<i64: 512, 1>}, {transform_indices = @transform_8, window_bounds = array<i64: 512, 1>}, {pipeline_mode = #tpu.pipeline_mode<synchronous>, transform_indices = @transform_9, window_bounds = array<i64: 1, 8>}]} {
    %eq3A = arith.constant 0 : i32
    %eq3A_0 = arith.cmpi eq, %arg0, %eq3A : i32
    %convert_element_type3A = arith.extui %eq3A_0 : i1 to i32
    %cond3A = arith.constant 0 : i32
    %cond3A_1 = arith.cmpi ne, %convert_element_type3A, %cond3A : i32
    scf.if %cond3A_1 {
      %broadcast_in_dim3A_111 = arith.constant 0.000000e+00 : f32
      %broadcast_in_dim3A_112 = vector.broadcast %broadcast_in_dim3A_111 : f32 to vector<1x8xf32>
      %swap3A_113 = arith.constant 0 : index
      %swap3A_114 = arith.constant 0 : index
      %swap3A_115 = vector.load %arg11[%swap3A_113, %swap3A_114] : memref<1x8xf32, #tpu.memory_space<vmem>>, vector<1x8xf32>
      tpu.vector_store %arg11[%swap3A_113, %swap3A_114], %broadcast_in_dim3A_112 {strides = array<i32>} : memref<1x8xf32, #tpu.memory_space<vmem>>, vector<1x8xf32>,
    } else {
    }
    %get3A = arith.constant 0 : index
    %get3A_2 = arith.constant 0 : index
    %get3A_3 = vector.load %arg1[%get3A, %get3A_2] : memref<512x1024xf32, #tpu.memory_space<vmem>>, vector<512x1024xf32>
    %get3A_4 = arith.constant 0 : index
    %get3A_5 = arith.constant 0 : index
    %get3A_6 = vector.load %arg2[%get3A_4, %get3A_5] : memref<8x1024xf32, #tpu.memory_space<vmem>>, vector<8x1024xf32>
    %transpose3A = tpu.transpose %get3A_6, [1, 0] : vector<8x1024xf32> -> vector<1024x8xf32>
    %dot_general3A = arith.constant dense<0.000000e+00> : vector<512x8xf32>
    %dot_general3A_7 = tpu.matmul %get3A_3, %transpose3A, %dot_general3A {dimension_numbers = #tpu.dot_dimension_numbers<[1], [0], [0], [1], [0, 0, 1, 1], [], []>, transpose_lhs_hint = false} : vector<512x1024xf32>, vector<1024x8xf32>, vector<512x8xf32> -> vector<512x8xf32>
    %reduce_max3A = arith.constant dense<0xFF800000> : vector<512xf32>
    %reduce_max3A_8 = vector.multi_reduction <maximumf>, %dot_general3A_7, %reduce_max3A [1] : vector<512x8xf32> to vector<512xf32>
    %broadcast_in_dim3A = vector.shape_cast %reduce_max3A_8 : vector<512xf32> to vector<512x1xf32>
    %sub3A = vector.broadcast %broadcast_in_dim3A : vector<512x1xf32> to vector<512x8xf32>
    %sub3A_9 = arith.subf %dot_general3A_7, %sub3A : vector<512x8xf32>
    %exp3A = math.exp %sub3A_9 : vector<512x8xf32>
    %reduce_sum3A = arith.constant dense<0.000000e+00> : vector<512xf32>
    %reduce_sum3A_10 = vector.multi_reduction <add>, %exp3A, %reduce_sum3A [1] : vector<512x8xf32> to vector<512xf32>
    %broadcast_in_dim3A_11 = vector.shape_cast %reduce_sum3A_10 : vector<512xf32> to vector<512x1xf32>
    %div3A = vector.broadcast %broadcast_in_dim3A_11 : vector<512x1xf32> to vector<512x8xf32>
    %div3A_12 = arith.divf %exp3A, %div3A : vector<512x8xf32>
    %iota3A = tpu.iota {dimensions = array<i32: 1>} : vector<512x8xi32>
    %reduce_max3A_13 = arith.constant dense<0xFF800000> : vector<512xf32>
    %reduce_max3A_14 = vector.multi_reduction <maximumf>, %div3A_12, %reduce_max3A_13 [1] : vector<512x8xf32> to vector<512xf32>
    %broadcast_in_dim3A_15 = vector.shape_cast %reduce_max3A_14 : vector<512xf32> to vector<512x1xf32>
    %eq3A_16 = vector.broadcast %broadcast_in_dim3A_15 : vector<512x1xf32> to vector<512x8xf32>
    %eq3A_17 = arith.cmpf oeq, %div3A_12, %eq3A_16 : vector<512x8xf32>
    %jit3A = arith.constant 8 : i32
    %broadcast_in_dim3A_18 = vector.broadcast %jit3A : i32 to vector<512x8xi32>
    %select_n3A = arith.select %eq3A_17, %iota3A, %broadcast_in_dim3A_18 : vector<512x8xi1>, vector<512x8xi32>
    %reduce_min3A = arith.constant dense<2147483647> : vector<512xi32>
    %reduce_min3A_19 = vector.multi_reduction <minsi>, %select_n3A, %reduce_min3A [1] : vector<512x8xi32> to vector<512xi32>
    %broadcast_in_dim3A_20 = vector.shape_cast %reduce_min3A_19 : vector<512xi32> to vector<512x1xi32>
    %eq3A_21 = vector.broadcast %broadcast_in_dim3A_20 : vector<512x1xi32> to vector<512x8xi32>
    %eq3A_22 = arith.cmpi eq, %iota3A, %eq3A_21 : vector<512x8xi32>
    %jit3A_23 = arith.constant 0xFF800000 : f32
    %broadcast_in_dim3A_24 = vector.broadcast %jit3A_23 : f32 to vector<512x8xf32>
    %select_n3A_25 = arith.select %eq3A_22, %broadcast_in_dim3A_24, %div3A_12 : vector<512x8xi1>, vector<512x8xf32>
    %reduce_max3A_26 = arith.constant dense<0xFF800000> : vector<512xf32>
    %reduce_max3A_27 = vector.multi_reduction <maximumf>, %select_n3A_25, %reduce_max3A_26 [1] : vector<512x8xf32> to vector<512xf32>
    %broadcast_in_dim3A_28 = vector.shape_cast %reduce_max3A_27 : vector<512xf32> to vector<512x1xf32>
    %eq3A_29 = vector.broadcast %broadcast_in_dim3A_28 : vector<512x1xf32> to vector<512x8xf32>
    %eq3A_30 = arith.cmpf oeq, %select_n3A_25, %eq3A_29 : vector<512x8xf32>
    %jit3A_31 = arith.constant 8 : i32
    %broadcast_in_dim3A_32 = vector.broadcast %jit3A_31 : i32 to vector<512x8xi32>
    %select_n3A_33 = arith.select %eq3A_30, %iota3A, %broadcast_in_dim3A_32 : vector<512x8xi1>, vector<512x8xi32>
    %reduce_min3A_34 = arith.constant dense<2147483647> : vector<512xi32>
    %reduce_min3A_35 = vector.multi_reduction <minsi>, %select_n3A_33, %reduce_min3A_34 [1] : vector<512x8xi32> to vector<512xi32>
    %broadcast_in_dim3A_36 = vector.shape_cast %reduce_min3A_35 : vector<512xi32> to vector<512x1xi32>
    %add3A = arith.addf %broadcast_in_dim3A_15, %broadcast_in_dim3A_28 : vector<512x1xf32>
    %add3A_37 = arith.constant 9.99999997E-7 : f32
    %add3A_38 = vector.broadcast %add3A_37 : f32 to vector<512x1xf32>
    %add3A_39 = arith.addf %add3A, %add3A_38 : vector<512x1xf32>
    %div3A_40 = arith.divf %broadcast_in_dim3A_15, %add3A_39 : vector<512x1xf32>
    %div3A_41 = arith.divf %broadcast_in_dim3A_28, %add3A_39 : vector<512x1xf32>
    %swap3A = arith.constant 0 : index
    %swap3A_42 = arith.constant 0 : index
    %swap3A_43 = vector.load %arg3[%swap3A, %swap3A_42] : memref<512x1xi32, #tpu.memory_space<vmem>>, vector<512x1xi32>
    tpu.vector_store %arg3[%swap3A, %swap3A_42], %broadcast_in_dim3A_20 {strides = array<i32>} : memref<512x1xi32, #tpu.memory_space<vmem>>, vector<512x1xi32>,
    %swap3A_44 = arith.constant 0 : index
    %swap3A_45 = arith.constant 0 : index
    %swap3A_46 = vector.load %arg4[%swap3A_44, %swap3A_45] : memref<512x1xi32, #tpu.memory_space<vmem>>, vector<512x1xi32>
    tpu.vector_store %arg4[%swap3A_44, %swap3A_45], %broadcast_in_dim3A_36 {strides = array<i32>} : memref<512x1xi32, #tpu.memory_space<vmem>>, vector<512x1xi32>,
    %swap3A_47 = arith.constant 0 : index
    %swap3A_48 = arith.constant 0 : index
    %swap3A_49 = vector.load %arg5[%swap3A_47, %swap3A_48] : memref<512x1xf32, #tpu.memory_space<vmem>>, vector<512x1xf32>
    tpu.vector_store %arg5[%swap3A_47, %swap3A_48], %div3A_40 {strides = array<i32>} : memref<512x1xf32, #tpu.memory_space<vmem>>, vector<512x1xf32>,
    %swap3A_50 = arith.constant 0 : index
    %swap3A_51 = arith.constant 0 : index
    %swap3A_52 = vector.load %arg6[%swap3A_50, %swap3A_51] : memref<512x1xf32, #tpu.memory_space<vmem>>, vector<512x1xf32>
    tpu.vector_store %arg6[%swap3A_50, %swap3A_51], %div3A_41 {strides = array<i32>} : memref<512x1xf32, #tpu.memory_space<vmem>>, vector<512x1xf32>,
    %mul3A = arith.mulf %div3A_40, %broadcast_in_dim3A_15 : vector<512x1xf32>
    %mul3A_53 = arith.mulf %div3A_41, %broadcast_in_dim3A_28 : vector<512x1xf32>
    %add3A_54 = arith.addf %mul3A, %mul3A_53 : vector<512x1xf32>
    %swap3A_55 = arith.constant 0 : index
    %swap3A_56 = arith.constant 0 : index
    %swap3A_57 = vector.load %arg7[%swap3A_55, %swap3A_56] : memref<512x1xf32, #tpu.memory_space<vmem>>, vector<512x1xf32>
    tpu.vector_store %arg7[%swap3A_55, %swap3A_56], %add3A_54 {strides = array<i32>} : memref<512x1xf32, #tpu.memory_space<vmem>>, vector<512x1xf32>,
    %eq3A_58 = vector.broadcast %broadcast_in_dim3A_20 : vector<512x1xi32> to vector<512x8xi32>
    %eq3A_59 = arith.cmpi eq, %iota3A, %eq3A_58 : vector<512x8xi32>
    %convert_element_type3A_60 = arith.extui %eq3A_59 : vector<512x8xi1> to vector<512x8xi32>
    %convert_element_type3A_61 = arith.sitofp %convert_element_type3A_60 : vector<512x8xi32> to vector<512x8xf32>
    %eq3A_62 = vector.broadcast %broadcast_in_dim3A_36 : vector<512x1xi32> to vector<512x8xi32>
    %eq3A_63 = arith.cmpi eq, %iota3A, %eq3A_62 : vector<512x8xi32>
    %convert_element_type3A_64 = arith.extui %eq3A_63 : vector<512x8xi1> to vector<512x8xi32>
    %convert_element_type3A_65 = arith.sitofp %convert_element_type3A_64 : vector<512x8xi32> to vector<512x8xf32>
    %iota3A_66 = tpu.iota {dimensions = array<i32: 0>} : vector<512x512xi32>
    %iota3A_67 = tpu.iota {dimensions = array<i32: 1>} : vector<512x512xi32>
    %gt3A = arith.cmpi sgt, %iota3A_66, %iota3A_67 : vector<512x512xi32>
    %convert_element_type3A_68 = arith.extui %gt3A : vector<512x512xi1> to vector<512x512xi32>
    %convert_element_type3A_69 = arith.sitofp %convert_element_type3A_68 : vector<512x512xi32> to vector<512x512xf32>
    %get3A_70 = arith.constant 0 : index
    %get3A_71 = arith.constant 0 : index
    %get3A_72 = vector.load %arg11[%get3A_70, %get3A_71] : memref<1x8xf32, #tpu.memory_space<vmem>>, vector<1x8xf32>
    %dot_general3A_73 = arith.constant dense<0.000000e+00> : vector<512x8xf32>
    %dot_general3A_74 = tpu.matmul %convert_element_type3A_69, %convert_element_type3A_61, %dot_general3A_73 {dimension_numbers = #tpu.dot_dimension_numbers<[1], [0], [0], [1], [0, 0, 1, 1], [], []>, transpose_lhs_hint = false} : vector<512x512xf32>, vector<512x8xf32>, vector<512x8xf32> -> vector<512x8xf32>
    %add3A_75 = vector.broadcast %get3A_72 : vector<1x8xf32> to vector<512x8xf32>
    %add3A_76 = arith.addf %add3A_75, %dot_general3A_74 : vector<512x8xf32>
    %reduce_sum3A_77 = arith.constant dense<0.000000e+00> : vector<8xf32>
    %reduce_sum3A_78 = vector.multi_reduction <add>, %convert_element_type3A_61, %reduce_sum3A_77 [0] : vector<512x8xf32> to vector<8xf32>
    %broadcast_in_dim3A_79 = vector.shape_cast %reduce_sum3A_78 : vector<8xf32> to vector<1x8xf32>
    %add3A_80 = arith.addf %get3A_72, %broadcast_in_dim3A_79 : vector<1x8xf32>
    %dot_general3A_81 = arith.constant dense<0.000000e+00> : vector<512x8xf32>
    %dot_general3A_82 = tpu.matmul %convert_element_type3A_69, %convert_element_type3A_65, %dot_general3A_81 {dimension_numbers = #tpu.dot_dimension_numbers<[1], [0], [0], [1], [0, 0, 1, 1], [], []>, transpose_lhs_hint = false} : vector<512x512xf32>, vector<512x8xf32>, vector<512x8xf32> -> vector<512x8xf32>
    %add3A_83 = vector.broadcast %add3A_80 : vector<1x8xf32> to vector<512x8xf32>
    %add3A_84 = arith.addf %add3A_83, %dot_general3A_82 : vector<512x8xf32>
    %reduce_sum3A_85 = arith.constant dense<0.000000e+00> : vector<8xf32>
    %reduce_sum3A_86 = vector.multi_reduction <add>, %convert_element_type3A_65, %reduce_sum3A_85 [0] : vector<512x8xf32> to vector<8xf32>
    %broadcast_in_dim3A_87 = vector.shape_cast %reduce_sum3A_86 : vector<8xf32> to vector<1x8xf32>
    %add3A_88 = arith.addf %add3A_80, %broadcast_in_dim3A_87 : vector<1x8xf32>
    %swap3A_89 = arith.constant 0 : index
    %swap3A_90 = arith.constant 0 : index
    %swap3A_91 = vector.load %arg11[%swap3A_89, %swap3A_90] : memref<1x8xf32, #tpu.memory_space<vmem>>, vector<1x8xf32>
    tpu.vector_store %arg11[%swap3A_89, %swap3A_90], %add3A_88 {strides = array<i32>} : memref<1x8xf32, #tpu.memory_space<vmem>>, vector<1x8xf32>,
    %mul3A_92 = arith.mulf %add3A_76, %convert_element_type3A_61 : vector<512x8xf32>
    %reduce_sum3A_93 = arith.constant dense<0.000000e+00> : vector<512xf32>
    %reduce_sum3A_94 = vector.multi_reduction <add>, %mul3A_92, %reduce_sum3A_93 [1] : vector<512x8xf32> to vector<512xf32>
    %broadcast_in_dim3A_95 = vector.shape_cast %reduce_sum3A_94 : vector<512xf32> to vector<512x1xf32>
    %convert_element_type3A_96 = arith.fptosi %broadcast_in_dim3A_95 : vector<512x1xf32> to vector<512x1xi32>
    %swap3A_97 = arith.constant 0 : index
    %swap3A_98 = arith.constant 0 : index
    %swap3A_99 = vector.load %arg8[%swap3A_97, %swap3A_98] : memref<512x1xi32, #tpu.memory_space<vmem>>, vector<512x1xi32>
    tpu.vector_store %arg8[%swap3A_97, %swap3A_98], %convert_element_type3A_96 {strides = array<i32>} : memref<512x1xi32, #tpu.memory_space<vmem>>, vector<512x1xi32>,
    %mul3A_100 = arith.mulf %add3A_84, %convert_element_type3A_65 : vector<512x8xf32>
    %reduce_sum3A_101 = arith.constant dense<0.000000e+00> : vector<512xf32>
    %reduce_sum3A_102 = vector.multi_reduction <add>, %mul3A_100, %reduce_sum3A_101 [1] : vector<512x8xf32> to vector<512xf32>
    %broadcast_in_dim3A_103 = vector.shape_cast %reduce_sum3A_102 : vector<512xf32> to vector<512x1xf32>
    %convert_element_type3A_104 = arith.fptosi %broadcast_in_dim3A_103 : vector<512x1xf32> to vector<512x1xi32>
    %swap3A_105 = arith.constant 0 : index
    %swap3A_106 = arith.constant 0 : index
    %swap3A_107 = vector.load %arg9[%swap3A_105, %swap3A_106] : memref<512x1xi32, #tpu.memory_space<vmem>>, vector<512x1xi32>
    tpu.vector_store %arg9[%swap3A_105, %swap3A_106], %convert_element_type3A_104 {strides = array<i32>} : memref<512x1xi32, #tpu.memory_space<vmem>>, vector<512x1xi32>,
    %swap3A_108 = arith.constant 0 : index
    %swap3A_109 = arith.constant 0 : index
    %swap3A_110 = vector.load %arg10[%swap3A_108, %swap3A_109] : memref<1x8xf32, #tpu.memory_space<vmem>>, vector<1x8xf32>
    tpu.vector_store %arg10[%swap3A_108, %swap3A_109], %add3A_88 {strides = array<i32>} : memref<1x8xf32, #tpu.memory_space<vmem>>, vector<1x8xf32>,
    return
  }
  func.func @transform_0(%arg0: i32) -> (i32, i32) {
    %c0_i32 = arith.constant 0 : i32
    %c0_i32_0 = arith.constant 0 : i32
    return %arg0, %c0_i32 : i32, i32
  }
  func.func @transform_1(%arg0: i32) -> (i32, i32) {
    %c0_i32 = arith.constant 0 : i32
    %c0_i32_0 = arith.constant 0 : i32
    %c0_i32_1 = arith.constant 0 : i32
    return %c0_i32, %c0_i32_0 : i32, i32
  }
  func.func @transform_2(%arg0: i32) -> (i32, i32) {
    %c0_i32 = arith.constant 0 : i32
    %c0_i32_0 = arith.constant 0 : i32
    return %arg0, %c0_i32 : i32, i32
  }
  func.func @transform_3(%arg0: i32) -> (i32, i32) {
    %c0_i32 = arith.constant 0 : i32
    %c0_i32_0 = arith.constant 0 : i32
    return %arg0, %c0_i32 : i32, i32
  }
  func.func @transform_4(%arg0: i32) -> (i32, i32) {
    %c0_i32 = arith.constant 0 : i32
    %c0_i32_0 = arith.constant 0 : i32
    return %arg0, %c0_i32 : i32, i32
  }
  func.func @transform_5(%arg0: i32) -> (i32, i32) {
    %c0_i32 = arith.constant 0 : i32
    %c0_i32_0 = arith.constant 0 : i32
    return %arg0, %c0_i32 : i32, i32
  }
  func.func @transform_6(%arg0: i32) -> (i32, i32) {
    %c0_i32 = arith.constant 0 : i32
    %c0_i32_0 = arith.constant 0 : i32
    return %arg0, %c0_i32 : i32, i32
  }
  func.func @transform_7(%arg0: i32) -> (i32, i32) {
    %c0_i32 = arith.constant 0 : i32
    %c0_i32_0 = arith.constant 0 : i32
    return %arg0, %c0_i32 : i32, i32
  }
  func.func @transform_8(%arg0: i32) -> (i32, i32) {
    %c0_i32 = arith.constant 0 : i32
    %c0_i32_0 = arith.constant 0 : i32
    return %arg0, %c0_i32 : i32, i32
  }
  func.func @transform_9(%arg0: i32) -> (i32, i32) {
    %c0_i32 = arith.constant 0 : i32
    %c0_i32_0 = arith.constant 0 : i32
    %c0_i32_1 = arith.constant 0 : i32
    return %c0_i32, %c0_i32_0 : i32, i32
  }
}

module attributes {stable_mosaic.version = 14 : i64} {
  func.func @_gmm_body(%arg0: i32, %arg1: memref<24xi32, #tpu.memory_space<smem>>, %arg2: memref<512x1024xf32, #tpu.memory_space<vmem>>, %arg3: memref<1x1024x1024xbf16, #tpu.memory_space<vmem>>, %arg4: memref<512x1024xf32, #tpu.memory_space<vmem>>) attributes {dimension_semantics = [#tpu.dimension_semantics<arbitrary>], iteration_bounds = array<i64: 24>, scalar_prefetch = 1 : i64, scratch_operands = 0 : i64, tpu.core_type = #tpu.core_type<tc>, window_params = [{transform_indices = @transform_0, window_bounds = array<i64: 512, 1024>}, {transform_indices = @transform_1, window_bounds = array<i64: 1, 1024, 1024>}, {transform_indices = @transform_2, window_bounds = array<i64: 512, 1024>}]} {
    %get3A = arith.constant 0 : index
    %get3A_0 = arith.constant 0 : index
    %get3A_1 = vector.load %arg2[%get3A, %get3A_0] : memref<512x1024xf32, #tpu.memory_space<vmem>>, vector<512x1024xf32>
    %convert_element_type3A = arith.truncf %get3A_1 : vector<512x1024xf32> to vector<512x1024xbf16>
    %get3A_2 = arith.constant 0 : index
    %get3A_3 = arith.constant 0 : index
    %get3A_4 = arith.constant 0 : index
    %get3A_5 = vector.load %arg3[%get3A_2, %get3A_3, %get3A_4] : memref<1x1024x1024xbf16, #tpu.memory_space<vmem>>, vector<1x1024x1024xbf16>
    %get3A_6 = vector.shape_cast %get3A_5 : vector<1x1024x1024xbf16> to vector<1024x1024xbf16>
    %dot_general3A = arith.constant dense<0.000000e+00> : vector<512x1024xf32>
    %dot_general3A_7 = tpu.matmul %convert_element_type3A, %get3A_6, %dot_general3A {dimension_numbers = #tpu.dot_dimension_numbers<[1], [0], [0], [1], [0, 0, 1, 1], [], []>, transpose_lhs_hint = false} : vector<512x1024xbf16>, vector<1024x1024xbf16>, vector<512x1024xf32> -> vector<512x1024xf32>
    %swap3A = arith.constant 0 : index
    %swap3A_8 = arith.constant 0 : index
    %swap3A_9 = vector.load %arg4[%swap3A, %swap3A_8] : memref<512x1024xf32, #tpu.memory_space<vmem>>, vector<512x1024xf32>
    tpu.vector_store %arg4[%swap3A, %swap3A_8], %dot_general3A_7 {strides = array<i32>} : memref<512x1024xf32, #tpu.memory_space<vmem>>, vector<512x1024xf32>,
    return
  }
  func.func @transform_0(%arg0: i32, %arg1: memref<24xi32, #tpu.memory_space<smem>>) -> (i32, i32) {
    %c0_i32 = arith.constant 0 : i32
    %c0_i32_0 = arith.constant 0 : i32
    return %arg0, %c0_i32 : i32, i32
  }
  func.func @transform_1(%arg0: i32, %arg1: memref<24xi32, #tpu.memory_space<smem>>) -> (i32, i32, i32) {
    %get3A = arith.index_cast %arg0 : i32 to index
    %get3A_0 = memref.load %arg1[%get3A] : memref<24xi32, #tpu.memory_space<smem>>
    %c0_i32 = arith.constant 0 : i32
    %c0_i32_1 = arith.constant 0 : i32
    %c0_i32_2 = arith.constant 0 : i32
    return %get3A_0, %c0_i32, %c0_i32_1 : i32, i32, i32
  }
  func.func @transform_2(%arg0: i32, %arg1: memref<24xi32, #tpu.memory_space<smem>>) -> (i32, i32) {
    %c0_i32 = arith.constant 0 : i32
    %c0_i32_0 = arith.constant 0 : i32
    return %arg0, %c0_i32 : i32, i32
  }
}

module attributes {stable_mosaic.version = 14 : i64} {
  func.func @_final_body(%arg0: i32, %arg1: memref<512x1024xf32, #tpu.memory_space<vmem>>, %arg2: memref<512x1024xf32, #tpu.memory_space<vmem>>, %arg3: memref<512x1xf32, #tpu.memory_space<vmem>>, %arg4: memref<512x1xf32, #tpu.memory_space<vmem>>, %arg5: memref<512x1xf32, #tpu.memory_space<vmem>>, %arg6: memref<512x1024xf32, #tpu.memory_space<vmem>>) attributes {dimension_semantics = [#tpu.dimension_semantics<arbitrary>], iteration_bounds = array<i64: 8>, scalar_prefetch = 0 : i64, scratch_operands = 0 : i64, tpu.core_type = #tpu.core_type<tc>, window_params = [{transform_indices = @transform_0, window_bounds = array<i64: 512, 1024>}, {transform_indices = @transform_1, window_bounds = array<i64: 512, 1024>}, {transform_indices = @transform_2, window_bounds = array<i64: 512, 1>}, {transform_indices = @transform_3, window_bounds = array<i64: 512, 1>}, {transform_indices = @transform_4, window_bounds = array<i64: 512, 1>}, {transform_indices = @transform_5, window_bounds = array<i64: 512, 1024>}]} {
    %get3A = arith.constant 0 : index
    %get3A_0 = arith.constant 0 : index
    %get3A_1 = vector.load %arg1[%get3A, %get3A_0] : memref<512x1024xf32, #tpu.memory_space<vmem>>, vector<512x1024xf32>
    %get3A_2 = arith.constant 0 : index
    %get3A_3 = arith.constant 0 : index
    %get3A_4 = vector.load %arg3[%get3A_2, %get3A_3] : memref<512x1xf32, #tpu.memory_space<vmem>>, vector<512x1xf32>
    %mul3A = vector.broadcast %get3A_4 : vector<512x1xf32> to vector<512x1024xf32>
    %mul3A_5 = arith.mulf %get3A_1, %mul3A : vector<512x1024xf32>
    %get3A_6 = arith.constant 0 : index
    %get3A_7 = arith.constant 0 : index
    %get3A_8 = vector.load %arg2[%get3A_6, %get3A_7] : memref<512x1024xf32, #tpu.memory_space<vmem>>, vector<512x1024xf32>
    %get3A_9 = arith.constant 0 : index
    %get3A_10 = arith.constant 0 : index
    %get3A_11 = vector.load %arg4[%get3A_9, %get3A_10] : memref<512x1xf32, #tpu.memory_space<vmem>>, vector<512x1xf32>
    %mul3A_12 = vector.broadcast %get3A_11 : vector<512x1xf32> to vector<512x1024xf32>
    %mul3A_13 = arith.mulf %get3A_8, %mul3A_12 : vector<512x1024xf32>
    %add3A = arith.addf %mul3A_5, %mul3A_13 : vector<512x1024xf32>
    %get3A_14 = arith.constant 0 : index
    %get3A_15 = arith.constant 0 : index
    %get3A_16 = vector.load %arg5[%get3A_14, %get3A_15] : memref<512x1xf32, #tpu.memory_space<vmem>>, vector<512x1xf32>
    %add3A_17 = vector.broadcast %get3A_16 : vector<512x1xf32> to vector<512x1024xf32>
    %add3A_18 = arith.addf %add3A, %add3A_17 : vector<512x1024xf32>
    %swap3A = arith.constant 0 : index
    %swap3A_19 = arith.constant 0 : index
    %swap3A_20 = vector.load %arg6[%swap3A, %swap3A_19] : memref<512x1024xf32, #tpu.memory_space<vmem>>, vector<512x1024xf32>
    tpu.vector_store %arg6[%swap3A, %swap3A_19], %add3A_18 {strides = array<i32>} : memref<512x1024xf32, #tpu.memory_space<vmem>>, vector<512x1024xf32>,
    return
  }
  func.func @transform_0(%arg0: i32) -> (i32, i32) {
    %c0_i32 = arith.constant 0 : i32
    %c0_i32_0 = arith.constant 0 : i32
    return %arg0, %c0_i32 : i32, i32
  }
  func.func @transform_1(%arg0: i32) -> (i32, i32) {
    %c0_i32 = arith.constant 0 : i32
    %c0_i32_0 = arith.constant 0 : i32
    return %arg0, %c0_i32 : i32, i32
  }
  func.func @transform_2(%arg0: i32) -> (i32, i32) {
    %c0_i32 = arith.constant 0 : i32
    %c0_i32_0 = arith.constant 0 : i32
    return %arg0, %c0_i32 : i32, i32
  }
  func.func @transform_3(%arg0: i32) -> (i32, i32) {
    %c0_i32 = arith.constant 0 : i32
    %c0_i32_0 = arith.constant 0 : i32
    return %arg0, %c0_i32 : i32, i32
  }
  func.func @transform_4(%arg0: i32) -> (i32, i32) {
    %c0_i32 = arith.constant 0 : i32
    %c0_i32_0 = arith.constant 0 : i32
    return %arg0, %c0_i32 : i32, i32
  }
  func.func @transform_5(%arg0: i32) -> (i32, i32) {
    %c0_i32 = arith.constant 0 : i32
    %c0_i32_0 = arith.constant 0 : i32
    return %arg0, %c0_i32 : i32, i32
  }
}

</mosaic_0001>

<sc_bundles>
// kernel: _moe.10.cloned.1.call-start
scs
__scs_entry_jumppad:
0x0: {  	(pc) =	sbr.rel $0x88, $3  }
0x1: {  	(tag) =	ssettag $0x0;
	lr =	simm.s32 $0x1  }
0x2: {  	[smem:$0x3F9E] =	sst lr;
	_ =	strace $0xD0000000  }
0x3: {  	_ = 	snop  }
0x4: {  	_ = 	snop  }
0x5: {  	_ = 	snop  }
0x6: {  	_ = 	snop  }
0x7: {  	_ = 	snop  }
__scs_overlays_trampoline_lowered:
0x8: {  	[smem:$0x3FAD] =	sst s0  }
0x9: {  	[smem:$0x3FAE] =	sst s1  }
0xa: {  	[smem:$0x3FAF] =	sst s2  }
0xb: {  	[smem:$0x3FB0] =	sst s3  }
0xc: {  	[smem:$0x3FB1] =	sst s4  }
0xd: {  	[smem:$0x3FB2] =	sst s5  }
0xe: {  	[smem:$0x3FB3] =	sst s6  }
0xf: {  	[smem:$0x3FB4] =	sst s7  }
0x10: {  	[smem:$0x3FB5] =	sst s8  }
0x11: {  	[smem:$0x3FB6] =	sst s9;
	s0 =	simm.s32 @!p0 $0x0  }
0x12: {  	s1 =	sld [smem:$0x3F9C];
	s0 =	simm.s32 @p0 $0x1  }
0x13: {  	[smem:$0x3FB7] =	sst s0;
	s0 =	simm.s32 @!p1 $0x0  }
0x14: {  	s2 =	sld [smem:$0x3F9B];
	s0 =	simm.s32 @p1 $0x1  }
0x15: {  	[smem:$0x3FB8] =	sst s0;
	s0 =	simm.s32 @!p2 $0x0  }
0x16: {  	s3 =	sld [smem:$0x3FDB];
	s0 =	simm.s32 @p2 $0x1  }
0x17: {  	s4 =	simm.s32 $0x1BF5;
	[smem:$0x3FBA] =	sst s0  }
0x18: {  	s0 =	sld [smem:$0x3F9D];
	_ =	swait.ge [sflag:s4], $0x0  }
0x19: {  	s7 =	sld [smem:$0x3F9E]  }
0x1a: {  	s8 =	sadd.s32 $0xFFFFE003, lr  }
0x1b: {  	s9 =	sadd.s32 $0xFFFFFEF7, lr;
	s5 =	simm.s32 $0xFFFFFFFF;
	p2 =	slt.u32 s8, $0xFFFFF086  }
0x1c: {  	p1 =	slt.u32 s9, $0xF7A;
	s5 =	simm.s32 @!p2 $0x0  }
0x1d: {  	s5 =	simm.s32 @p1 $0x1;
	p0 =	seq.s32 s7, s2  }
0x1e: {  	s7 =	smul.u32 @!p0 $0xF7A, s2;
	p2 =	seq.s32 @!p0 s5, $0x0  }
0x1f: {  	s9 =	smul.u32 $0xF7A, s1;
	s8 =	simm.s32 @!p0 $0x1BF5;
	p2 =	por !p2, p0  }
0x20: {  	[sflag:s8] =	ssyncset.s32 @!p0 $0xFFFFF086;
	s6 =	sadd.s32 @!p0 s3, s7;
	s7 =	simm.s32 @!p0 $0x108  }
0x21: {  	s3 =	sadd.s32 s3, s9;
	s6 =	sadd.s32 @!p0 $0x88, s6;
	s7 =	simm.s32 @p2 $0x1082  }
0x22: {  	[simem:s7], [sflag:s8] =	dma.local @!p0 [hbm:s6], $0xF7A  }
0x23: {  	s9 =	sor.u32 $0xD0000000, s2;
	s6 =	simm.s32 $0x108;
	_ =	swait.ge @!p0 [sflag:s8], $0x0  }
0x24: {  	s3 =	sadd.s32 $0x88, s3;
	s6 =	simm.s32 @!p1 $0x1082;
	[sflag:s4] =	ssyncset.s32 $0xFFFFF086  }
0x25: {  	[simem:s6], [sflag:s4] =	dma.local [hbm:s3], $0xF7A  }
0x26: {  	[smem:$0x3F9E] =	sst s1;
	(tag) =	ssettag s2;
	_ =	strace s9  }
0x27: {  	s1 =	sld [smem:$0x3FAE]  }
0x28: {  	s2 =	sld [smem:$0x3FAF]  }
0x29: {  	s4 =	sld [smem:$0x3FB1]  }
0x2a: {  	p0 =	seq.s32 s5, $0x0;
	s5 =	sld [smem:$0x3FB2]  }
0x2b: {  	s6 =	sld [smem:$0x3FB3]  }
0x2c: {  	s7 =	sld [smem:$0x3FB4]  }
0x2d: {  	s3 =	simm.s32 $0x108;
	s8 =	sld [smem:$0x3FB5]  }
0x2e: {  	s3 =	simm.s32 @!p0 $0x1082;
	s9 =	sld [smem:$0x3FB6]  }
0x2f: {  	lr =	sadd.s32 s0, s3;
	s0 =	sld [smem:$0x3FAD]  }
0x30: {  	s3 =	sld [smem:$0x3FB0]  }
0x31: {  	[smem:$0x3FB9] =	sst s10  }
0x32: {  	s10 =	sld [smem:$0x3FB7];
	_ =	sdelay $0x3  }
0x33: {  	p0 =	seq.s32 s10, $0x1;
	s10 =	sld [smem:$0x3FB9];
	_ =	sdelay $0x3  }
0x34: {  	[smem:$0x3FB9] =	sst s10  }
0x35: {  	s10 =	sld [smem:$0x3FB8];
	_ =	sdelay $0x3  }
0x36: {  	p1 =	seq.s32 s10, $0x1;
	s10 =	sld [smem:$0x3FB9];
	_ =	sdelay $0x3  }
0x37: {  	[smem:$0x3FB9] =	sst s10  }
0x38: {  	s10 =	sld [smem:$0x3FBA]  }
0x39: {  	_ = 	snop;
	(pc) =	sbr.ind lr, $3  }
0x3a: {  	_ = 	snop  }
0x3b: {  	_ = 	snop  }
0x3c: {  	p2 =	seq.s32 s10, $0x1;
	s10 =	sld [smem:$0x3FB9]  }
0x3d: {  	_ =	shalt  }
0x3e: {  	_ =	shalt  }
0x3f: {  	_ =	shalt  }
0x40: {  	_ =	shalt  }
0x41: {  	_ =	shalt  }
0x42: {  	_ =	shalt  }
0x43: {  	_ =	shalt  }
0x44: {  	_ =	shalt  }
0x45: {  	_ =	shalt  }
0x46: {  	_ =	shalt  }
0x47: {  	_ =	shalt  }
0x48: {  	_ =	shalt  }
0x49: {  	_ =	shalt  }
0x4a: {  	_ =	shalt  }
0x4b: {  	_ =	shalt  }
0x4c: {  	_ =	shalt  }
0x4d: {  	_ =	shalt  }
0x4e: {  	_ =	shalt  }
0x4f: {  	_ =	shalt  }
0x50: {  	_ =	shalt  }
0x51: {  	_ =	shalt  }
0x52: {  	_ =	shalt  }
0x53: {  	_ =	shalt  }
0x54: {  	_ =	shalt  }
0x55: {  	_ =	shalt  }
0x56: {  	_ =	shalt  }
0x57: {  	_ =	shalt  }
0x58: {  	_ =	shalt  }
0x59: {  	_ =	shalt  }
0x5a: {  	_ =	shalt  }
0x5b: {  	_ =	shalt  }
0x5c: {  	_ =	shalt  }
0x5d: {  	_ =	shalt  }
0x5e: {  	_ =	shalt  }
0x5f: {  	_ =	shalt  }
0x60: {  	_ =	shalt  }
0x61: {  	_ =	shalt  }
0x62: {  	_ =	shalt  }
0x63: {  	_ =	shalt  }
0x64: {  	_ =	shalt  }
0x65: {  	_ =	shalt  }
0x66: {  	_ =	shalt  }
0x67: {  	_ =	shalt  }
0x68: {  	_ =	shalt  }
0x69: {  	_ =	shalt  }
0x6a: {  	_ =	shalt  }
0x6b: {  	_ =	shalt  }
0x6c: {  	_ =	shalt  }
0x6d: {  	_ =	shalt  }
0x6e: {  	_ =	shalt  }
0x6f: {  	_ =	shalt  }
0x70: {  	_ =	shalt  }
0x71: {  	_ =	shalt  }
0x72: {  	_ =	shalt  }
0x73: {  	_ =	shalt  }
0x74: {  	_ =	shalt  }
0x75: {  	_ =	shalt  }
0x76: {  	_ =	shalt  }
0x77: {  	_ =	shalt  }
0x78: {  	_ =	shalt  }
0x79: {  	_ =	shalt  }
0x7a: {  	_ =	shalt  }
0x7b: {  	_ =	shalt  }
0x7c: {  	_ =	shalt  }
0x7d: {  	_ =	shalt  }
0x7e: {  	_ =	shalt  }
0x7f: {  	_ =	shalt  }
0x80: {  	_ =	shalt  }
0x81: {  	_ =	shalt  }
0x82: {  	_ =	shalt  }
0x83: {  	_ =	shalt  }
0x84: {  	_ =	shalt  }
0x85: {  	_ =	shalt  }
0x86: {  	_ =	shalt  }
0x87: {  	_ =	shalt  }
.Lfunc_end0:
.L_simem_size_0:
called_computation.1_lowered:
.L_overlay_start_0:
0x88: {  	s2 =	sld [smem:$0x3FD9]  }
0x89: {  	s3 =	sld [smem:$0x3FFE];
	_ =	sdelay $0x1  }
0x8a: {  	s1 =	srdreg.scid  }
0x8b: {  	s0 =	sand.u32 $0x1, s1  }
0x8c: {  	s17 =	sshll.u32 s0, $0xA;
	s2 =	sadd.s32 s3, s2  }
0x8d: {  	s2 =	sadd.s32 s2, s17  }
0x8e: {  	[smem:$0x3FC5] =	sst s2  }
0x8f: {  	_ = 	snop  }
0x90: {  	s2 =	sld [smem:$0x3FD0];
	(tm) =	ssettm $0x1  }
0x91: {  	s18 =	sld [smem:$0x3FFB];
	_ =	sdelay $0x3  }
0x92: {  	_ =	strace s18  }
0x93: {  	s3 =	sld [smem:$0x3FFC];
	_ =	sdelay $0x3  }
0x94: {  	_ =	strace s3  }
0x95: {  	s3 =	sld [smem:$0x3FFD];
	_ =	sdelay $0x3  }
0x96: {  	_ =	strace s3  }
0x97: {  	_ =	strace $0x8FFFFFFF  }
0x98: {  	s19 =	sld [smem:$0x3FDB];
	_ =	sdelay $0x1  }
0x99: {  	s4 =	simm.s32 $_scs_section_size  }
0x9a: {  	s5 =	simm.s32 $_size__tile_overlayer_lowered;
	s6 =	simm.s32 $_tile_overlayer_lowered  }
0x9b: {  	s22 =	simm.s32 $0x1BFF;
	s21 =	sshll.u32 s6, $0x1;
	s3 =	sadd.s32 s4, s19  }
0x9c: {  	s7 =	simm.s32 $0x0;
	s20 =	sshll.u32 s5, $0x1;
	s5 =	sadd.s32 s21, s3  }
0x9d: {  	[timem:s7], [sflag:s22] =	dma.local [hbm:s5], s20  }
0x9e: {  	_ =	swait.ge [sflag:s22], s20  }
0x9f: {  	s4 =	ssub.s32 $0x0, s20;
	[sflag:s22] =	ssyncset.done $0x0  }
0xa0: {  	[sflag:s22] =	ssyncadd.s32 s4;
	_ =	sdelay $0x1  }
0xa1: {  	s23 =	simm.s32 $0x1B8B  }
0xa2: {  	_ =	swait.ge [sflag:s23], $0x1  }
0xa3: {  	[sflag:s23] =	ssyncset.done $0x0  }
0xa4: {  	s25 =	simm.s32 $0x1B8E;
	s24 =	sld [smem:$0x3FFE];
	[sflag:s23] =	ssyncadd.s32 $0xFFFFFFFF  }
0xa5: {  	s26 =	simm.s32 $execute0_lowered;
	[smem:$0x3FD2] =	sst s25  }
0xa6: {  	s5 =	sshll.u32 s26, $0x1;
	_ =	strace $0x80000049;
	[dreg:$0x1] =	wrdreg $0xFFFFFFFF  }
0xa7: {  	s28 =	simm.s32 $_size_execute0_lowered;
	s3 =	sadd.s32 s3, s5;
	[dreg:$0x0] =	wrdreg $0x0  }
0xa8: {  	s5 =	sshll.u32 s28, $0x1;
	[dreg:$0x2] =	wrdreg s3  }
0xa9: {  	[dreg:$0x3] =	wrdreg s5  }
0xaa: {  	[dreg:$0x4] =	wrdreg $0xC0  }
0xab: {  	_ =	task [dreg:s7], $0x5FFFF  }
0xac: {  	[dreg:$0x1] =	wrdreg $0xFFFFFFFF  }
0xad: {  	[dreg:$0x0] =	wrdreg $0x60  }
0xae: {  	[dreg:$0x2] =	wrdreg s24  }
0xaf: {  	[dreg:$0x3] =	wrdreg s2  }
0xb0: {  	[dreg:$0x4] =	wrdreg $0x9  }
0xb1: {  	_ =	task.clear_ibuf [dreg:s7], $0x5FFFF;
	_ =	strace $0x90000049  }
0xb2: {  	s29 =	simm.s32 $0x9;
	_ =	strace $0x8000004B  }
0xb3: {  	_ =	swait.ge [sflag:s29], $0x1  }
0xb4: {  	[sflag:s29] =	ssyncadd.s32 $0xFFFFFFFF  }
0xb5: {  	_ =	strace $0x9000004B  }
0xb6: {  	_ =	sfence  }
0xb7: {  	s30 =	sld [smem:$0x0];
	_ =	sdelay $0x2  }
0xb8: {  	s31 =	sshll.u32 s1, $0xD;
	s1 =	sshrl.u32 s1, $0x2  }
0xb9: {  	s3 =	sand.u32 $0x4000, s31;
	s1 =	sadd.s32 s1, s30  }
0xba: {  	s0 =	sor.u32 s3, s0;
	s1 =	sshll.u32 s1, $0x11  }
0xbb: {  	s0 =	sor.u32 s1, s0  }
0xbc: {  	s0 =	sadd.s32 $0x8F2B, s0  }
0xbd: {  	[sflag:s0] =	ssyncadd.remote.s32 $0x1  }
0xbe: {  	_ =	sfence.sel $0xFFFF  }
0xbf: {  	[dreg:$0x0] =	wrdreg $0xFFFFFFFF;
	(pc) =	sbr.abs _section_cstart, $3  }
0xc0: {  	[dreg:$0x1] =	wrdreg $0xFFFFFFFF  }
0xc1: {  	_ =	task.clear_ibuf [dreg:s7], $0x2FFFF;
	_ =	strace $0x9FFFFFFF  }
0xc2: {  	(tm) =	ssettm $0x7FFFFFFF  }
0xc3: {  	_ =	shalt  }
tec
execute0_lowered:
.L_overlay_start_1:
0x0: {  	(tag) =	ssettag $0x1  }
0x1: {  	s0 =	rddreg [dreg:$0x0]  }
0x2: {  	s1 =	rddreg [dreg:$0x1]  }
0x3: {  	s2 =	srdreg.scid;
	s3 =	stileid.u32  }
0x4: {  	s28 =	simm.s32 $0x4;
	s30 =	simm.s32 $0x7;
	s31 =	simm.s32 $0x8  }
0x5: {  	s29 =	simm.s32 $0x4200;
	s6 =	sand.u32 $0x1, s2;
	s2 =	simm.s32 $0x0  }
0x6: {  	s3 =	sshll.u32 s3, $0x8;
	s4 =	sshll.u32 s6, $0x7;
	[smem:$0x7FF] =	sst s2  }
0x7: {  	s6 =	ssub.s32 $0x2, s6;
	s7 =	sor.u32 s4, s3;
	_ =	strace $0x8000004A  }
0x8: {  	s4 =	sadd.s32 $0x200, s0;
	s3 =	sshrl.u32 s7, $0x3;
	s8 =	sor.u32 $0x10, s7  }
0x9: {  	s19 =	sshll.u32 s7, $0x7;
	s10 =	sor.u32 $0x20, s7;
	s5 =	sadd.s32 s1, s3  }
0xa: {  	s26 =	sor.u32 $0x30, s7;
	s3 =	sadd.s32 s0, s3;
	[dreg:$0x3] =	wrdreg s5  }
0xb: {  	s9 =	sshrl.u32 s8, $0x3;
	s20 =	sadd.s32 s4, s19;
	[dreg:$0x4] =	wrdreg s3  }
0xc: {  	s16 =	sor.u32 $0x40, s7;
	s17 =	sadd.s32 s1, s9;
	[dreg:$0x7] =	wrdreg s20  }
0xd: {  	s22 =	sshrl.u32 s10, $0x3;
	s18 =	sadd.s32 s0, s9;
	[dreg:$0x5] =	wrdreg s17  }
0xe: {  	s8 =	sshll.u32 s8, $0x7;
	s23 =	sadd.s32 s1, s22;
	[dreg:$0x6] =	wrdreg s18  }
0xf: {  	s11 =	sshrl.u32 s26, $0x3;
	s24 =	sadd.s32 s0, s22;
	[dreg:$0x9] =	wrdreg s23  }
0x10: {  	s14 =	sshll.u32 s10, $0x7;
	s25 =	sadd.s32 s4, s8;
	[dreg:$0xa] =	wrdreg s24  }
0x11: {  	s5 =	sadd.s32 $0x80200, s0;
	s12 =	sadd.s32 s1, s11;
	[dreg:$0xb] =	wrdreg s25  }
0x12: {  	s13 =	sadd.s32 s0, s11;
	s15 =	sadd.s32 s4, s14;
	[dreg:$0xd] =	wrdreg s12  }
0x13: {  	s11 =	sshll.u32 s16, $0x7;
	s3 =	sadd.s32 $0x180200, s0;
	[dreg:$0xe] =	wrdreg s13  }
0x14: {  	s21 =	sadd.s32 s5, s19;
	s8 =	sadd.s32 s5, s8;
	[dreg:$0xf] =	wrdreg s15  }
0x15: {  	s17 =	sadd.s32 s5, s14;
	s18 =	sshrl.u32 s16, $0x3;
	[dreg:$0x8] =	wrdreg s21  }
0x16: {  	s23 =	sor.u32 $0x50, s7;
	s12 =	sadd.s32 s4, s11;
	[dreg:$0xc] =	wrdreg s8  }
0x17: {  	s13 =	sor.u32 $0x60, s7;
	s7 =	sor.u32 $0x70, s7;
	[dreg:$0x10] =	wrdreg s17  }
0x18: {  	s19 =	sadd.s32 s1, s18;
	s20 =	sadd.s32 s0, s18;
	[dreg:$0x17] =	wrdreg s12  }
0x19: {  	s21 =	sshll.u32 s26, $0x7;
	s25 =	sshrl.u32 s23, $0x3;
	[dreg:$0x11] =	wrdreg s19  }
0x1a: {  	s9 =	sshll.u32 s23, $0x7;
	[dreg:$0x12] =	wrdreg s20;
	s22 =	sadd.s32 s4, s21  }
0x1b: {  	s18 =	sshrl.u32 s7, $0x3;
	s24 =	sadd.s32 s5, s21;
	[dreg:$0x13] =	wrdreg s22  }
0x1c: {  	s7 =	sshll.u32 s7, $0x7;
	s26 =	sadd.s32 s1, s25;
	[dreg:$0x14] =	wrdreg s24  }
0x1d: {  	s8 =	sadd.s32 s0, s25;
	s16 =	sadd.s32 s4, s9;
	[dreg:$0x15] =	wrdreg s26  }
0x1e: {  	s17 =	sadd.s32 s5, s9;
	s19 =	sadd.s32 s0, s18;
	[dreg:$0x16] =	wrdreg s8  }
0x1f: {  	s20 =	sshll.u32 s13, $0x7;
	s21 =	sshrl.u32 s6, $0x1;
	[dreg:$0x1b] =	wrdreg s16  }
0x20: {  	s25 =	sadd.s32 s4, s7;
	s9 =	simm.s32 $0xC200;
	[dreg:$0x1c] =	wrdreg s17  }
0x21: {  	s8 =	sadd.s32 s5, s11;
	s11 =	sshrl.u32 s13, $0x3;
	[dreg:$0x1e] =	wrdreg s19  }
0x22: {  	s22 =	sadd.s32 s4, s20;
	s23 =	sadd.s32 s5, s20;
	s24 =	ssub.s32 s6, s21  }
0x23: {  	s4 =	sadd.s32 $0x180300, s0;
	[smem:$0x7FC] =	sst s25;
	s26 =	sadd.s32 s5, s7  }
0x24: {  	s5 =	sadd.s32 $0x180400, s0;
	s6 =	sadd.s32 $0x180500, s0;
	[dreg:$0x18] =	wrdreg s8  }
0x25: {  	s25 =	simm.s32 $0x6;
	s13 =	simm.s32 $0x8200;
	[dreg:$0x1f] =	wrdreg s22  }
0x26: {  	s14 =	sadd.s32 s1, s11;
	s15 =	sadd.s32 s0, s11;
	[smem:$0x7FB] =	sst s23  }
0x27: {  	s1 =	sadd.s32 s1, s18;
	[smem:$0x7FD] =	sst s26;
	s7 =	smax.u32 s24, $0x1  }
0x28: {  	v2 =	vlaneseq.u32;
	s8 =	simm.s32 $0x9;
	s22 =	simm.s32 $0x1;
	[dreg:$0x19] =	wrdreg s14  }
0x29: {  	vm0 =	vmmov $0xffff;
	v1 =	vshrl.u32 v2, $0x3;
	s23 =	simm.s32 $0x2;
	s24 =	simm.s32 $0x5;
	[dreg:$0x1a] =	wrdreg s15  }
0x2a: {  	v0 =	vand.u32 $0x7, v2;
	v2 =	vor.u32 $0x8, v2;
	v1 =	vmul.u32 $0x8, v1;
	s26 =	simm.s32 $0x3;
	s18 =	simm.s32 $0x200;
	[dreg:$0x1d] =	wrdreg s1  }
.LBB2_1:
0x2b: {  	s0 =	rddreg [dreg:$0x3]  }
0x2c: {  	[tilespmem:s2], [sflag:$0x9] =	stream.linear.gather [hbm4b:s0+s2], $0x10, $0x38;
	[tilespmem:$0x10200] =	vst v63  }
0x2d: {  	_ =	swait.ge [sflag:s8], $0x10  }
0x2e: {  	[sflag:s8] =	ssyncset.done $0x0  }
0x2f: {  	s1 =	simm.s32 $0x80;
	s12 =	rddreg [dreg:$0x4];
	[sflag:s8] =	ssyncadd.s32 $0xFFFFFFF0  }
0x30: {  	[tilespmem:s1], [sflag:$0x9] =	stream.linear.gather [hbm4b:s12+s2], $0x10, $0x38;
	[tilespmem:$0x10200] =	vst v63  }
0x31: {  	_ =	swait.ge [sflag:s8], $0x10  }
0x32: {  	[sflag:s8] =	ssyncset.done $0x0  }
0x33: {  	[sflag:s8] =	ssyncadd.s32 $0xFFFFFFF0  }
0x34: {  	v3 =	vld [tilespmem:$0x0];
	_ =	sdelay $0x4  }
0x35: {  	v4 =	vshll.u32 v3, $0x3  }
0x36: {  	v3 =	vand.u32 $0x7, v3;
	v4 =	vand.u32 $0xFFFFFFC0, v4  }
0x37: {  	v3 =	vor.u32 v3, v4  }
0x38: {  	v4 =	vperm.xlane v3, v0;
	_ =	sdelay $0x1  }
0x39: {  	v4 =	vadd.s32 v1, v4;
	_ =	sdelay $0x4  }
0x3a: {  	[tilespmem:s18], [sflag:$0x1] =	stream.indirect_vreg.gather [hbm4b:s3+s2], $0x80, v4, vm0, $0xb8;
	[tilespmem:$0x10200] =	vst v63  }
0x3b: {  	s14 =	simm.s32 $0xA00;
	v3 =	vperm.xlane v3, v2  }
0x3c: {  	[tilespmem:s14], [sflag:$0x1] =	stream.indirect_vreg.gather [hbm4b:s4+s2], $0x80, v4, vm0, $0xb8;
	[tilespmem:$0x10200] =	vst v63  }
0x3d: {  	s15 =	simm.s32 $0x1200;
	v3 =	vadd.s32 v1, v3  }
0x3e: {  	[tilespmem:s15], [sflag:$0x1] =	stream.indirect_vreg.gather [hbm4b:s5+s2], $0x80, v4, vm0, $0xb8;
	[tilespmem:$0x10200] =	vst v63  }
0x3f: {  	s16 =	simm.s32 $0x1A00  }
0x40: {  	[tilespmem:s16], [sflag:$0x1] =	stream.indirect_vreg.gather [hbm4b:s6+s2], $0x80, v4, vm0, $0xb8;
	[tilespmem:$0x10200] =	vst v63  }
0x41: {  	s17 =	simm.s32 $0x2200  }
0x42: {  	[tilespmem:s17], [sflag:$0x1] =	stream.indirect_vreg.gather [hbm4b:s3+s2], $0x80, v3, vm0, $0xb8;
	[tilespmem:$0x10200] =	vst v63  }
0x43: {  	s19 =	simm.s32 $0x2A00  }
0x44: {  	[tilespmem:s19], [sflag:$0x1] =	stream.indirect_vreg.gather [hbm4b:s4+s2], $0x80, v3, vm0, $0xb8;
	[tilespmem:$0x10200] =	vst v63  }
0x45: {  	s1 =	simm.s32 $0x3200  }
0x46: {  	[tilespmem:s1], [sflag:$0x1] =	stream.indirect_vreg.gather [hbm4b:s5+s2], $0x80, v3, vm0, $0xb8;
	[tilespmem:$0x10200] =	vst v63  }
0x47: {  	s10 =	simm.s32 $0x3A00  }
0x48: {  	[tilespmem:s10], [sflag:$0x1] =	stream.indirect_vreg.gather [hbm4b:s6+s2], $0x80, v3, vm0, $0xb8;
	[tilespmem:$0x10200] =	vst v63  }
0x49: {  	v3 =	vld [tilespmem:$0x80];
	_ =	sdelay $0x4  }
0x4a: {  	v49 =	vshll.u32 v3, $0x3  }
0x4b: {  	v3 =	vand.u32 $0x7, v3;
	v4 =	vand.u32 $0xFFFFFFC0, v49  }
0x4c: {  	v3 =	vor.u32 v3, v4  }
0x4d: {  	v4 =	vperm.xlane v3, v0;
	_ =	sdelay $0x1  }
0x4e: {  	v4 =	vadd.s32 v1, v4;
	_ =	sdelay $0x4  }
0x4f: {  	[tilespmem:s29], [sflag:$0x2] =	stream.indirect_vreg.gather [hbm4b:s3+s2], $0x80, v4, vm0, $0xb8;
	[tilespmem:$0x10200] =	vst v63  }
0x50: {  	s11 =	simm.s32 $0x4A00;
	v3 =	vperm.xlane v3, v2  }
0x51: {  	[tilespmem:s11], [sflag:$0x2] =	stream.indirect_vreg.gather [hbm4b:s4+s2], $0x80, v4, vm0, $0xb8;
	[tilespmem:$0x10200] =	vst v63  }
0x52: {  	s12 =	simm.s32 $0x5200;
	v3 =	vadd.s32 v1, v3  }
0x53: {  	[tilespmem:s12], [sflag:$0x2] =	stream.indirect_vreg.gather [hbm4b:s5+s2], $0x80, v4, vm0, $0xb8;
	[tilespmem:$0x10200] =	vst v63  }
0x54: {  	s15 =	simm.s32 $0x5A00  }
0x55: {  	[tilespmem:s15], [sflag:$0x2] =	stream.indirect_vreg.gather [hbm4b:s6+s2], $0x80, v4, vm0, $0xb8;
	[tilespmem:$0x10200] =	vst v63  }
0x56: {  	s16 =	simm.s32 $0x6200  }
0x57: {  	[tilespmem:s16], [sflag:$0x2] =	stream.indirect_vreg.gather [hbm4b:s3+s2], $0x80, v3, vm0, $0xb8;
	[tilespmem:$0x10200] =	vst v63  }
0x58: {  	s17 =	simm.s32 $0x6A00  }
0x59: {  	[tilespmem:s17], [sflag:$0x2] =	stream.indirect_vreg.gather [hbm4b:s4+s2], $0x80, v3, vm0, $0xb8;
	[tilespmem:$0x10200] =	vst v63  }
0x5a: {  	s1 =	simm.s32 $0x7200  }
0x5b: {  	[tilespmem:s1], [sflag:$0x2] =	stream.indirect_vreg.gather [hbm4b:s5+s2], $0x80, v3, vm0, $0xb8;
	[tilespmem:$0x10200] =	vst v63  }
0x5c: {  	s10 =	simm.s32 $0x7A00  }
0x5d: {  	[tilespmem:s10], [sflag:$0x2] =	stream.indirect_vreg.gather [hbm4b:s6+s2], $0x80, v3, vm0, $0xb8;
	[tilespmem:$0x10200] =	vst v63  }
0x5e: {  	s0 =	rddreg [dreg:$0x5];
	s1 =	simm.s32 $0x100  }
0x5f: {  	[tilespmem:s1], [sflag:$0x9] =	stream.linear.gather [hbm4b:s0+s2], $0x10, $0x38;
	[tilespmem:$0x10200] =	vst v63  }
0x60: {  	_ =	swait.ge [sflag:s8], $0x10  }
0x61: {  	[sflag:s8] =	ssyncset.done $0x0  }
0x62: {  	s1 =	simm.s32 $0x180;
	s0 =	rddreg [dreg:$0x6];
	[sflag:s8] =	ssyncadd.s32 $0xFFFFFFF0  }
0x63: {  	[tilespmem:s1], [sflag:$0x9] =	stream.linear.gather [hbm4b:s0+s2], $0x10, $0x38;
	[tilespmem:$0x10200] =	vst v63  }
0x64: {  	_ =	swait.ge [sflag:s8], $0x10  }
0x65: {  	[sflag:s8] =	ssyncset.done $0x0  }
0x66: {  	[sflag:s8] =	ssyncadd.s32 $0xFFFFFFF0  }
0x67: {  	v3 =	vld [tilespmem:$0x100];
	_ =	sdelay $0x4  }
0x68: {  	v50 =	vshll.u32 v3, $0x3  }
0x69: {  	v3 =	vand.u32 $0x7, v3;
	v4 =	vand.u32 $0xFFFFFFC0, v50  }
0x6a: {  	v3 =	vor.u32 v3, v4  }
0x6b: {  	v4 =	vperm.xlane v3, v0;
	_ =	sdelay $0x1  }
0x6c: {  	v4 =	vadd.s32 v1, v4;
	_ =	sdelay $0x4  }
0x6d: {  	[tilespmem:s13], [sflag:$0x3] =	stream.indirect_vreg.gather [hbm4b:s3+s2], $0x80, v4, vm0, $0xb8;
	[tilespmem:$0x10200] =	vst v63  }
0x6e: {  	s1 =	simm.s32 $0x8A00;
	v3 =	vperm.xlane v3, v2  }
0x6f: {  	[tilespmem:s1], [sflag:$0x3] =	stream.indirect_vreg.gather [hbm4b:s4+s2], $0x80, v4, vm0, $0xb8;
	[tilespmem:$0x10200] =	vst v63  }
0x70: {  	v3 =	vadd.s32 v1, v3;
	s1 =	simm.s32 $0x9200  }
0x71: {  	[tilespmem:s1], [sflag:$0x3] =	stream.indirect_vreg.gather [hbm4b:s5+s2], $0x80, v4, vm0, $0xb8;
	[tilespmem:$0x10200] =	vst v63  }
0x72: {  	s1 =	simm.s32 $0x9A00  }
0x73: {  	[tilespmem:s1], [sflag:$0x3] =	stream.indirect_vreg.gather [hbm4b:s6+s2], $0x80, v4, vm0, $0xb8;
	[tilespmem:$0x10200] =	vst v63  }
0x74: {  	s1 =	simm.s32 $0xA200  }
0x75: {  	[tilespmem:s1], [sflag:$0x3] =	stream.indirect_vreg.gather [hbm4b:s3+s2], $0x80, v3, vm0, $0xb8;
	[tilespmem:$0x10200] =	vst v63  }
0x76: {  	s1 =	simm.s32 $0xAA00  }
0x77: {  	[tilespmem:s1], [sflag:$0x3] =	stream.indirect_vreg.gather [hbm4b:s4+s2], $0x80, v3, vm0, $0xb8;
	[tilespmem:$0x10200] =	vst v63  }
0x78: {  	s1 =	simm.s32 $0xB200  }
0x79: {  	[tilespmem:s1], [sflag:$0x3] =	stream.indirect_vreg.gather [hbm4b:s5+s2], $0x80, v3, vm0, $0xb8;
	[tilespmem:$0x10200] =	vst v63  }
0x7a: {  	s1 =	simm.s32 $0xBA00  }
0x7b: {  	[tilespmem:s1], [sflag:$0x3] =	stream.indirect_vreg.gather [hbm4b:s6+s2], $0x80, v3, vm0, $0xb8;
	[tilespmem:$0x10200] =	vst v63  }
0x7c: {  	v3 =	vld [tilespmem:$0x180];
	_ =	sdelay $0x4  }
0x7d: {  	v51 =	vshll.u32 v3, $0x3  }
0x7e: {  	v3 =	vand.u32 $0x7, v3;
	v4 =	vand.u32 $0xFFFFFFC0, v51  }
0x7f: {  	v3 =	vor.u32 v3, v4  }
0x80: {  	v4 =	vperm.xlane v3, v0;
	_ =	sdelay $0x1  }
0x81: {  	v4 =	vadd.s32 v1, v4;
	_ =	sdelay $0x4  }
0x82: {  	[tilespmem:s9], [sflag:$0x4] =	stream.indirect_vreg.gather [hbm4b:s3+s2], $0x80, v4, vm0, $0xb8;
	[tilespmem:$0x10200] =	vst v63  }
0x83: {  	s1 =	simm.s32 $0xCA00;
	v3 =	vperm.xlane v3, v2  }
0x84: {  	[tilespmem:s1], [sflag:$0x4] =	stream.indirect_vreg.gather [hbm4b:s4+s2], $0x80, v4, vm0, $0xb8;
	[tilespmem:$0x10200] =	vst v63  }
0x85: {  	v3 =	vadd.s32 v1, v3;
	s1 =	simm.s32 $0xD200  }
0x86: {  	[tilespmem:s1], [sflag:$0x4] =	stream.indirect_vreg.gather [hbm4b:s5+s2], $0x80, v4, vm0, $0xb8;
	[tilespmem:$0x10200] =	vst v63  }
0x87: {  	s1 =	simm.s32 $0xDA00  }
0x88: {  	[tilespmem:s1], [sflag:$0x4] =	stream.indirect_vreg.gather [hbm4b:s6+s2], $0x80, v4, vm0, $0xb8;
	[tilespmem:$0x10200] =	vst v63  }
0x89: {  	s1 =	simm.s32 $0xE200  }
0x8a: {  	[tilespmem:s1], [sflag:$0x4] =	stream.indirect_vreg.gather [hbm4b:s3+s2], $0x80, v3, vm0, $0xb8;
	[tilespmem:$0x10200] =	vst v63  }
0x8b: {  	s1 =	simm.s32 $0xEA00  }
0x8c: {  	[tilespmem:s1], [sflag:$0x4] =	stream.indirect_vreg.gather [hbm4b:s4+s2], $0x80, v3, vm0, $0xb8;
	[tilespmem:$0x10200] =	vst v63  }
0x8d: {  	s1 =	simm.s32 $0xF200  }
0x8e: {  	[tilespmem:s1], [sflag:$0x4] =	stream.indirect_vreg.gather [hbm4b:s5+s2], $0x80, v3, vm0, $0xb8;
	[tilespmem:$0x10200] =	vst v63  }
0x8f: {  	s1 =	simm.s32 $0xFA00  }
0x90: {  	[tilespmem:s1], [sflag:$0x4] =	stream.indirect_vreg.gather [hbm4b:s6+s2], $0x80, v3, vm0, $0xb8;
	[tilespmem:$0x10200] =	vst v63  }
0x91: {  	_ =	swait.ge [sflag:s22], $0x4000  }
0x92: {  	[sflag:s22] =	ssyncset.done $0x0  }
0x93: {  	[sflag:s22] =	ssyncadd.s32 $0xFFFFC000  }
0x94: {  	_ =	swait.ge [sflag:s23], $0x4000  }
0x95: {  	[sflag:s23] =	ssyncset.done $0x0  }
0x96: {  	s0 =	rddreg [dreg:$0x7];
	[sflag:s23] =	ssyncadd.s32 $0xFFFFC000  }
0x97: {  	[hbm4b:s0+s2] =	stream.linear.scatter [tilespmem:s18], [sflag:$0x5], $0x4000, $0x38;
	[tilespmem:$0x10200] =	vst v63  }
0x98: {  	s1 =	rddreg [dreg:$0x8]  }
0x99: {  	[hbm4b:s1+s2] =	stream.linear.scatter [tilespmem:s29], [sflag:$0x6], $0x4000, $0x38;
	[tilespmem:$0x10200] =	vst v63  }
0x9a: {  	_ =	swait.ge [sflag:s24], $0x4000  }
0x9b: {  	[sflag:s24] =	ssyncset.done $0x0  }
0x9c: {  	[sflag:s24] =	ssyncadd.s32 $0xFFFFC000  }
0x9d: {  	_ =	swait.ge [sflag:s25], $0x4000  }
0x9e: {  	[sflag:s25] =	ssyncset.done $0x0  }
0x9f: {  	s1 =	rddreg [dreg:$0x9];
	[sflag:s25] =	ssyncadd.s32 $0xFFFFC000  }
0xa0: {  	[tilespmem:s2], [sflag:$0x9] =	stream.linear.gather [hbm4b:s1+s2], $0x10, $0x38;
	[tilespmem:$0x10200] =	vst v63  }
0xa1: {  	_ =	swait.ge [sflag:s8], $0x10  }
0xa2: {  	[sflag:s8] =	ssyncset.done $0x0  }
0xa3: {  	s20 =	simm.s32 $0x80;
	s1 =	rddreg [dreg:$0xa];
	[sflag:s8] =	ssyncadd.s32 $0xFFFFFFF0  }
0xa4: {  	[tilespmem:s20], [sflag:$0x9] =	stream.linear.gather [hbm4b:s1+s2], $0x10, $0x38;
	[tilespmem:$0x10200] =	vst v63  }
0xa5: {  	_ =	swait.ge [sflag:s8], $0x10  }
0xa6: {  	[sflag:s8] =	ssyncset.done $0x0  }
0xa7: {  	[sflag:s8] =	ssyncadd.s32 $0xFFFFFFF0  }
0xa8: {  	v3 =	vld [tilespmem:$0x0];
	_ =	sdelay $0x4  }
0xa9: {  	v52 =	vshll.u32 v3, $0x3  }
0xaa: {  	v3 =	vand.u32 $0x7, v3;
	v4 =	vand.u32 $0xFFFFFFC0, v52  }
0xab: {  	v3 =	vor.u32 v3, v4  }
0xac: {  	v4 =	vperm.xlane v3, v0;
	_ =	sdelay $0x1  }
0xad: {  	v4 =	vadd.s32 v1, v4;
	_ =	sdelay $0x4  }
0xae: {  	[tilespmem:s18], [sflag:$0x1] =	stream.indirect_vreg.gather [hbm4b:s3+s2], $0x80, v4, vm0, $0xb8;
	[tilespmem:$0x10200] =	vst v63  }
0xaf: {  	s21 =	simm.s32 $0xA00;
	v3 =	vperm.xlane v3, v2  }
0xb0: {  	[tilespmem:s21], [sflag:$0x1] =	stream.indirect_vreg.gather [hbm4b:s4+s2], $0x80, v4, vm0, $0xb8;
	[tilespmem:$0x10200] =	vst v63  }
0xb1: {  	s1 =	simm.s32 $0x1200;
	v3 =	vadd.s32 v1, v3  }
0xb2: {  	[tilespmem:s1], [sflag:$0x1] =	stream.indirect_vreg.gather [hbm4b:s5+s2], $0x80, v4, vm0, $0xb8;
	[tilespmem:$0x10200] =	vst v63  }
0xb3: {  	s20 =	simm.s32 $0x1A00  }
0xb4: {  	[tilespmem:s20], [sflag:$0x1] =	stream.indirect_vreg.gather [hbm4b:s6+s2], $0x80, v4, vm0, $0xb8;
	[tilespmem:$0x10200] =	vst v63  }
0xb5: {  	s21 =	simm.s32 $0x2200  }
0xb6: {  	[tilespmem:s21], [sflag:$0x1] =	stream.indirect_vreg.gather [hbm4b:s3+s2], $0x80, v3, vm0, $0xb8;
	[tilespmem:$0x10200] =	vst v63  }
0xb7: {  	s1 =	simm.s32 $0x2A00  }
0xb8: {  	[tilespmem:s1], [sflag:$0x1] =	stream.indirect_vreg.gather [hbm4b:s4+s2], $0x80, v3, vm0, $0xb8;
	[tilespmem:$0x10200] =	vst v63  }
0xb9: {  	s19 =	simm.s32 $0x3200  }
0xba: {  	[tilespmem:s19], [sflag:$0x1] =	stream.indirect_vreg.gather [hbm4b:s5+s2], $0x80, v3, vm0, $0xb8;
	[tilespmem:$0x10200] =	vst v63  }
0xbb: {  	s14 =	simm.s32 $0x3A00  }
0xbc: {  	[tilespmem:s14], [sflag:$0x1] =	stream.indirect_vreg.gather [hbm4b:s6+s2], $0x80, v3, vm0, $0xb8;
	[tilespmem:$0x10200] =	vst v63  }
0xbd: {  	v3 =	vld [tilespmem:$0x80];
	_ =	sdelay $0x4  }
0xbe: {  	v53 =	vshll.u32 v3, $0x3  }
0xbf: {  	v3 =	vand.u32 $0x7, v3;
	v4 =	vand.u32 $0xFFFFFFC0, v53  }
0xc0: {  	v3 =	vor.u32 v3, v4  }
0xc1: {  	v4 =	vperm.xlane v3, v0;
	_ =	sdelay $0x1  }
0xc2: {  	v4 =	vadd.s32 v1, v4;
	_ =	sdelay $0x4  }
0xc3: {  	[tilespmem:s29], [sflag:$0x2] =	stream.indirect_vreg.gather [hbm4b:s3+s2], $0x80, v4, vm0, $0xb8;
	[tilespmem:$0x10200] =	vst v63  }
0xc4: {  	s11 =	simm.s32 $0x4A00;
	v3 =	vperm.xlane v3, v2  }
0xc5: {  	[tilespmem:s11], [sflag:$0x2] =	stream.indirect_vreg.gather [hbm4b:s4+s2], $0x80, v4, vm0, $0xb8;
	[tilespmem:$0x10200] =	vst v63  }
0xc6: {  	s14 =	simm.s32 $0x5200;
	v3 =	vadd.s32 v1, v3  }
0xc7: {  	[tilespmem:s14], [sflag:$0x2] =	stream.indirect_vreg.gather [hbm4b:s5+s2], $0x80, v4, vm0, $0xb8;
	[tilespmem:$0x10200] =	vst v63  }
0xc8: {  	s15 =	simm.s32 $0x5A00  }
0xc9: {  	[tilespmem:s15], [sflag:$0x2] =	stream.indirect_vreg.gather [hbm4b:s6+s2], $0x80, v4, vm0, $0xb8;
	[tilespmem:$0x10200] =	vst v63  }
0xca: {  	s16 =	simm.s32 $0x6200  }
0xcb: {  	[tilespmem:s16], [sflag:$0x2] =	stream.indirect_vreg.gather [hbm4b:s3+s2], $0x80, v3, vm0, $0xb8;
	[tilespmem:$0x10200] =	vst v63  }
0xcc: {  	s17 =	simm.s32 $0x6A00  }
0xcd: {  	[tilespmem:s17], [sflag:$0x2] =	stream.indirect_vreg.gather [hbm4b:s4+s2], $0x80, v3, vm0, $0xb8;
	[tilespmem:$0x10200] =	vst v63  }
0xce: {  	s12 =	simm.s32 $0x7200  }
0xcf: {  	[tilespmem:s12], [sflag:$0x2] =	stream.indirect_vreg.gather [hbm4b:s5+s2], $0x80, v3, vm0, $0xb8;
	[tilespmem:$0x10200] =	vst v63  }
0xd0: {  	s10 =	simm.s32 $0x7A00  }
0xd1: {  	[tilespmem:s10], [sflag:$0x2] =	stream.indirect_vreg.gather [hbm4b:s6+s2], $0x80, v3, vm0, $0xb8;
	[tilespmem:$0x10200] =	vst v63  }
0xd2: {  	_ =	swait.ge [sflag:s26], $0x4000  }
0xd3: {  	[sflag:s26] =	ssyncset.done $0x0  }
0xd4: {  	[sflag:s26] =	ssyncadd.s32 $0xFFFFC000  }
0xd5: {  	_ =	swait.ge [sflag:s28], $0x4000  }
0xd6: {  	[sflag:s28] =	ssyncset.done $0x0  }
0xd7: {  	s17 =	rddreg [dreg:$0xb];
	[sflag:s28] =	ssyncadd.s32 $0xFFFFC000  }
0xd8: {  	[hbm4b:s17+s2] =	stream.linear.scatter [tilespmem:s13], [sflag:$0x7], $0x4000, $0x38;
	[tilespmem:$0x10200] =	vst v63  }
0xd9: {  	s19 =	rddreg [dreg:$0xc]  }
0xda: {  	[hbm4b:s19+s2] =	stream.linear.scatter [tilespmem:s9], [sflag:$0x8], $0x4000, $0x38;
	[tilespmem:$0x10200] =	vst v63  }
0xdb: {  	_ =	swait.ge [sflag:s30], $0x4000  }
0xdc: {  	[sflag:s30] =	ssyncset.done $0x0  }
0xdd: {  	[sflag:s30] =	ssyncadd.s32 $0xFFFFC000  }
0xde: {  	_ =	swait.ge [sflag:s31], $0x4000  }
0xdf: {  	[sflag:s31] =	ssyncset.done $0x0  }
0xe0: {  	s21 =	simm.s32 $0x100;
	s20 =	rddreg [dreg:$0xd];
	[sflag:s31] =	ssyncadd.s32 $0xFFFFC000  }
0xe1: {  	[tilespmem:s21], [sflag:$0x9] =	stream.linear.gather [hbm4b:s20+s2], $0x10, $0x38;
	[tilespmem:$0x10200] =	vst v63  }
0xe2: {  	_ =	swait.ge [sflag:s8], $0x10  }
0xe3: {  	[sflag:s8] =	ssyncset.done $0x0  }
0xe4: {  	s11 =	simm.s32 $0x180;
	s10 =	rddreg [dreg:$0xe];
	[sflag:s8] =	ssyncadd.s32 $0xFFFFFFF0  }
0xe5: {  	[tilespmem:s11], [sflag:$0x9] =	stream.linear.gather [hbm4b:s10+s2], $0x10, $0x38;
	[tilespmem:$0x10200] =	vst v63  }
0xe6: {  	_ =	swait.ge [sflag:s8], $0x10  }
0xe7: {  	[sflag:s8] =	ssyncset.done $0x0  }
0xe8: {  	[sflag:s8] =	ssyncadd.s32 $0xFFFFFFF0  }
0xe9: {  	v3 =	vld [tilespmem:$0x100];
	_ =	sdelay $0x4  }
0xea: {  	v54 =	vshll.u32 v3, $0x3  }
0xeb: {  	v3 =	vand.u32 $0x7, v3;
	v4 =	vand.u32 $0xFFFFFFC0, v54  }
0xec: {  	v3 =	vor.u32 v3, v4  }
0xed: {  	v4 =	vperm.xlane v3, v0;
	_ =	sdelay $0x1  }
0xee: {  	v4 =	vadd.s32 v1, v4;
	_ =	sdelay $0x4  }
0xef: {  	[tilespmem:s13], [sflag:$0x3] =	stream.indirect_vreg.gather [hbm4b:s3+s2], $0x80, v4, vm0, $0xb8;
	[tilespmem:$0x10200] =	vst v63  }
0xf0: {  	s12 =	simm.s32 $0x8A00;
	v3 =	vperm.xlane v3, v2  }
0xf1: {  	[tilespmem:s12], [sflag:$0x3] =	stream.indirect_vreg.gather [hbm4b:s4+s2], $0x80, v4, vm0, $0xb8;
	[tilespmem:$0x10200] =	vst v63  }
0xf2: {  	s14 =	simm.s32 $0x9200;
	v3 =	vadd.s32 v1, v3  }
0xf3: {  	[tilespmem:s14], [sflag:$0x3] =	stream.indirect_vreg.gather [hbm4b:s5+s2], $0x80, v4, vm0, $0xb8;
	[tilespmem:$0x10200] =	vst v63  }
0xf4: {  	s15 =	simm.s32 $0x9A00  }
0xf5: {  	[tilespmem:s15], [sflag:$0x3] =	stream.indirect_vreg.gather [hbm4b:s6+s2], $0x80, v4, vm0, $0xb8;
	[tilespmem:$0x10200] =	vst v63  }
0xf6: {  	s16 =	simm.s32 $0xA200  }
0xf7: {  	[tilespmem:s16], [sflag:$0x3] =	stream.indirect_vreg.gather [hbm4b:s3+s2], $0x80, v3, vm0, $0xb8;
	[tilespmem:$0x10200] =	vst v63  }
0xf8: {  	s17 =	simm.s32 $0xAA00  }
0xf9: {  	[tilespmem:s17], [sflag:$0x3] =	stream.indirect_vreg.gather [hbm4b:s4+s2], $0x80, v3, vm0, $0xb8;
	[tilespmem:$0x10200] =	vst v63  }
0xfa: {  	s19 =	simm.s32 $0xB200  }
0xfb: {  	[tilespmem:s19], [sflag:$0x3] =	stream.indirect_vreg.gather [hbm4b:s5+s2], $0x80, v3, vm0, $0xb8;
	[tilespmem:$0x10200] =	vst v63  }
0xfc: {  	s20 =	simm.s32 $0xBA00  }
0xfd: {  	[tilespmem:s20], [sflag:$0x3] =	stream.indirect_vreg.gather [hbm4b:s6+s2], $0x80, v3, vm0, $0xb8;
	[tilespmem:$0x10200] =	vst v63  }
0xfe: {  	v3 =	vld [tilespmem:$0x180];
	_ =	sdelay $0x4  }
0xff: {  	v55 =	vshll.u32 v3, $0x3  }
0x100: {  	v3 =	vand.u32 $0x7, v3;
	v4 =	vand.u32 $0xFFFFFFC0, v55  }
0x101: {  	v3 =	vor.u32 v3, v4  }
0x102: {  	v4 =	vperm.xlane v3, v0;
	_ =	sdelay $0x1  }
0x103: {  	v4 =	vadd.s32 v1, v4;
	_ =	sdelay $0x4  }
0x104: {  	[tilespmem:s9], [sflag:$0x4] =	stream.indirect_vreg.gather [hbm4b:s3+s2], $0x80, v4, vm0, $0xb8;
	[tilespmem:$0x10200] =	vst v63  }
0x105: {  	s1 =	simm.s32 $0xCA00;
	v3 =	vperm.xlane v3, v2  }
0x106: {  	[tilespmem:s1], [sflag:$0x4] =	stream.indirect_vreg.gather [hbm4b:s4+s2], $0x80, v4, vm0, $0xb8;
	[tilespmem:$0x10200] =	vst v63  }
0x107: {  	s15 =	simm.s32 $0xD200;
	v3 =	vadd.s32 v1, v3  }
0x108: {  	[tilespmem:s15], [sflag:$0x4] =	stream.indirect_vreg.gather [hbm4b:s5+s2], $0x80, v4, vm0, $0xb8;
	[tilespmem:$0x10200] =	vst v63  }
0x109: {  	s16 =	simm.s32 $0xDA00  }
0x10a: {  	[tilespmem:s16], [sflag:$0x4] =	stream.indirect_vreg.gather [hbm4b:s6+s2], $0x80, v4, vm0, $0xb8;
	[tilespmem:$0x10200] =	vst v63  }
0x10b: {  	s17 =	simm.s32 $0xE200  }
0x10c: {  	[tilespmem:s17], [sflag:$0x4] =	stream.indirect_vreg.gather [hbm4b:s3+s2], $0x80, v3, vm0, $0xb8;
	[tilespmem:$0x10200] =	vst v63  }
0x10d: {  	s19 =	simm.s32 $0xEA00  }
0x10e: {  	[tilespmem:s19], [sflag:$0x4] =	stream.indirect_vreg.gather [hbm4b:s4+s2], $0x80, v3, vm0, $0xb8;
	[tilespmem:$0x10200] =	vst v63  }
0x10f: {  	s20 =	simm.s32 $0xF200  }
0x110: {  	[tilespmem:s20], [sflag:$0x4] =	stream.indirect_vreg.gather [hbm4b:s5+s2], $0x80, v3, vm0, $0xb8;
	[tilespmem:$0x10200] =	vst v63  }
0x111: {  	s1 =	simm.s32 $0xFA00  }
0x112: {  	[tilespmem:s1], [sflag:$0x4] =	stream.indirect_vreg.gather [hbm4b:s6+s2], $0x80, v3, vm0, $0xb8;
	[tilespmem:$0x10200] =	vst v63  }
0x113: {  	_ =	swait.ge [sflag:s22], $0x4000  }
0x114: {  	[sflag:s22] =	ssyncset.done $0x0  }
0x115: {  	[sflag:s22] =	ssyncadd.s32 $0xFFFFC000  }
0x116: {  	_ =	swait.ge [sflag:s23], $0x4000  }
0x117: {  	[sflag:s23] =	ssyncset.done $0x0  }
0x118: {  	s0 =	rddreg [dreg:$0xf];
	[sflag:s23] =	ssyncadd.s32 $0xFFFFC000  }
0x119: {  	[hbm4b:s0+s2] =	stream.linear.scatter [tilespmem:s18], [sflag:$0x5], $0x4000, $0x38;
	[tilespmem:$0x10200] =	vst v63  }
0x11a: {  	s1 =	rddreg [dreg:$0x10]  }
0x11b: {  	[hbm4b:s1+s2] =	stream.linear.scatter [tilespmem:s29], [sflag:$0x6], $0x4000, $0x38;
	[tilespmem:$0x10200] =	vst v63  }
0x11c: {  	_ =	swait.ge [sflag:s24], $0x4000  }
0x11d: {  	[sflag:s24] =	ssyncset.done $0x0  }
0x11e: {  	[sflag:s24] =	ssyncadd.s32 $0xFFFFC000  }
0x11f: {  	_ =	swait.ge [sflag:s25], $0x4000  }
0x120: {  	[sflag:s25] =	ssyncset.done $0x0  }
0x121: {  	s1 =	rddreg [dreg:$0x11];
	[sflag:s25] =	ssyncadd.s32 $0xFFFFC000  }
0x122: {  	[tilespmem:s2], [sflag:$0x9] =	stream.linear.gather [hbm4b:s1+s2], $0x10, $0x38;
	[tilespmem:$0x10200] =	vst v63  }
0x123: {  	_ =	swait.ge [sflag:s8], $0x10  }
0x124: {  	[sflag:s8] =	ssyncset.done $0x0  }
0x125: {  	s1 =	simm.s32 $0x80;
	s0 =	rddreg [dreg:$0x12];
	[sflag:s8] =	ssyncadd.s32 $0xFFFFFFF0  }
0x126: {  	[tilespmem:s1], [sflag:$0x9] =	stream.linear.gather [hbm4b:s0+s2], $0x10, $0x38;
	[tilespmem:$0x10200] =	vst v63  }
0x127: {  	_ =	swait.ge [sflag:s8], $0x10  }
0x128: {  	[sflag:s8] =	ssyncset.done $0x0  }
0x129: {  	[sflag:s8] =	ssyncadd.s32 $0xFFFFFFF0  }
0x12a: {  	v3 =	vld [tilespmem:$0x0];
	_ =	sdelay $0x4  }
0x12b: {  	v56 =	vshll.u32 v3, $0x3  }
0x12c: {  	v3 =	vand.u32 $0x7, v3;
	v4 =	vand.u32 $0xFFFFFFC0, v56  }
0x12d: {  	v3 =	vor.u32 v3, v4  }
0x12e: {  	v4 =	vperm.xlane v3, v0;
	_ =	sdelay $0x1  }
0x12f: {  	v4 =	vadd.s32 v1, v4;
	_ =	sdelay $0x4  }
0x130: {  	[tilespmem:s18], [sflag:$0x1] =	stream.indirect_vreg.gather [hbm4b:s3+s2], $0x80, v4, vm0, $0xb8;
	[tilespmem:$0x10200] =	vst v63  }
0x131: {  	s1 =	simm.s32 $0xA00;
	v3 =	vperm.xlane v3, v2  }
0x132: {  	[tilespmem:s1], [sflag:$0x1] =	stream.indirect_vreg.gather [hbm4b:s4+s2], $0x80, v4, vm0, $0xb8;
	[tilespmem:$0x10200] =	vst v63  }
0x133: {  	v3 =	vadd.s32 v1, v3;
	s1 =	simm.s32 $0x1200  }
0x134: {  	[tilespmem:s1], [sflag:$0x1] =	stream.indirect_vreg.gather [hbm4b:s5+s2], $0x80, v4, vm0, $0xb8;
	[tilespmem:$0x10200] =	vst v63  }
0x135: {  	s1 =	simm.s32 $0x1A00  }
0x136: {  	[tilespmem:s1], [sflag:$0x1] =	stream.indirect_vreg.gather [hbm4b:s6+s2], $0x80, v4, vm0, $0xb8;
	[tilespmem:$0x10200] =	vst v63  }
0x137: {  	s1 =	simm.s32 $0x2200  }
0x138: {  	[tilespmem:s1], [sflag:$0x1] =	stream.indirect_vreg.gather [hbm4b:s3+s2], $0x80, v3, vm0, $0xb8;
	[tilespmem:$0x10200] =	vst v63  }
0x139: {  	s1 =	simm.s32 $0x2A00  }
0x13a: {  	[tilespmem:s1], [sflag:$0x1] =	stream.indirect_vreg.gather [hbm4b:s4+s2], $0x80, v3, vm0, $0xb8;
	[tilespmem:$0x10200] =	vst v63  }
0x13b: {  	s1 =	simm.s32 $0x3200  }
0x13c: {  	[tilespmem:s1], [sflag:$0x1] =	stream.indirect_vreg.gather [hbm4b:s5+s2], $0x80, v3, vm0, $0xb8;
	[tilespmem:$0x10200] =	vst v63  }
0x13d: {  	s1 =	simm.s32 $0x3A00  }
0x13e: {  	[tilespmem:s1], [sflag:$0x1] =	stream.indirect_vreg.gather [hbm4b:s6+s2], $0x80, v3, vm0, $0xb8;
	[tilespmem:$0x10200] =	vst v63  }
0x13f: {  	v3 =	vld [tilespmem:$0x80];
	_ =	sdelay $0x4  }
0x140: {  	v57 =	vshll.u32 v3, $0x3  }
0x141: {  	v3 =	vand.u32 $0x7, v3;
	v4 =	vand.u32 $0xFFFFFFC0, v57  }
0x142: {  	v3 =	vor.u32 v3, v4  }
0x143: {  	v4 =	vperm.xlane v3, v0;
	_ =	sdelay $0x1  }
0x144: {  	v4 =	vadd.s32 v1, v4;
	_ =	sdelay $0x4  }
0x145: {  	[tilespmem:s29], [sflag:$0x2] =	stream.indirect_vreg.gather [hbm4b:s3+s2], $0x80, v4, vm0, $0xb8;
	[tilespmem:$0x10200] =	vst v63  }
0x146: {  	s1 =	simm.s32 $0x4A00;
	v3 =	vperm.xlane v3, v2  }
0x147: {  	[tilespmem:s1], [sflag:$0x2] =	stream.indirect_vreg.gather [hbm4b:s4+s2], $0x80, v4, vm0, $0xb8;
	[tilespmem:$0x10200] =	vst v63  }
0x148: {  	v3 =	vadd.s32 v1, v3;
	s1 =	simm.s32 $0x5200  }
0x149: {  	[tilespmem:s1], [sflag:$0x2] =	stream.indirect_vreg.gather [hbm4b:s5+s2], $0x80, v4, vm0, $0xb8;
	[tilespmem:$0x10200] =	vst v63  }
0x14a: {  	s1 =	simm.s32 $0x5A00  }
0x14b: {  	[tilespmem:s1], [sflag:$0x2] =	stream.indirect_vreg.gather [hbm4b:s6+s2], $0x80, v4, vm0, $0xb8;
	[tilespmem:$0x10200] =	vst v63  }
0x14c: {  	s1 =	simm.s32 $0x6200  }
0x14d: {  	[tilespmem:s1], [sflag:$0x2] =	stream.indirect_vreg.gather [hbm4b:s3+s2], $0x80, v3, vm0, $0xb8;
	[tilespmem:$0x10200] =	vst v63  }
0x14e: {  	s1 =	simm.s32 $0x6A00  }
0x14f: {  	[tilespmem:s1], [sflag:$0x2] =	stream.indirect_vreg.gather [hbm4b:s4+s2], $0x80, v3, vm0, $0xb8;
	[tilespmem:$0x10200] =	vst v63  }
0x150: {  	s1 =	simm.s32 $0x7200  }
0x151: {  	[tilespmem:s1], [sflag:$0x2] =	stream.indirect_vreg.gather [hbm4b:s5+s2], $0x80, v3, vm0, $0xb8;
	[tilespmem:$0x10200] =	vst v63  }
0x152: {  	s1 =	simm.s32 $0x7A00  }
0x153: {  	[tilespmem:s1], [sflag:$0x2] =	stream.indirect_vreg.gather [hbm4b:s6+s2], $0x80, v3, vm0, $0xb8;
	[tilespmem:$0x10200] =	vst v63  }
0x154: {  	_ =	swait.ge [sflag:s26], $0x4000  }
0x155: {  	[sflag:s26] =	ssyncset.done $0x0  }
0x156: {  	[sflag:s26] =	ssyncadd.s32 $0xFFFFC000  }
0x157: {  	_ =	swait.ge [sflag:s28], $0x4000  }
0x158: {  	[sflag:s28] =	ssyncset.done $0x0  }
0x159: {  	s0 =	rddreg [dreg:$0x13];
	[sflag:s28] =	ssyncadd.s32 $0xFFFFC000  }
0x15a: {  	[hbm4b:s0+s2] =	stream.linear.scatter [tilespmem:s13], [sflag:$0x7], $0x4000, $0x38;
	[tilespmem:$0x10200] =	vst v63  }
0x15b: {  	s1 =	rddreg [dreg:$0x14]  }
0x15c: {  	[hbm4b:s1+s2] =	stream.linear.scatter [tilespmem:s9], [sflag:$0x8], $0x4000, $0x38;
	[tilespmem:$0x10200] =	vst v63  }
0x15d: {  	_ =	swait.ge [sflag:s30], $0x4000  }
0x15e: {  	[sflag:s30] =	ssyncset.done $0x0  }
0x15f: {  	[sflag:s30] =	ssyncadd.s32 $0xFFFFC000  }
0x160: {  	_ =	swait.ge [sflag:s31], $0x4000  }
0x161: {  	[sflag:s31] =	ssyncset.done $0x0  }
0x162: {  	s21 =	simm.s32 $0x100;
	s1 =	rddreg [dreg:$0x15];
	[sflag:s31] =	ssyncadd.s32 $0xFFFFC000  }
0x163: {  	[tilespmem:s21], [sflag:$0x9] =	stream.linear.gather [hbm4b:s1+s2], $0x10, $0x38;
	[tilespmem:$0x10200] =	vst v63  }
0x164: {  	_ =	swait.ge [sflag:s8], $0x10  }
0x165: {  	[sflag:s8] =	ssyncset.done $0x0  }
0x166: {  	s1 =	simm.s32 $0x180;
	s0 =	rddreg [dreg:$0x16];
	[sflag:s8] =	ssyncadd.s32 $0xFFFFFFF0  }
0x167: {  	[tilespmem:s1], [sflag:$0x9] =	stream.linear.gather [hbm4b:s0+s2], $0x10, $0x38;
	[tilespmem:$0x10200] =	vst v63  }
0x168: {  	_ =	swait.ge [sflag:s8], $0x10  }
0x169: {  	[sflag:s8] =	ssyncset.done $0x0  }
0x16a: {  	[sflag:s8] =	ssyncadd.s32 $0xFFFFFFF0  }
0x16b: {  	v3 =	vld [tilespmem:$0x100];
	_ =	sdelay $0x4  }
0x16c: {  	v58 =	vshll.u32 v3, $0x3  }
0x16d: {  	v3 =	vand.u32 $0x7, v3;
	v4 =	vand.u32 $0xFFFFFFC0, v58  }
0x16e: {  	v3 =	vor.u32 v3, v4  }
0x16f: {  	v4 =	vperm.xlane v3, v0;
	_ =	sdelay $0x1  }
0x170: {  	v4 =	vadd.s32 v1, v4;
	_ =	sdelay $0x4  }
0x171: {  	[tilespmem:s13], [sflag:$0x3] =	stream.indirect_vreg.gather [hbm4b:s3+s2], $0x80, v4, vm0, $0xb8;
	[tilespmem:$0x10200] =	vst v63  }
0x172: {  	s1 =	simm.s32 $0x8A00;
	v3 =	vperm.xlane v3, v2  }
0x173: {  	[tilespmem:s1], [sflag:$0x3] =	stream.indirect_vreg.gather [hbm4b:s4+s2], $0x80, v4, vm0, $0xb8;
	[tilespmem:$0x10200] =	vst v63  }
0x174: {  	s10 =	simm.s32 $0x9200;
	v3 =	vadd.s32 v1, v3  }
0x175: {  	[tilespmem:s10], [sflag:$0x3] =	stream.indirect_vreg.gather [hbm4b:s5+s2], $0x80, v4, vm0, $0xb8;
	[tilespmem:$0x10200] =	vst v63  }
0x176: {  	s1 =	simm.s32 $0x9A00  }
0x177: {  	[tilespmem:s1], [sflag:$0x3] =	stream.indirect_vreg.gather [hbm4b:s6+s2], $0x80, v4, vm0, $0xb8;
	[tilespmem:$0x10200] =	vst v63  }
0x178: {  	s12 =	simm.s32 $0xA200  }
0x179: {  	[tilespmem:s12], [sflag:$0x3] =	stream.indirect_vreg.gather [hbm4b:s3+s2], $0x80, v3, vm0, $0xb8;
	[tilespmem:$0x10200] =	vst v63  }
0x17a: {  	s14 =	simm.s32 $0xAA00  }
0x17b: {  	[tilespmem:s14], [sflag:$0x3] =	stream.indirect_vreg.gather [hbm4b:s4+s2], $0x80, v3, vm0, $0xb8;
	[tilespmem:$0x10200] =	vst v63  }
0x17c: {  	s11 =	simm.s32 $0xB200  }
0x17d: {  	[tilespmem:s11], [sflag:$0x3] =	stream.indirect_vreg.gather [hbm4b:s5+s2], $0x80, v3, vm0, $0xb8;
	[tilespmem:$0x10200] =	vst v63  }
0x17e: {  	s1 =	simm.s32 $0xBA00  }
0x17f: {  	[tilespmem:s1], [sflag:$0x3] =	stream.indirect_vreg.gather [hbm4b:s6+s2], $0x80, v3, vm0, $0xb8;
	[tilespmem:$0x10200] =	vst v63  }
0x180: {  	v3 =	vld [tilespmem:$0x180];
	_ =	sdelay $0x4  }
0x181: {  	v59 =	vshll.u32 v3, $0x3  }
0x182: {  	v3 =	vand.u32 $0x7, v3;
	v4 =	vand.u32 $0xFFFFFFC0, v59  }
0x183: {  	v3 =	vor.u32 v3, v4  }
0x184: {  	v4 =	vperm.xlane v3, v0;
	_ =	sdelay $0x1  }
0x185: {  	v4 =	vadd.s32 v1, v4;
	_ =	sdelay $0x4  }
0x186: {  	[tilespmem:s9], [sflag:$0x4] =	stream.indirect_vreg.gather [hbm4b:s3+s2], $0x80, v4, vm0, $0xb8;
	[tilespmem:$0x10200] =	vst v63  }
0x187: {  	s1 =	simm.s32 $0xCA00;
	v3 =	vperm.xlane v3, v2  }
0x188: {  	[tilespmem:s1], [sflag:$0x4] =	stream.indirect_vreg.gather [hbm4b:s4+s2], $0x80, v4, vm0, $0xb8;
	[tilespmem:$0x10200] =	vst v63  }
0x189: {  	s15 =	simm.s32 $0xD200;
	v3 =	vadd.s32 v1, v3  }
0x18a: {  	[tilespmem:s15], [sflag:$0x4] =	stream.indirect_vreg.gather [hbm4b:s5+s2], $0x80, v4, vm0, $0xb8;
	[tilespmem:$0x10200] =	vst v63  }
0x18b: {  	s16 =	simm.s32 $0xDA00  }
0x18c: {  	[tilespmem:s16], [sflag:$0x4] =	stream.indirect_vreg.gather [hbm4b:s6+s2], $0x80, v4, vm0, $0xb8;
	[tilespmem:$0x10200] =	vst v63  }
0x18d: {  	s17 =	simm.s32 $0xE200  }
0x18e: {  	[tilespmem:s17], [sflag:$0x4] =	stream.indirect_vreg.gather [hbm4b:s3+s2], $0x80, v3, vm0, $0xb8;
	[tilespmem:$0x10200] =	vst v63  }
0x18f: {  	s19 =	simm.s32 $0xEA00  }
0x190: {  	[tilespmem:s19], [sflag:$0x4] =	stream.indirect_vreg.gather [hbm4b:s4+s2], $0x80, v3, vm0, $0xb8;
	[tilespmem:$0x10200] =	vst v63  }
0x191: {  	s20 =	simm.s32 $0xF200  }
0x192: {  	[tilespmem:s20], [sflag:$0x4] =	stream.indirect_vreg.gather [hbm4b:s5+s2], $0x80, v3, vm0, $0xb8;
	[tilespmem:$0x10200] =	vst v63  }
0x193: {  	s1 =	simm.s32 $0xFA00  }
0x194: {  	[tilespmem:s1], [sflag:$0x4] =	stream.indirect_vreg.gather [hbm4b:s6+s2], $0x80, v3, vm0, $0xb8;
	[tilespmem:$0x10200] =	vst v63  }
0x195: {  	_ =	swait.ge [sflag:s22], $0x4000  }
0x196: {  	[sflag:s22] =	ssyncset.done $0x0  }
0x197: {  	[sflag:s22] =	ssyncadd.s32 $0xFFFFC000  }
0x198: {  	_ =	swait.ge [sflag:s23], $0x4000  }
0x199: {  	[sflag:s23] =	ssyncset.done $0x0  }
0x19a: {  	s0 =	rddreg [dreg:$0x17];
	[sflag:s23] =	ssyncadd.s32 $0xFFFFC000  }
0x19b: {  	[hbm4b:s0+s2] =	stream.linear.scatter [tilespmem:s18], [sflag:$0x5], $0x4000, $0x38;
	[tilespmem:$0x10200] =	vst v63  }
0x19c: {  	s1 =	rddreg [dreg:$0x18]  }
0x19d: {  	[hbm4b:s1+s2] =	stream.linear.scatter [tilespmem:s29], [sflag:$0x6], $0x4000, $0x38;
	[tilespmem:$0x10200] =	vst v63  }
0x19e: {  	_ =	swait.ge [sflag:s24], $0x4000  }
0x19f: {  	[sflag:s24] =	ssyncset.done $0x0  }
0x1a0: {  	[sflag:s24] =	ssyncadd.s32 $0xFFFFC000  }
0x1a1: {  	_ =	swait.ge [sflag:s25], $0x4000  }
0x1a2: {  	[sflag:s25] =	ssyncset.done $0x0  }
0x1a3: {  	s1 =	rddreg [dreg:$0x19];
	[sflag:s25] =	ssyncadd.s32 $0xFFFFC000  }
0x1a4: {  	[tilespmem:s2], [sflag:$0x9] =	stream.linear.gather [hbm4b:s1+s2], $0x10, $0x38;
	[tilespmem:$0x10200] =	vst v63  }
0x1a5: {  	_ =	swait.ge [sflag:s8], $0x10  }
0x1a6: {  	[sflag:s8] =	ssyncset.done $0x0  }
0x1a7: {  	s1 =	simm.s32 $0x80;
	s0 =	rddreg [dreg:$0x1a];
	[sflag:s8] =	ssyncadd.s32 $0xFFFFFFF0  }
0x1a8: {  	[tilespmem:s1], [sflag:$0x9] =	stream.linear.gather [hbm4b:s0+s2], $0x10, $0x38;
	[tilespmem:$0x10200] =	vst v63  }
0x1a9: {  	_ =	swait.ge [sflag:s8], $0x10  }
0x1aa: {  	[sflag:s8] =	ssyncset.done $0x0  }
0x1ab: {  	[sflag:s8] =	ssyncadd.s32 $0xFFFFFFF0  }
0x1ac: {  	v3 =	vld [tilespmem:$0x0];
	_ =	sdelay $0x4  }
0x1ad: {  	v60 =	vshll.u32 v3, $0x3  }
0x1ae: {  	v3 =	vand.u32 $0x7, v3;
	v4 =	vand.u32 $0xFFFFFFC0, v60  }
0x1af: {  	v3 =	vor.u32 v3, v4  }
0x1b0: {  	v4 =	vperm.xlane v3, v0;
	_ =	sdelay $0x1  }
0x1b1: {  	v4 =	vadd.s32 v1, v4;
	_ =	sdelay $0x4  }
0x1b2: {  	[tilespmem:s18], [sflag:$0x1] =	stream.indirect_vreg.gather [hbm4b:s3+s2], $0x80, v4, vm0, $0xb8;
	[tilespmem:$0x10200] =	vst v63  }
0x1b3: {  	s1 =	simm.s32 $0xA00;
	v3 =	vperm.xlane v3, v2  }
0x1b4: {  	[tilespmem:s1], [sflag:$0x1] =	stream.indirect_vreg.gather [hbm4b:s4+s2], $0x80, v4, vm0, $0xb8;
	[tilespmem:$0x10200] =	vst v63  }
0x1b5: {  	v3 =	vadd.s32 v1, v3;
	s1 =	simm.s32 $0x1200  }
0x1b6: {  	[tilespmem:s1], [sflag:$0x1] =	stream.indirect_vreg.gather [hbm4b:s5+s2], $0x80, v4, vm0, $0xb8;
	[tilespmem:$0x10200] =	vst v63  }
0x1b7: {  	s1 =	simm.s32 $0x1A00  }
0x1b8: {  	[tilespmem:s1], [sflag:$0x1] =	stream.indirect_vreg.gather [hbm4b:s6+s2], $0x80, v4, vm0, $0xb8;
	[tilespmem:$0x10200] =	vst v63  }
0x1b9: {  	s1 =	simm.s32 $0x2200  }
0x1ba: {  	[tilespmem:s1], [sflag:$0x1] =	stream.indirect_vreg.gather [hbm4b:s3+s2], $0x80, v3, vm0, $0xb8;
	[tilespmem:$0x10200] =	vst v63  }
0x1bb: {  	s1 =	simm.s32 $0x2A00  }
0x1bc: {  	[tilespmem:s1], [sflag:$0x1] =	stream.indirect_vreg.gather [hbm4b:s4+s2], $0x80, v3, vm0, $0xb8;
	[tilespmem:$0x10200] =	vst v63  }
0x1bd: {  	s1 =	simm.s32 $0x3200  }
0x1be: {  	[tilespmem:s1], [sflag:$0x1] =	stream.indirect_vreg.gather [hbm4b:s5+s2], $0x80, v3, vm0, $0xb8;
	[tilespmem:$0x10200] =	vst v63  }
0x1bf: {  	s1 =	simm.s32 $0x3A00  }
0x1c0: {  	[tilespmem:s1], [sflag:$0x1] =	stream.indirect_vreg.gather [hbm4b:s6+s2], $0x80, v3, vm0, $0xb8;
	[tilespmem:$0x10200] =	vst v63  }
0x1c1: {  	v3 =	vld [tilespmem:$0x80];
	_ =	sdelay $0x4  }
0x1c2: {  	v61 =	vshll.u32 v3, $0x3  }
0x1c3: {  	v3 =	vand.u32 $0x7, v3;
	v4 =	vand.u32 $0xFFFFFFC0, v61  }
0x1c4: {  	v3 =	vor.u32 v3, v4  }
0x1c5: {  	v4 =	vperm.xlane v3, v0;
	_ =	sdelay $0x1  }
0x1c6: {  	v4 =	vadd.s32 v1, v4;
	_ =	sdelay $0x4  }
0x1c7: {  	[tilespmem:s29], [sflag:$0x2] =	stream.indirect_vreg.gather [hbm4b:s3+s2], $0x80, v4, vm0, $0xb8;
	[tilespmem:$0x10200] =	vst v63  }
0x1c8: {  	s1 =	simm.s32 $0x4A00;
	v3 =	vperm.xlane v3, v2  }
0x1c9: {  	[tilespmem:s1], [sflag:$0x2] =	stream.indirect_vreg.gather [hbm4b:s4+s2], $0x80, v4, vm0, $0xb8;
	[tilespmem:$0x10200] =	vst v63  }
0x1ca: {  	v3 =	vadd.s32 v1, v3;
	s1 =	simm.s32 $0x5200  }
0x1cb: {  	[tilespmem:s1], [sflag:$0x2] =	stream.indirect_vreg.gather [hbm4b:s5+s2], $0x80, v4, vm0, $0xb8;
	[tilespmem:$0x10200] =	vst v63  }
0x1cc: {  	s1 =	simm.s32 $0x5A00  }
0x1cd: {  	[tilespmem:s1], [sflag:$0x2] =	stream.indirect_vreg.gather [hbm4b:s6+s2], $0x80, v4, vm0, $0xb8;
	[tilespmem:$0x10200] =	vst v63  }
0x1ce: {  	s1 =	simm.s32 $0x6200  }
0x1cf: {  	[tilespmem:s1], [sflag:$0x2] =	stream.indirect_vreg.gather [hbm4b:s3+s2], $0x80, v3, vm0, $0xb8;
	[tilespmem:$0x10200] =	vst v63  }
0x1d0: {  	s1 =	simm.s32 $0x6A00  }
0x1d1: {  	[tilespmem:s1], [sflag:$0x2] =	stream.indirect_vreg.gather [hbm4b:s4+s2], $0x80, v3, vm0, $0xb8;
	[tilespmem:$0x10200] =	vst v63  }
0x1d2: {  	s1 =	simm.s32 $0x7200  }
0x1d3: {  	[tilespmem:s1], [sflag:$0x2] =	stream.indirect_vreg.gather [hbm4b:s5+s2], $0x80, v3, vm0, $0xb8;
	[tilespmem:$0x10200] =	vst v63  }
0x1d4: {  	s1 =	simm.s32 $0x7A00  }
0x1d5: {  	[tilespmem:s1], [sflag:$0x2] =	stream.indirect_vreg.gather [hbm4b:s6+s2], $0x80, v3, vm0, $0xb8;
	[tilespmem:$0x10200] =	vst v63  }
0x1d6: {  	_ =	swait.ge [sflag:s26], $0x4000  }
0x1d7: {  	[sflag:s26] =	ssyncset.done $0x0  }
0x1d8: {  	[sflag:s26] =	ssyncadd.s32 $0xFFFFC000  }
0x1d9: {  	_ =	swait.ge [sflag:s28], $0x4000  }
0x1da: {  	[sflag:s28] =	ssyncset.done $0x0  }
0x1db: {  	s0 =	rddreg [dreg:$0x1b];
	[sflag:s28] =	ssyncadd.s32 $0xFFFFC000  }
0x1dc: {  	[hbm4b:s0+s2] =	stream.linear.scatter [tilespmem:s13], [sflag:$0x7], $0x4000, $0x38;
	[tilespmem:$0x10200] =	vst v63  }
0x1dd: {  	s1 =	rddreg [dreg:$0x1c]  }
0x1de: {  	[hbm4b:s1+s2] =	stream.linear.scatter [tilespmem:s9], [sflag:$0x8], $0x4000, $0x38;
	[tilespmem:$0x10200] =	vst v63  }
0x1df: {  	_ =	swait.ge [sflag:s30], $0x4000  }
0x1e0: {  	[sflag:s30] =	ssyncset.done $0x0  }
0x1e1: {  	[sflag:s30] =	ssyncadd.s32 $0xFFFFC000  }
0x1e2: {  	_ =	swait.ge [sflag:s31], $0x4000  }
0x1e3: {  	[sflag:s31] =	ssyncset.done $0x0  }
0x1e4: {  	s21 =	simm.s32 $0x100;
	s1 =	rddreg [dreg:$0x1d];
	[sflag:s31] =	ssyncadd.s32 $0xFFFFC000  }
0x1e5: {  	[tilespmem:s21], [sflag:$0x9] =	stream.linear.gather [hbm4b:s1+s2], $0x10, $0x38;
	[tilespmem:$0x10200] =	vst v63  }
0x1e6: {  	_ =	swait.ge [sflag:s8], $0x10  }
0x1e7: {  	[sflag:s8] =	ssyncset.done $0x0  }
0x1e8: {  	s21 =	simm.s32 $0x180;
	s1 =	rddreg [dreg:$0x1e];
	[sflag:s8] =	ssyncadd.s32 $0xFFFFFFF0  }
0x1e9: {  	[tilespmem:s21], [sflag:$0x9] =	stream.linear.gather [hbm4b:s1+s2], $0x10, $0x38;
	[tilespmem:$0x10200] =	vst v63  }
0x1ea: {  	_ =	swait.ge [sflag:s8], $0x10  }
0x1eb: {  	[sflag:s8] =	ssyncset.done $0x0  }
0x1ec: {  	[sflag:s8] =	ssyncadd.s32 $0xFFFFFFF0  }
0x1ed: {  	v3 =	vld [tilespmem:$0x100];
	_ =	sdelay $0x4  }
0x1ee: {  	v62 =	vshll.u32 v3, $0x3  }
0x1ef: {  	v3 =	vand.u32 $0x7, v3;
	v4 =	vand.u32 $0xFFFFFFC0, v62  }
0x1f0: {  	v3 =	vor.u32 v3, v4  }
0x1f1: {  	v4 =	vperm.xlane v3, v0;
	_ =	sdelay $0x1  }
0x1f2: {  	v4 =	vadd.s32 v1, v4;
	_ =	sdelay $0x4  }
0x1f3: {  	[tilespmem:s13], [sflag:$0x3] =	stream.indirect_vreg.gather [hbm4b:s3+s2], $0x80, v4, vm0, $0xb8;
	[tilespmem:$0x10200] =	vst v63  }
0x1f4: {  	s1 =	simm.s32 $0x8A00;
	v3 =	vperm.xlane v3, v2  }
0x1f5: {  	[tilespmem:s1], [sflag:$0x3] =	stream.indirect_vreg.gather [hbm4b:s4+s2], $0x80, v4, vm0, $0xb8;
	[tilespmem:$0x10200] =	vst v63  }
0x1f6: {  	s10 =	simm.s32 $0x9200;
	v3 =	vadd.s32 v1, v3  }
0x1f7: {  	[tilespmem:s10], [sflag:$0x3] =	stream.indirect_vreg.gather [hbm4b:s5+s2], $0x80, v4, vm0, $0xb8;
	[tilespmem:$0x10200] =	vst v63  }
0x1f8: {  	s10 =	simm.s32 $0x9A00  }
0x1f9: {  	[tilespmem:s10], [sflag:$0x3] =	stream.indirect_vreg.gather [hbm4b:s6+s2], $0x80, v4, vm0, $0xb8;
	[tilespmem:$0x10200] =	vst v63  }
0x1fa: {  	s12 =	simm.s32 $0xA200  }
0x1fb: {  	[tilespmem:s12], [sflag:$0x3] =	stream.indirect_vreg.gather [hbm4b:s3+s2], $0x80, v3, vm0, $0xb8;
	[tilespmem:$0x10200] =	vst v63  }
0x1fc: {  	s14 =	simm.s32 $0xAA00  }
0x1fd: {  	[tilespmem:s14], [sflag:$0x3] =	stream.indirect_vreg.gather [hbm4b:s4+s2], $0x80, v3, vm0, $0xb8;
	[tilespmem:$0x10200] =	vst v63  }
0x1fe: {  	s11 =	simm.s32 $0xB200  }
0x1ff: {  	[tilespmem:s11], [sflag:$0x3] =	stream.indirect_vreg.gather [hbm4b:s5+s2], $0x80, v3, vm0, $0xb8;
	[tilespmem:$0x10200] =	vst v63  }
0x200: {  	s12 =	simm.s32 $0xBA00  }
0x201: {  	[tilespmem:s12], [sflag:$0x3] =	stream.indirect_vreg.gather [hbm4b:s6+s2], $0x80, v3, vm0, $0xb8;
	[tilespmem:$0x10200] =	vst v63  }
0x202: {  	v3 =	vld [tilespmem:$0x180];
	_ =	sdelay $0x4  }
0x203: {  	v63 =	vshll.u32 v3, $0x3  }
0x204: {  	v3 =	vand.u32 $0x7, v3;
	v4 =	vand.u32 $0xFFFFFFC0, v63  }
0x205: {  	v3 =	vor.u32 v3, v4  }
0x206: {  	v4 =	vperm.xlane v3, v0;
	_ =	sdelay $0x1  }
0x207: {  	v4 =	vadd.s32 v1, v4;
	_ =	sdelay $0x4  }
0x208: {  	[tilespmem:s9], [sflag:$0x4] =	stream.indirect_vreg.gather [hbm4b:s3+s2], $0x80, v4, vm0, $0xb8;
	[tilespmem:$0x10200] =	vst v63  }
0x209: {  	s14 =	simm.s32 $0xCA00;
	v3 =	vperm.xlane v3, v2  }
0x20a: {  	[tilespmem:s14], [sflag:$0x4] =	stream.indirect_vreg.gather [hbm4b:s4+s2], $0x80, v4, vm0, $0xb8;
	[tilespmem:$0x10200] =	vst v63  }
0x20b: {  	s15 =	simm.s32 $0xD200;
	v3 =	vadd.s32 v1, v3  }
0x20c: {  	[tilespmem:s15], [sflag:$0x4] =	stream.indirect_vreg.gather [hbm4b:s5+s2], $0x80, v4, vm0, $0xb8;
	[tilespmem:$0x10200] =	vst v63  }
0x20d: {  	s16 =	simm.s32 $0xDA00  }
0x20e: {  	[tilespmem:s16], [sflag:$0x4] =	stream.indirect_vreg.gather [hbm4b:s6+s2], $0x80, v4, vm0, $0xb8;
	[tilespmem:$0x10200] =	vst v63  }
0x20f: {  	s17 =	simm.s32 $0xE200  }
0x210: {  	[tilespmem:s17], [sflag:$0x4] =	stream.indirect_vreg.gather [hbm4b:s3+s2], $0x80, v3, vm0, $0xb8;
	[tilespmem:$0x10200] =	vst v63  }
0x211: {  	s19 =	simm.s32 $0xEA00  }
0x212: {  	[tilespmem:s19], [sflag:$0x4] =	stream.indirect_vreg.gather [hbm4b:s4+s2], $0x80, v3, vm0, $0xb8;
	[tilespmem:$0x10200] =	vst v63  }
0x213: {  	s20 =	simm.s32 $0xF200  }
0x214: {  	[tilespmem:s20], [sflag:$0x4] =	stream.indirect_vreg.gather [hbm4b:s5+s2], $0x80, v3, vm0, $0xb8;
	[tilespmem:$0x10200] =	vst v63  }
0x215: {  	s16 =	simm.s32 $0xFA00  }
0x216: {  	[tilespmem:s16], [sflag:$0x4] =	stream.indirect_vreg.gather [hbm4b:s6+s2], $0x80, v3, vm0, $0xb8;
	[tilespmem:$0x10200] =	vst v63  }
0x217: {  	_ =	swait.ge [sflag:s22], $0x4000  }
0x218: {  	[sflag:s22] =	ssyncset.done $0x0  }
0x219: {  	[sflag:s22] =	ssyncadd.s32 $0xFFFFC000  }
0x21a: {  	_ =	swait.ge [sflag:s23], $0x4000  }
0x21b: {  	s17 =	rddreg [dreg:$0x1f];
	[sflag:s23] =	ssyncset.done $0x0  }
0x21c: {  	s19 =	sld [smem:$0x7FB];
	[sflag:s23] =	ssyncadd.s32 $0xFFFFC000  }
0x21d: {  	[hbm4b:s17+s2] =	stream.linear.scatter [tilespmem:s18], [sflag:$0x5], $0x4000, $0x38;
	[tilespmem:$0x10200] =	vst v63  }
0x21e: {  	_ = 	snop  }
0x21f: {  	[hbm4b:s19+s2] =	stream.linear.scatter [tilespmem:s29], [sflag:$0x6], $0x4000, $0x38;
	[tilespmem:$0x10200] =	vst v63  }
0x220: {  	_ =	swait.ge [sflag:s26], $0x4000  }
0x221: {  	[sflag:s26] =	ssyncset.done $0x0  }
0x222: {  	[sflag:s26] =	ssyncadd.s32 $0xFFFFC000  }
0x223: {  	_ =	swait.ge [sflag:s28], $0x4000  }
0x224: {  	s20 =	sld [smem:$0x7FC]  }
0x225: {  	[sflag:s28] =	ssyncset.done $0x0  }
0x226: {  	s21 =	sld [smem:$0x7FD];
	[sflag:s28] =	ssyncadd.s32 $0xFFFFC000  }
0x227: {  	[hbm4b:s20+s2] =	stream.linear.scatter [tilespmem:s13], [sflag:$0x7], $0x4000, $0x38;
	[tilespmem:$0x10200] =	vst v63  }
0x228: {  	_ = 	snop  }
0x229: {  	[hbm4b:s21+s2] =	stream.linear.scatter [tilespmem:s9], [sflag:$0x8], $0x4000, $0x38;
	[tilespmem:$0x10200] =	vst v63  }
0x22a: {  	_ =	swait.ge [sflag:s24], $0x4000  }
0x22b: {  	[sflag:s24] =	ssyncset.done $0x0  }
0x22c: {  	[sflag:s24] =	ssyncadd.s32 $0xFFFFC000  }
0x22d: {  	_ =	swait.ge [sflag:s25], $0x4000  }
0x22e: {  	[sflag:s25] =	ssyncset.done $0x0  }
0x22f: {  	[sflag:s25] =	ssyncadd.s32 $0xFFFFC000  }
0x230: {  	p0 =	sne.s32 s7, $0x1;
	_ =	swait.ge [sflag:s30], $0x4000  }
.Ltmp0:
0x231: {  	[sflag:s30] =	ssyncset.done $0x0;
	(pc) =	sbr.rel @p0 .LBB2_1-.Ltmp0, $4  }
0x232: {  	[sflag:s30] =	ssyncadd.s32 $0xFFFFC000  }
0x233: {  	_ =	swait.ge [sflag:s31], $0x4000  }
0x234: {  	[sflag:s31] =	ssyncset.done $0x0  }
0x235: {  	s7 =	sadd.s32 $0xFFFFFFFF, s7;
	[sflag:s31] =	ssyncadd.s32 $0xFFFFC000  }
0x236: {  	_ =	sfence.sel $0x180000  }
0x237: {  	[bflag:$0x0] =	sbarrier.arrive $0xFFFF  }
0x238: {  	_ =	strace $0x9000004A  }
0x239: {  	s0 =	stileid.u32;
	[bflag:$0x2] =	sbarrier.arrive $0xFFFF  }
0x23a: {  	p0 =	sne.s32 s0, $0x0;
	s0 =	rddreg [dreg:$0x2]  }
0x23b: {  	s0 =	sadd.s32 @!p0 $0x100000, s0  }
0x23c: {  	[sflag:s0] =	ssyncadd.tile.s32 @!p0 $0x1;
	_ =	shalt  }
.Lfunc_end2:
_tile_overlayer_lowered:
.L_overlay_start_2:
0x23d: {  	(tag) =	ssettag $0x2  }
0x23e: {  	s0 =	rddreg [dreg:$0x0];
	s2 =	stileid.u32  }
0x23f: {  	s1 =	rddreg [dreg:$0x1];
	p0 =	sne.s32 s2, $0x0  }
0x240: {  	s3 =	rddreg [dreg:$0x2];
	[bflag:$0x3] =	sbarrier.arrive $0xFFFF;
	s2 =	simm.s32 @!p0 $0x1C09  }
0x241: {  	[timem:s3], [sflag:s2] =	dma.local @!p0 [hbm:s0], s1  }
0x242: {  	s0 =	simm.s32 @!p0 $0x9  }
0x243: {  	_ =	swait.ge @!p0 [sflag:s0], s1  }
0x244: {  	s1 =	ssub.s32 @!p0 $0x0, s1;
	[sflag:s0] =	ssyncset.done @!p0 $0x0  }
0x245: {  	[sflag:s0] =	ssyncadd.s32 @!p0 s1  }
0x246: {  	[bflag:$0x3] =	sbarrier.arrive $0xFFFF  }
0x247: {  	_ =	shalt  }

// kernel: _moe.7.cloned.1.call-start
scs
__scs_entry_jumppad:
0x0: {  	(pc) =	sbr.rel $0x88, $3  }
0x1: {  	(tag) =	ssettag $0x0;
	lr =	simm.s32 $0x1  }
0x2: {  	[smem:$0x3F9E] =	sst lr;
	_ =	strace $0xD0000000  }
0x3: {  	_ = 	snop  }
0x4: {  	_ = 	snop  }
0x5: {  	_ = 	snop  }
0x6: {  	_ = 	snop  }
0x7: {  	_ = 	snop  }
__scs_overlays_trampoline_lowered:
0x8: {  	[smem:$0x3FAD] =	sst s0  }
0x9: {  	[smem:$0x3FAE] =	sst s1  }
0xa: {  	[smem:$0x3FAF] =	sst s2  }
0xb: {  	[smem:$0x3FB0] =	sst s3  }
0xc: {  	[smem:$0x3FB1] =	sst s4  }
0xd: {  	[smem:$0x3FB2] =	sst s5  }
0xe: {  	[smem:$0x3FB3] =	sst s6  }
0xf: {  	[smem:$0x3FB4] =	sst s7  }
0x10: {  	[smem:$0x3FB5] =	sst s8  }
0x11: {  	[smem:$0x3FB6] =	sst s9;
	s0 =	simm.s32 @!p0 $0x0  }
0x12: {  	s1 =	sld [smem:$0x3F9C];
	s0 =	simm.s32 @p0 $0x1  }
0x13: {  	[smem:$0x3FB7] =	sst s0;
	s0 =	simm.s32 @!p1 $0x0  }
0x14: {  	s2 =	sld [smem:$0x3F9B];
	s0 =	simm.s32 @p1 $0x1  }
0x15: {  	[smem:$0x3FB8] =	sst s0;
	s0 =	simm.s32 @!p2 $0x0  }
0x16: {  	s3 =	sld [smem:$0x3FDB];
	s0 =	simm.s32 @p2 $0x1  }
0x17: {  	s4 =	simm.s32 $0x1BF5;
	[smem:$0x3FBA] =	sst s0  }
0x18: {  	s0 =	sld [smem:$0x3F9D];
	_ =	swait.ge [sflag:s4], $0x0  }
0x19: {  	s7 =	sld [smem:$0x3F9E]  }
0x1a: {  	s8 =	sadd.s32 $0xFFFFE003, lr  }
0x1b: {  	s9 =	sadd.s32 $0xFFFFFEF7, lr;
	s5 =	simm.s32 $0xFFFFFFFF;
	p2 =	slt.u32 s8, $0xFFFFF086  }
0x1c: {  	p1 =	slt.u32 s9, $0xF7A;
	s5 =	simm.s32 @!p2 $0x0  }
0x1d: {  	s5 =	simm.s32 @p1 $0x1;
	p0 =	seq.s32 s7, s2  }
0x1e: {  	s7 =	smul.u32 @!p0 $0xF7A, s2;
	p2 =	seq.s32 @!p0 s5, $0x0  }
0x1f: {  	s9 =	smul.u32 $0xF7A, s1;
	s8 =	simm.s32 @!p0 $0x1BF5;
	p2 =	por !p2, p0  }
0x20: {  	[sflag:s8] =	ssyncset.s32 @!p0 $0xFFFFF086;
	s6 =	sadd.s32 @!p0 s3, s7;
	s7 =	simm.s32 @!p0 $0x108  }
0x21: {  	s3 =	sadd.s32 s3, s9;
	s6 =	sadd.s32 @!p0 $0x88, s6;
	s7 =	simm.s32 @p2 $0x1082  }
0x22: {  	[simem:s7], [sflag:s8] =	dma.local @!p0 [hbm:s6], $0xF7A  }
0x23: {  	s9 =	sor.u32 $0xD0000000, s2;
	s6 =	simm.s32 $0x108;
	_ =	swait.ge @!p0 [sflag:s8], $0x0  }
0x24: {  	s3 =	sadd.s32 $0x88, s3;
	s6 =	simm.s32 @!p1 $0x1082;
	[sflag:s4] =	ssyncset.s32 $0xFFFFF086  }
0x25: {  	[simem:s6], [sflag:s4] =	dma.local [hbm:s3], $0xF7A  }
0x26: {  	[smem:$0x3F9E] =	sst s1;
	(tag) =	ssettag s2;
	_ =	strace s9  }
0x27: {  	s1 =	sld [smem:$0x3FAE]  }
0x28: {  	s2 =	sld [smem:$0x3FAF]  }
0x29: {  	s4 =	sld [smem:$0x3FB1]  }
0x2a: {  	p0 =	seq.s32 s5, $0x0;
	s5 =	sld [smem:$0x3FB2]  }
0x2b: {  	s6 =	sld [smem:$0x3FB3]  }
0x2c: {  	s7 =	sld [smem:$0x3FB4]  }
0x2d: {  	s3 =	simm.s32 $0x108;
	s8 =	sld [smem:$0x3FB5]  }
0x2e: {  	s3 =	simm.s32 @!p0 $0x1082;
	s9 =	sld [smem:$0x3FB6]  }
0x2f: {  	lr =	sadd.s32 s0, s3;
	s0 =	sld [smem:$0x3FAD]  }
0x30: {  	s3 =	sld [smem:$0x3FB0]  }
0x31: {  	[smem:$0x3FB9] =	sst s10  }
0x32: {  	s10 =	sld [smem:$0x3FB7];
	_ =	sdelay $0x3  }
0x33: {  	p0 =	seq.s32 s10, $0x1;
	s10 =	sld [smem:$0x3FB9];
	_ =	sdelay $0x3  }
0x34: {  	[smem:$0x3FB9] =	sst s10  }
0x35: {  	s10 =	sld [smem:$0x3FB8];
	_ =	sdelay $0x3  }
0x36: {  	p1 =	seq.s32 s10, $0x1;
	s10 =	sld [smem:$0x3FB9];
	_ =	sdelay $0x3  }
0x37: {  	[smem:$0x3FB9] =	sst s10  }
0x38: {  	s10 =	sld [smem:$0x3FBA]  }
0x39: {  	_ = 	snop;
	(pc) =	sbr.ind lr, $3  }
0x3a: {  	_ = 	snop  }
0x3b: {  	_ = 	snop  }
0x3c: {  	p2 =	seq.s32 s10, $0x1;
	s10 =	sld [smem:$0x3FB9]  }
0x3d: {  	_ =	shalt  }
0x3e: {  	_ =	shalt  }
0x3f: {  	_ =	shalt  }
0x40: {  	_ =	shalt  }
0x41: {  	_ =	shalt  }
0x42: {  	_ =	shalt  }
0x43: {  	_ =	shalt  }
0x44: {  	_ =	shalt  }
0x45: {  	_ =	shalt  }
0x46: {  	_ =	shalt  }
0x47: {  	_ =	shalt  }
0x48: {  	_ =	shalt  }
0x49: {  	_ =	shalt  }
0x4a: {  	_ =	shalt  }
0x4b: {  	_ =	shalt  }
0x4c: {  	_ =	shalt  }
0x4d: {  	_ =	shalt  }
0x4e: {  	_ =	shalt  }
0x4f: {  	_ =	shalt  }
0x50: {  	_ =	shalt  }
0x51: {  	_ =	shalt  }
0x52: {  	_ =	shalt  }
0x53: {  	_ =	shalt  }
0x54: {  	_ =	shalt  }
0x55: {  	_ =	shalt  }
0x56: {  	_ =	shalt  }
0x57: {  	_ =	shalt  }
0x58: {  	_ =	shalt  }
0x59: {  	_ =	shalt  }
0x5a: {  	_ =	shalt  }
0x5b: {  	_ =	shalt  }
0x5c: {  	_ =	shalt  }
0x5d: {  	_ =	shalt  }
0x5e: {  	_ =	shalt  }
0x5f: {  	_ =	shalt  }
0x60: {  	_ =	shalt  }
0x61: {  	_ =	shalt  }
0x62: {  	_ =	shalt  }
0x63: {  	_ =	shalt  }
0x64: {  	_ =	shalt  }
0x65: {  	_ =	shalt  }
0x66: {  	_ =	shalt  }
0x67: {  	_ =	shalt  }
0x68: {  	_ =	shalt  }
0x69: {  	_ =	shalt  }
0x6a: {  	_ =	shalt  }
0x6b: {  	_ =	shalt  }
0x6c: {  	_ =	shalt  }
0x6d: {  	_ =	shalt  }
0x6e: {  	_ =	shalt  }
0x6f: {  	_ =	shalt  }
0x70: {  	_ =	shalt  }
0x71: {  	_ =	shalt  }
0x72: {  	_ =	shalt  }
0x73: {  	_ =	shalt  }
0x74: {  	_ =	shalt  }
0x75: {  	_ =	shalt  }
0x76: {  	_ =	shalt  }
0x77: {  	_ =	shalt  }
0x78: {  	_ =	shalt  }
0x79: {  	_ =	shalt  }
0x7a: {  	_ =	shalt  }
0x7b: {  	_ =	shalt  }
0x7c: {  	_ =	shalt  }
0x7d: {  	_ =	shalt  }
0x7e: {  	_ =	shalt  }
0x7f: {  	_ =	shalt  }
0x80: {  	_ =	shalt  }
0x81: {  	_ =	shalt  }
0x82: {  	_ =	shalt  }
0x83: {  	_ =	shalt  }
0x84: {  	_ =	shalt  }
0x85: {  	_ =	shalt  }
0x86: {  	_ =	shalt  }
0x87: {  	_ =	shalt  }
.Lfunc_end0:
.L_simem_size_0:
called_computation_lowered:
.L_overlay_start_0:
0x88: {  	s2 =	sld [smem:$0x3FD9]  }
0x89: {  	s3 =	sld [smem:$0x3FFE];
	_ =	sdelay $0x1  }
0x8a: {  	s1 =	srdreg.scid  }
0x8b: {  	s0 =	sand.u32 $0x1, s1  }
0x8c: {  	s17 =	sshll.u32 s0, $0xA;
	s2 =	sadd.s32 s3, s2  }
0x8d: {  	s2 =	sadd.s32 s2, s17  }
0x8e: {  	[smem:$0x3FC5] =	sst s2  }
0x8f: {  	_ = 	snop  }
0x90: {  	s2 =	sld [smem:$0x3FC9]  }
0x91: {  	s18 =	sld [smem:$0x3FD0];
	(tm) =	ssettm $0x1  }
0x92: {  	s4 =	sld [smem:$0x3FFB];
	_ =	sdelay $0x3  }
0x93: {  	_ =	strace s4  }
0x94: {  	s4 =	sld [smem:$0x3FFC];
	_ =	sdelay $0x3  }
0x95: {  	_ =	strace s4  }
0x96: {  	s4 =	sld [smem:$0x3FFD];
	_ =	sdelay $0x3  }
0x97: {  	_ =	strace s4  }
0x98: {  	_ =	strace $0x8FFFFFFF  }
0x99: {  	s19 =	sld [smem:$0x3FDB];
	_ =	sdelay $0x1  }
0x9a: {  	s5 =	simm.s32 $_scs_section_size  }
0x9b: {  	s6 =	simm.s32 $_size__tile_overlayer_lowered;
	s7 =	simm.s32 $_tile_overlayer_lowered  }
0x9c: {  	s22 =	simm.s32 $0x1BFF;
	s21 =	sshll.u32 s7, $0x1;
	s4 =	sadd.s32 s5, s19  }
0x9d: {  	s8 =	simm.s32 $0x0;
	s20 =	sshll.u32 s6, $0x1;
	s6 =	sadd.s32 s21, s4  }
0x9e: {  	[timem:s8], [sflag:s22] =	dma.local [hbm:s6], s20  }
0x9f: {  	_ =	swait.ge [sflag:s22], s20  }
0xa0: {  	s5 =	ssub.s32 $0x0, s20;
	[sflag:s22] =	ssyncset.done $0x0  }
0xa1: {  	[sflag:s22] =	ssyncadd.s32 s5;
	_ =	sdelay $0x1  }
0xa2: {  	s23 =	simm.s32 $0x1B8B  }
0xa3: {  	_ =	swait.ge [sflag:s23], $0x1  }
0xa4: {  	[sflag:s23] =	ssyncset.done $0x0  }
0xa5: {  	s25 =	simm.s32 $0x1B8E;
	s24 =	sld [smem:$0x3FFE];
	[sflag:s23] =	ssyncadd.s32 $0xFFFFFFFF  }
0xa6: {  	s26 =	simm.s32 $execute0_lowered;
	[smem:$0x3FD2] =	sst s25  }
0xa7: {  	s6 =	sshll.u32 s26, $0x1;
	_ =	strace $0x80000046;
	[dreg:$0x1] =	wrdreg $0xFFFFFFFF  }
0xa8: {  	s28 =	simm.s32 $_size_execute0_lowered;
	s4 =	sadd.s32 s4, s6;
	[dreg:$0x0] =	wrdreg $0x0  }
0xa9: {  	s6 =	sshll.u32 s28, $0x1;
	[dreg:$0x2] =	wrdreg s4  }
0xaa: {  	[dreg:$0x3] =	wrdreg s6  }
0xab: {  	[dreg:$0x4] =	wrdreg $0xC0  }
0xac: {  	_ =	task [dreg:s8], $0x5FFFF  }
0xad: {  	[dreg:$0x1] =	wrdreg $0xFFFFFFFF  }
0xae: {  	[dreg:$0x0] =	wrdreg $0x60  }
0xaf: {  	[dreg:$0x2] =	wrdreg s2  }
0xb0: {  	[dreg:$0x3] =	wrdreg s18  }
0xb1: {  	[dreg:$0x4] =	wrdreg s24  }
0xb2: {  	[dreg:$0x5] =	wrdreg $0x9  }
0xb3: {  	_ =	task.clear_ibuf [dreg:s8], $0x6FFFF;
	_ =	strace $0x90000046  }
0xb4: {  	s29 =	simm.s32 $0x9;
	_ =	strace $0x80000048  }
0xb5: {  	_ =	swait.ge [sflag:s29], $0x1  }
0xb6: {  	[sflag:s29] =	ssyncadd.s32 $0xFFFFFFFF  }
0xb7: {  	_ =	strace $0x90000048  }
0xb8: {  	_ =	sfence  }
0xb9: {  	s30 =	sld [smem:$0x0];
	_ =	sdelay $0x2  }
0xba: {  	s31 =	sshll.u32 s1, $0xD;
	s1 =	sshrl.u32 s1, $0x2  }
0xbb: {  	s3 =	sand.u32 $0x4000, s31;
	s1 =	sadd.s32 s1, s30  }
0xbc: {  	s0 =	sor.u32 s3, s0;
	s1 =	sshll.u32 s1, $0x11  }
0xbd: {  	s0 =	sor.u32 s1, s0  }
0xbe: {  	s0 =	sadd.s32 $0x8F2B, s0  }
0xbf: {  	[sflag:s0] =	ssyncadd.remote.s32 $0x1  }
0xc0: {  	_ =	sfence.sel $0xFFFF  }
0xc1: {  	[dreg:$0x0] =	wrdreg $0xFFFFFFFF;
	(pc) =	sbr.abs _section_cstart, $3  }
0xc2: {  	[dreg:$0x1] =	wrdreg $0xFFFFFFFF  }
0xc3: {  	_ =	task.clear_ibuf [dreg:s8], $0x2FFFF;
	_ =	strace $0x9FFFFFFF  }
0xc4: {  	(tm) =	ssettm $0x7FFFFFFF  }
0xc5: {  	_ =	shalt  }
tec
execute0_lowered:
.L_overlay_start_1:
0x0: {  	(tag) =	ssettag $0x1  }
0x1: {  	s0 =	rddreg [dreg:$0x0]  }
0x2: {  	s1 =	rddreg [dreg:$0x1]  }
0x3: {  	s7 =	rddreg [dreg:$0x2];
	s2 =	srdreg.scid  }
0x4: {  	s3 =	stileid.u32;
	s30 =	simm.s32 $0x1200;
	s31 =	simm.s32 $0x1A00  }
0x5: {  	s29 =	simm.s32 $0x4200;
	s4 =	sand.u32 $0x1, s2;
	s2 =	simm.s32 $0x0  }
0x6: {  	s3 =	sshll.u32 s3, $0x8;
	s5 =	sshll.u32 s4, $0x7;
	[smem:$0x7FF] =	sst s2  }
0x7: {  	s4 =	ssub.s32 $0x2, s4;
	s5 =	sor.u32 s5, s3;
	_ =	strace $0x80000047  }
0x8: {  	s3 =	sadd.s32 $0x200, s7;
	s9 =	sshrl.u32 s4, $0x1;
	s6 =	sshll.u32 s5, $0x7  }
0x9: {  	s8 =	sshrl.u32 s5, $0x3;
	s14 =	sor.u32 $0x20, s5;
	s9 =	ssub.s32 s4, s9  }
0xa: {  	s4 =	sadd.s32 $0x300, s7;
	s10 =	sor.u32 $0x40, s5;
	s6 =	sadd.s32 s0, s6  }
0xb: {  	s5 =	sor.u32 $0x60, s5;
	s12 =	sadd.s32 s1, s8;
	[dreg:$0x4] =	wrdreg s6  }
0xc: {  	s13 =	sadd.s32 s7, s8;
	s15 =	sshll.u32 s14, $0x7;
	[dreg:$0x5] =	wrdreg s12  }
0xd: {  	s8 =	sshrl.u32 s14, $0x3;
	[dreg:$0x6] =	wrdreg s13;
	s6 =	sadd.s32 s0, s15  }
0xe: {  	s18 =	sshll.u32 s10, $0x7;
	s16 =	sadd.s32 s1, s8;
	[dreg:$0x7] =	wrdreg s6  }
0xf: {  	s20 =	sshrl.u32 s10, $0x3;
	s17 =	sadd.s32 s7, s8;
	[dreg:$0x8] =	wrdreg s16  }
0x10: {  	s23 =	sshll.u32 s5, $0x7;
	s19 =	sadd.s32 s0, s18;
	[dreg:$0x9] =	wrdreg s17  }
0x11: {  	s24 =	sshrl.u32 s5, $0x3;
	s21 =	sadd.s32 s1, s20;
	[dreg:$0xa] =	wrdreg s19  }
0x12: {  	s5 =	sadd.s32 $0x400, s7;
	s22 =	sadd.s32 s7, s20;
	[dreg:$0xb] =	wrdreg s21  }
0x13: {  	s28 =	smax.u32 s9, $0x1;
	s0 =	sadd.s32 s0, s23;
	[dreg:$0xc] =	wrdreg s22  }
0x14: {  	v2 =	vlaneseq.u32;
	s9 =	simm.s32 $0x5;
	s25 =	sadd.s32 s1, s24;
	[dreg:$0xd] =	wrdreg s0  }
0x15: {  	vm0 =	vmmov $0xffff;
	v1 =	vshrl.u32 v2, $0x3;
	s26 =	sadd.s32 s7, s24;
	s6 =	sadd.s32 $0x500, s7;
	[dreg:$0xe] =	wrdreg s25  }
0x16: {  	v0 =	vand.u32 $0x7, v2;
	v2 =	vor.u32 $0x8, v2;
	v1 =	vmul.u32 $0x8, v1;
	[dreg:$0xf] =	wrdreg s26;
	s26 =	simm.s32 $0x200;
	s19 =	simm.s32 $0x8200  }
.LBB2_1:
0x17: {  	s23 =	rddreg [dreg:$0x4]  }
0x18: {  	[tilespmem:s26], [sflag:$0x5] =	stream.linear.gather [hbm4b:s23+s2], $0x8000, $0x38;
	[tilespmem:$0x10200] =	vst v63  }
0x19: {  	_ =	swait.ge [sflag:s9], $0x8000  }
0x1a: {  	[sflag:s9] =	ssyncset.done $0x0  }
0x1b: {  	s12 =	rddreg [dreg:$0x5];
	[sflag:s9] =	ssyncadd.s32 $0xFFFF8000  }
0x1c: {  	[tilespmem:s2], [sflag:$0x5] =	stream.linear.gather [hbm4b:s12+s2], $0x20, $0x38;
	[tilespmem:$0x10200] =	vst v63  }
0x1d: {  	_ =	swait.ge [sflag:s9], $0x20  }
0x1e: {  	[sflag:s9] =	ssyncset.done $0x0  }
0x1f: {  	s0 =	simm.s32 $0x80;
	s13 =	rddreg [dreg:$0x6];
	[sflag:s9] =	ssyncadd.s32 $0xFFFFFFE0  }
0x20: {  	[tilespmem:s0], [sflag:$0x5] =	stream.linear.gather [hbm4b:s13+s2], $0x20, $0x38;
	[tilespmem:$0x10200] =	vst v63  }
0x21: {  	_ =	swait.ge [sflag:s9], $0x20  }
0x22: {  	[sflag:s9] =	ssyncset.done $0x0  }
0x23: {  	[sflag:s9] =	ssyncadd.s32 $0xFFFFFFE0  }
0x24: {  	v3 =	vld [tilespmem:$0x0];
	_ =	sdelay $0x4  }
0x25: {  	v4 =	vshll.u32 v3, $0x3  }
0x26: {  	v3 =	vand.u32 $0x7, v3;
	v4 =	vand.u32 $0xFFFFFFC0, v4  }
0x27: {  	v3 =	vor.u32 v3, v4  }
0x28: {  	v4 =	vperm.xlane v3, v0;
	_ =	sdelay $0x1  }
0x29: {  	v4 =	vadd.s32 v1, v4;
	_ =	sdelay $0x4  }
0x2a: {  	[hbm4b:s3+s2] =	stream.indirect_vreg.scatter [tilespmem:s26], [sflag:$0x1], $0x80, v4, vm0, $0xb8;
	[tilespmem:$0x10200] =	vst v63  }
0x2b: {  	s14 =	simm.s32 $0xA00;
	v3 =	vperm.xlane v3, v2  }
0x2c: {  	[hbm4b:s4+s2] =	stream.indirect_vreg.scatter [tilespmem:s14], [sflag:$0x1], $0x80, v4, vm0, $0xb8;
	[tilespmem:$0x10200] =	vst v63  }
0x2d: {  	v3 =	vadd.s32 v1, v3  }
0x2e: {  	[hbm4b:s5+s2] =	stream.indirect_vreg.scatter [tilespmem:s30], [sflag:$0x1], $0x80, v4, vm0, $0xb8;
	[tilespmem:$0x10200] =	vst v63  }
0x2f: {  	_ = 	snop  }
0x30: {  	[hbm4b:s6+s2] =	stream.indirect_vreg.scatter [tilespmem:s31], [sflag:$0x1], $0x80, v4, vm0, $0xb8;
	[tilespmem:$0x10200] =	vst v63  }
0x31: {  	s21 =	simm.s32 $0x2200  }
0x32: {  	[hbm4b:s3+s2] =	stream.indirect_vreg.scatter [tilespmem:s21], [sflag:$0x1], $0x80, v3, vm0, $0xb8;
	[tilespmem:$0x10200] =	vst v63  }
0x33: {  	s18 =	simm.s32 $0x2A00  }
0x34: {  	[hbm4b:s4+s2] =	stream.indirect_vreg.scatter [tilespmem:s18], [sflag:$0x1], $0x80, v3, vm0, $0xb8;
	[tilespmem:$0x10200] =	vst v63  }
0x35: {  	s15 =	simm.s32 $0x3200  }
0x36: {  	[hbm4b:s5+s2] =	stream.indirect_vreg.scatter [tilespmem:s15], [sflag:$0x1], $0x80, v3, vm0, $0xb8;
	[tilespmem:$0x10200] =	vst v63  }
0x37: {  	s16 =	simm.s32 $0x3A00  }
0x38: {  	[hbm4b:s6+s2] =	stream.indirect_vreg.scatter [tilespmem:s16], [sflag:$0x1], $0x80, v3, vm0, $0xb8;
	[tilespmem:$0x10200] =	vst v63  }
0x39: {  	v3 =	vld [tilespmem:$0x10];
	_ =	sdelay $0x4  }
0x3a: {  	v49 =	vshll.u32 v3, $0x3  }
0x3b: {  	v3 =	vand.u32 $0x7, v3;
	v4 =	vand.u32 $0xFFFFFFC0, v49  }
0x3c: {  	v3 =	vor.u32 v3, v4  }
0x3d: {  	v4 =	vperm.xlane v3, v0;
	_ =	sdelay $0x1  }
0x3e: {  	v4 =	vadd.s32 v1, v4;
	_ =	sdelay $0x4  }
0x3f: {  	[hbm4b:s3+s2] =	stream.indirect_vreg.scatter [tilespmem:s29], [sflag:$0x1], $0x80, v4, vm0, $0xb8;
	[tilespmem:$0x10200] =	vst v63  }
0x40: {  	s17 =	simm.s32 $0x4A00;
	v3 =	vperm.xlane v3, v2  }
0x41: {  	[hbm4b:s4+s2] =	stream.indirect_vreg.scatter [tilespmem:s17], [sflag:$0x1], $0x80, v4, vm0, $0xb8;
	[tilespmem:$0x10200] =	vst v63  }
0x42: {  	s20 =	simm.s32 $0x5200;
	v3 =	vadd.s32 v1, v3  }
0x43: {  	[hbm4b:s5+s2] =	stream.indirect_vreg.scatter [tilespmem:s20], [sflag:$0x1], $0x80, v4, vm0, $0xb8;
	[tilespmem:$0x10200] =	vst v63  }
0x44: {  	s22 =	simm.s32 $0x5A00  }
0x45: {  	[hbm4b:s6+s2] =	stream.indirect_vreg.scatter [tilespmem:s22], [sflag:$0x1], $0x80, v4, vm0, $0xb8;
	[tilespmem:$0x10200] =	vst v63  }
0x46: {  	s23 =	simm.s32 $0x6200  }
0x47: {  	[hbm4b:s3+s2] =	stream.indirect_vreg.scatter [tilespmem:s23], [sflag:$0x1], $0x80, v3, vm0, $0xb8;
	[tilespmem:$0x10200] =	vst v63  }
0x48: {  	s24 =	simm.s32 $0x6A00  }
0x49: {  	[hbm4b:s4+s2] =	stream.indirect_vreg.scatter [tilespmem:s24], [sflag:$0x1], $0x80, v3, vm0, $0xb8;
	[tilespmem:$0x10200] =	vst v63  }
0x4a: {  	s16 =	simm.s32 $0x7200  }
0x4b: {  	[hbm4b:s5+s2] =	stream.indirect_vreg.scatter [tilespmem:s16], [sflag:$0x1], $0x80, v3, vm0, $0xb8;
	[tilespmem:$0x10200] =	vst v63  }
0x4c: {  	s17 =	simm.s32 $0x7A00  }
0x4d: {  	[hbm4b:s6+s2] =	stream.indirect_vreg.scatter [tilespmem:s17], [sflag:$0x1], $0x80, v3, vm0, $0xb8;
	[tilespmem:$0x10200] =	vst v63  }
0x4e: {  	v3 =	vld [tilespmem:$0x80];
	_ =	sdelay $0x4  }
0x4f: {  	v50 =	vshll.u32 v3, $0x3  }
0x50: {  	v3 =	vand.u32 $0x7, v3;
	v4 =	vand.u32 $0xFFFFFFC0, v50  }
0x51: {  	v3 =	vor.u32 v3, v4  }
0x52: {  	v4 =	vperm.xlane v3, v0;
	_ =	sdelay $0x1  }
0x53: {  	v4 =	vadd.s32 v1, v4;
	_ =	sdelay $0x4  }
0x54: {  	[hbm4b:s3+s2] =	stream.indirect_vreg.scatter [tilespmem:s26], [sflag:$0x2], $0x80, v4, vm0, $0xb8;
	[tilespmem:$0x10200] =	vst v63  }
0x55: {  	s11 =	simm.s32 $0xA00;
	v3 =	vperm.xlane v3, v2  }
0x56: {  	[hbm4b:s4+s2] =	stream.indirect_vreg.scatter [tilespmem:s11], [sflag:$0x2], $0x80, v4, vm0, $0xb8;
	[tilespmem:$0x10200] =	vst v63  }
0x57: {  	v3 =	vadd.s32 v1, v3  }
0x58: {  	[hbm4b:s5+s2] =	stream.indirect_vreg.scatter [tilespmem:s30], [sflag:$0x2], $0x80, v4, vm0, $0xb8;
	[tilespmem:$0x10200] =	vst v63  }
0x59: {  	_ = 	snop  }
0x5a: {  	[hbm4b:s6+s2] =	stream.indirect_vreg.scatter [tilespmem:s31], [sflag:$0x2], $0x80, v4, vm0, $0xb8;
	[tilespmem:$0x10200] =	vst v63  }
0x5b: {  	_ = 	snop  }
0x5c: {  	[hbm4b:s3+s2] =	stream.indirect_vreg.scatter [tilespmem:s21], [sflag:$0x2], $0x80, v3, vm0, $0xb8;
	[tilespmem:$0x10200] =	vst v63  }
0x5d: {  	_ = 	snop  }
0x5e: {  	[hbm4b:s4+s2] =	stream.indirect_vreg.scatter [tilespmem:s18], [sflag:$0x2], $0x80, v3, vm0, $0xb8;
	[tilespmem:$0x10200] =	vst v63  }
0x5f: {  	s1 =	simm.s32 $0x3200  }
0x60: {  	[hbm4b:s5+s2] =	stream.indirect_vreg.scatter [tilespmem:s1], [sflag:$0x2], $0x80, v3, vm0, $0xb8;
	[tilespmem:$0x10200] =	vst v63  }
0x61: {  	s12 =	simm.s32 $0x3A00  }
0x62: {  	[hbm4b:s6+s2] =	stream.indirect_vreg.scatter [tilespmem:s12], [sflag:$0x2], $0x80, v3, vm0, $0xb8;
	[tilespmem:$0x10200] =	vst v63  }
0x63: {  	v3 =	vld [tilespmem:$0x90];
	_ =	sdelay $0x4  }
0x64: {  	v51 =	vshll.u32 v3, $0x3  }
0x65: {  	v3 =	vand.u32 $0x7, v3;
	v4 =	vand.u32 $0xFFFFFFC0, v51  }
0x66: {  	v3 =	vor.u32 v3, v4  }
0x67: {  	v4 =	vperm.xlane v3, v0;
	_ =	sdelay $0x1  }
0x68: {  	v4 =	vadd.s32 v1, v4;
	_ =	sdelay $0x4  }
0x69: {  	[hbm4b:s3+s2] =	stream.indirect_vreg.scatter [tilespmem:s29], [sflag:$0x2], $0x80, v4, vm0, $0xb8;
	[tilespmem:$0x10200] =	vst v63  }
0x6a: {  	s13 =	simm.s32 $0x4A00;
	v3 =	vperm.xlane v3, v2  }
0x6b: {  	[hbm4b:s4+s2] =	stream.indirect_vreg.scatter [tilespmem:s13], [sflag:$0x2], $0x80, v4, vm0, $0xb8;
	[tilespmem:$0x10200] =	vst v63  }
0x6c: {  	s7 =	simm.s32 $0x5200;
	v3 =	vadd.s32 v1, v3  }
0x6d: {  	[hbm4b:s5+s2] =	stream.indirect_vreg.scatter [tilespmem:s7], [sflag:$0x2], $0x80, v4, vm0, $0xb8;
	[tilespmem:$0x10200] =	vst v63  }
0x6e: {  	s8 =	simm.s32 $0x5A00  }
0x6f: {  	[hbm4b:s6+s2] =	stream.indirect_vreg.scatter [tilespmem:s8], [sflag:$0x2], $0x80, v4, vm0, $0xb8;
	[tilespmem:$0x10200] =	vst v63  }
0x70: {  	s10 =	simm.s32 $0x6200  }
0x71: {  	[hbm4b:s3+s2] =	stream.indirect_vreg.scatter [tilespmem:s10], [sflag:$0x2], $0x80, v3, vm0, $0xb8;
	[tilespmem:$0x10200] =	vst v63  }
0x72: {  	s25 =	simm.s32 $0x6A00  }
0x73: {  	[hbm4b:s4+s2] =	stream.indirect_vreg.scatter [tilespmem:s25], [sflag:$0x2], $0x80, v3, vm0, $0xb8;
	[tilespmem:$0x10200] =	vst v63  }
0x74: {  	_ = 	snop  }
0x75: {  	[hbm4b:s5+s2] =	stream.indirect_vreg.scatter [tilespmem:s16], [sflag:$0x2], $0x80, v3, vm0, $0xb8;
	[tilespmem:$0x10200] =	vst v63  }
0x76: {  	_ = 	snop  }
0x77: {  	[hbm4b:s6+s2] =	stream.indirect_vreg.scatter [tilespmem:s17], [sflag:$0x2], $0x80, v3, vm0, $0xb8;
	[tilespmem:$0x10200] =	vst v63  }
0x78: {  	s11 =	rddreg [dreg:$0x7]  }
0x79: {  	[tilespmem:s19], [sflag:$0x5] =	stream.linear.gather [hbm4b:s11+s2], $0x8000, $0x38;
	[tilespmem:$0x10200] =	vst v63  }
0x7a: {  	_ =	swait.ge [sflag:s9], $0x8000  }
0x7b: {  	[sflag:s9] =	ssyncset.done $0x0  }
0x7c: {  	s13 =	simm.s32 $0x100;
	s12 =	rddreg [dreg:$0x8];
	[sflag:s9] =	ssyncadd.s32 $0xFFFF8000  }
0x7d: {  	[tilespmem:s13], [sflag:$0x5] =	stream.linear.gather [hbm4b:s12+s2], $0x20, $0x38;
	[tilespmem:$0x10200] =	vst v63  }
0x7e: {  	_ =	swait.ge [sflag:s9], $0x20  }
0x7f: {  	[sflag:s9] =	ssyncset.done $0x0  }
0x80: {  	s15 =	simm.s32 $0x180;
	s14 =	rddreg [dreg:$0x9];
	[sflag:s9] =	ssyncadd.s32 $0xFFFFFFE0  }
0x81: {  	[tilespmem:s15], [sflag:$0x5] =	stream.linear.gather [hbm4b:s14+s2], $0x20, $0x38;
	[tilespmem:$0x10200] =	vst v63  }
0x82: {  	_ =	swait.ge [sflag:s9], $0x20  }
0x83: {  	[sflag:s9] =	ssyncset.done $0x0  }
0x84: {  	[sflag:s9] =	ssyncadd.s32 $0xFFFFFFE0  }
0x85: {  	v3 =	vld [tilespmem:$0x100];
	_ =	sdelay $0x4  }
0x86: {  	v52 =	vshll.u32 v3, $0x3  }
0x87: {  	v3 =	vand.u32 $0x7, v3;
	v4 =	vand.u32 $0xFFFFFFC0, v52  }
0x88: {  	v3 =	vor.u32 v3, v4  }
0x89: {  	v4 =	vperm.xlane v3, v0;
	_ =	sdelay $0x1  }
0x8a: {  	v4 =	vadd.s32 v1, v4;
	_ =	sdelay $0x4  }
0x8b: {  	[hbm4b:s3+s2] =	stream.indirect_vreg.scatter [tilespmem:s19], [sflag:$0x3], $0x80, v4, vm0, $0xb8;
	[tilespmem:$0x10200] =	vst v63  }
0x8c: {  	s20 =	simm.s32 $0x8A00;
	v3 =	vperm.xlane v3, v2  }
0x8d: {  	[hbm4b:s4+s2] =	stream.indirect_vreg.scatter [tilespmem:s20], [sflag:$0x3], $0x80, v4, vm0, $0xb8;
	[tilespmem:$0x10200] =	vst v63  }
0x8e: {  	s22 =	simm.s32 $0x9200;
	v3 =	vadd.s32 v1, v3  }
0x8f: {  	[hbm4b:s5+s2] =	stream.indirect_vreg.scatter [tilespmem:s22], [sflag:$0x3], $0x80, v4, vm0, $0xb8;
	[tilespmem:$0x10200] =	vst v63  }
0x90: {  	s23 =	simm.s32 $0x9A00  }
0x91: {  	[hbm4b:s6+s2] =	stream.indirect_vreg.scatter [tilespmem:s23], [sflag:$0x3], $0x80, v4, vm0, $0xb8;
	[tilespmem:$0x10200] =	vst v63  }
0x92: {  	s24 =	simm.s32 $0xA200  }
0x93: {  	[hbm4b:s3+s2] =	stream.indirect_vreg.scatter [tilespmem:s24], [sflag:$0x3], $0x80, v3, vm0, $0xb8;
	[tilespmem:$0x10200] =	vst v63  }
0x94: {  	s25 =	simm.s32 $0xAA00  }
0x95: {  	[hbm4b:s4+s2] =	stream.indirect_vreg.scatter [tilespmem:s25], [sflag:$0x3], $0x80, v3, vm0, $0xb8;
	[tilespmem:$0x10200] =	vst v63  }
0x96: {  	s7 =	simm.s32 $0xB200  }
0x97: {  	[hbm4b:s5+s2] =	stream.indirect_vreg.scatter [tilespmem:s7], [sflag:$0x3], $0x80, v3, vm0, $0xb8;
	[tilespmem:$0x10200] =	vst v63  }
0x98: {  	s8 =	simm.s32 $0xBA00  }
0x99: {  	[hbm4b:s6+s2] =	stream.indirect_vreg.scatter [tilespmem:s8], [sflag:$0x3], $0x80, v3, vm0, $0xb8;
	[tilespmem:$0x10200] =	vst v63  }
0x9a: {  	v3 =	vld [tilespmem:$0x110];
	_ =	sdelay $0x4  }
0x9b: {  	v53 =	vshll.u32 v3, $0x3  }
0x9c: {  	v3 =	vand.u32 $0x7, v3;
	v4 =	vand.u32 $0xFFFFFFC0, v53  }
0x9d: {  	v3 =	vor.u32 v3, v4  }
0x9e: {  	v4 =	vperm.xlane v3, v0;
	_ =	sdelay $0x1  }
0x9f: {  	v4 =	vadd.s32 v1, v4;
	_ =	sdelay $0x3  }
0xa0: {  	s10 =	simm.s32 $0xC200  }
0xa1: {  	[hbm4b:s3+s2] =	stream.indirect_vreg.scatter [tilespmem:s10], [sflag:$0x3], $0x80, v4, vm0, $0xb8;
	[tilespmem:$0x10200] =	vst v63  }
0xa2: {  	s11 =	simm.s32 $0xCA00;
	v3 =	vperm.xlane v3, v2  }
0xa3: {  	[hbm4b:s4+s2] =	stream.indirect_vreg.scatter [tilespmem:s11], [sflag:$0x3], $0x80, v4, vm0, $0xb8;
	[tilespmem:$0x10200] =	vst v63  }
0xa4: {  	s23 =	simm.s32 $0xD200;
	v3 =	vadd.s32 v1, v3  }
0xa5: {  	[hbm4b:s5+s2] =	stream.indirect_vreg.scatter [tilespmem:s23], [sflag:$0x3], $0x80, v4, vm0, $0xb8;
	[tilespmem:$0x10200] =	vst v63  }
0xa6: {  	s7 =	simm.s32 $0xDA00  }
0xa7: {  	[hbm4b:s6+s2] =	stream.indirect_vreg.scatter [tilespmem:s7], [sflag:$0x3], $0x80, v4, vm0, $0xb8;
	[tilespmem:$0x10200] =	vst v63  }
0xa8: {  	s8 =	simm.s32 $0xE200  }
0xa9: {  	[hbm4b:s3+s2] =	stream.indirect_vreg.scatter [tilespmem:s8], [sflag:$0x3], $0x80, v3, vm0, $0xb8;
	[tilespmem:$0x10200] =	vst v63  }
0xaa: {  	s10 =	simm.s32 $0xEA00  }
0xab: {  	[hbm4b:s4+s2] =	stream.indirect_vreg.scatter [tilespmem:s10], [sflag:$0x3], $0x80, v3, vm0, $0xb8;
	[tilespmem:$0x10200] =	vst v63  }
0xac: {  	s11 =	simm.s32 $0xF200  }
0xad: {  	[hbm4b:s5+s2] =	stream.indirect_vreg.scatter [tilespmem:s11], [sflag:$0x3], $0x80, v3, vm0, $0xb8;
	[tilespmem:$0x10200] =	vst v63  }
0xae: {  	s0 =	simm.s32 $0xFA00  }
0xaf: {  	[hbm4b:s6+s2] =	stream.indirect_vreg.scatter [tilespmem:s0], [sflag:$0x3], $0x80, v3, vm0, $0xb8;
	[tilespmem:$0x10200] =	vst v63  }
0xb0: {  	v3 =	vld [tilespmem:$0x180];
	_ =	sdelay $0x4  }
0xb1: {  	v54 =	vshll.u32 v3, $0x3  }
0xb2: {  	v3 =	vand.u32 $0x7, v3;
	v4 =	vand.u32 $0xFFFFFFC0, v54  }
0xb3: {  	v3 =	vor.u32 v3, v4  }
0xb4: {  	v4 =	vperm.xlane v3, v0;
	_ =	sdelay $0x1  }
0xb5: {  	v4 =	vadd.s32 v1, v4;
	_ =	sdelay $0x4  }
0xb6: {  	[hbm4b:s3+s2] =	stream.indirect_vreg.scatter [tilespmem:s19], [sflag:$0x4], $0x80, v4, vm0, $0xb8;
	[tilespmem:$0x10200] =	vst v63  }
0xb7: {  	s20 =	simm.s32 $0x8A00;
	v3 =	vperm.xlane v3, v2  }
0xb8: {  	[hbm4b:s4+s2] =	stream.indirect_vreg.scatter [tilespmem:s20], [sflag:$0x4], $0x80, v4, vm0, $0xb8;
	[tilespmem:$0x10200] =	vst v63  }
0xb9: {  	s1 =	simm.s32 $0x9200;
	v3 =	vadd.s32 v1, v3  }
0xba: {  	[hbm4b:s5+s2] =	stream.indirect_vreg.scatter [tilespmem:s1], [sflag:$0x4], $0x80, v4, vm0, $0xb8;
	[tilespmem:$0x10200] =	vst v63  }
0xbb: {  	s15 =	simm.s32 $0x9A00  }
0xbc: {  	[hbm4b:s6+s2] =	stream.indirect_vreg.scatter [tilespmem:s15], [sflag:$0x4], $0x80, v4, vm0, $0xb8;
	[tilespmem:$0x10200] =	vst v63  }
0xbd: {  	s12 =	simm.s32 $0xA200  }
0xbe: {  	[hbm4b:s3+s2] =	stream.indirect_vreg.scatter [tilespmem:s12], [sflag:$0x4], $0x80, v3, vm0, $0xb8;
	[tilespmem:$0x10200] =	vst v63  }
0xbf: {  	s13 =	simm.s32 $0xAA00  }
0xc0: {  	[hbm4b:s4+s2] =	stream.indirect_vreg.scatter [tilespmem:s13], [sflag:$0x4], $0x80, v3, vm0, $0xb8;
	[tilespmem:$0x10200] =	vst v63  }
0xc1: {  	s14 =	simm.s32 $0xB200  }
0xc2: {  	[hbm4b:s5+s2] =	stream.indirect_vreg.scatter [tilespmem:s14], [sflag:$0x4], $0x80, v3, vm0, $0xb8;
	[tilespmem:$0x10200] =	vst v63  }
0xc3: {  	s22 =	simm.s32 $0xBA00  }
0xc4: {  	[hbm4b:s6+s2] =	stream.indirect_vreg.scatter [tilespmem:s22], [sflag:$0x4], $0x80, v3, vm0, $0xb8;
	[tilespmem:$0x10200] =	vst v63  }
0xc5: {  	v3 =	vld [tilespmem:$0x190];
	_ =	sdelay $0x4  }
0xc6: {  	v55 =	vshll.u32 v3, $0x3  }
0xc7: {  	v3 =	vand.u32 $0x7, v3;
	v4 =	vand.u32 $0xFFFFFFC0, v55  }
0xc8: {  	v3 =	vor.u32 v3, v4  }
0xc9: {  	v4 =	vperm.xlane v3, v0;
	_ =	sdelay $0x1  }
0xca: {  	v4 =	vadd.s32 v1, v4;
	_ =	sdelay $0x3  }
0xcb: {  	s24 =	simm.s32 $0xC200  }
0xcc: {  	[hbm4b:s3+s2] =	stream.indirect_vreg.scatter [tilespmem:s24], [sflag:$0x4], $0x80, v4, vm0, $0xb8;
	[tilespmem:$0x10200] =	vst v63  }
0xcd: {  	s25 =	simm.s32 $0xCA00;
	v3 =	vperm.xlane v3, v2  }
0xce: {  	[hbm4b:s4+s2] =	stream.indirect_vreg.scatter [tilespmem:s25], [sflag:$0x4], $0x80, v4, vm0, $0xb8;
	[tilespmem:$0x10200] =	vst v63  }
0xcf: {  	s23 =	simm.s32 $0xD200;
	v3 =	vadd.s32 v1, v3  }
0xd0: {  	[hbm4b:s5+s2] =	stream.indirect_vreg.scatter [tilespmem:s23], [sflag:$0x4], $0x80, v4, vm0, $0xb8;
	[tilespmem:$0x10200] =	vst v63  }
0xd1: {  	s7 =	simm.s32 $0xDA00  }
0xd2: {  	[hbm4b:s6+s2] =	stream.indirect_vreg.scatter [tilespmem:s7], [sflag:$0x4], $0x80, v4, vm0, $0xb8;
	[tilespmem:$0x10200] =	vst v63  }
0xd3: {  	s8 =	simm.s32 $0xE200  }
0xd4: {  	[hbm4b:s3+s2] =	stream.indirect_vreg.scatter [tilespmem:s8], [sflag:$0x4], $0x80, v3, vm0, $0xb8;
	[tilespmem:$0x10200] =	vst v63  }
0xd5: {  	s10 =	simm.s32 $0xEA00  }
0xd6: {  	[hbm4b:s4+s2] =	stream.indirect_vreg.scatter [tilespmem:s10], [sflag:$0x4], $0x80, v3, vm0, $0xb8;
	[tilespmem:$0x10200] =	vst v63  }
0xd7: {  	s11 =	simm.s32 $0xF200  }
0xd8: {  	[hbm4b:s5+s2] =	stream.indirect_vreg.scatter [tilespmem:s11], [sflag:$0x4], $0x80, v3, vm0, $0xb8;
	[tilespmem:$0x10200] =	vst v63  }
0xd9: {  	s0 =	simm.s32 $0xFA00  }
0xda: {  	[hbm4b:s6+s2] =	stream.indirect_vreg.scatter [tilespmem:s0], [sflag:$0x4], $0x80, v3, vm0, $0xb8;
	[tilespmem:$0x10200] =	vst v63  }
0xdb: {  	s0 =	simm.s32 $0x1  }
0xdc: {  	_ =	swait.ge [sflag:s0], $0x8000  }
0xdd: {  	[sflag:s0] =	ssyncset.done $0x0  }
0xde: {  	s1 =	simm.s32 $0x2;
	[sflag:s0] =	ssyncadd.s32 $0xFFFF8000  }
0xdf: {  	_ =	swait.ge [sflag:s1], $0x8000  }
0xe0: {  	[sflag:s1] =	ssyncset.done $0x0  }
0xe1: {  	s14 =	rddreg [dreg:$0xa];
	[sflag:s1] =	ssyncadd.s32 $0xFFFF8000  }
0xe2: {  	[tilespmem:s26], [sflag:$0x5] =	stream.linear.gather [hbm4b:s14+s2], $0x8000, $0x38;
	[tilespmem:$0x10200] =	vst v63  }
0xe3: {  	_ =	swait.ge [sflag:s9], $0x8000  }
0xe4: {  	[sflag:s9] =	ssyncset.done $0x0  }
0xe5: {  	s15 =	rddreg [dreg:$0xb];
	[sflag:s9] =	ssyncadd.s32 $0xFFFF8000  }
0xe6: {  	[tilespmem:s2], [sflag:$0x5] =	stream.linear.gather [hbm4b:s15+s2], $0x20, $0x38;
	[tilespmem:$0x10200] =	vst v63  }
0xe7: {  	_ =	swait.ge [sflag:s9], $0x20  }
0xe8: {  	[sflag:s9] =	ssyncset.done $0x0  }
0xe9: {  	s22 =	simm.s32 $0x80;
	s20 =	rddreg [dreg:$0xc];
	[sflag:s9] =	ssyncadd.s32 $0xFFFFFFE0  }
0xea: {  	[tilespmem:s22], [sflag:$0x5] =	stream.linear.gather [hbm4b:s20+s2], $0x20, $0x38;
	[tilespmem:$0x10200] =	vst v63  }
0xeb: {  	_ =	swait.ge [sflag:s9], $0x20  }
0xec: {  	[sflag:s9] =	ssyncset.done $0x0  }
0xed: {  	[sflag:s9] =	ssyncadd.s32 $0xFFFFFFE0  }
0xee: {  	v3 =	vld [tilespmem:$0x0];
	_ =	sdelay $0x4  }
0xef: {  	v56 =	vshll.u32 v3, $0x3  }
0xf0: {  	v3 =	vand.u32 $0x7, v3;
	v4 =	vand.u32 $0xFFFFFFC0, v56  }
0xf1: {  	v3 =	vor.u32 v3, v4  }
0xf2: {  	v4 =	vperm.xlane v3, v0;
	_ =	sdelay $0x1  }
0xf3: {  	v4 =	vadd.s32 v1, v4;
	_ =	sdelay $0x4  }
0xf4: {  	[hbm4b:s3+s2] =	stream.indirect_vreg.scatter [tilespmem:s26], [sflag:$0x1], $0x80, v4, vm0, $0xb8;
	[tilespmem:$0x10200] =	vst v63  }
0xf5: {  	s7 =	simm.s32 $0xA00;
	v3 =	vperm.xlane v3, v2  }
0xf6: {  	[hbm4b:s4+s2] =	stream.indirect_vreg.scatter [tilespmem:s7], [sflag:$0x1], $0x80, v4, vm0, $0xb8;
	[tilespmem:$0x10200] =	vst v63  }
0xf7: {  	v3 =	vadd.s32 v1, v3  }
0xf8: {  	[hbm4b:s5+s2] =	stream.indirect_vreg.scatter [tilespmem:s30], [sflag:$0x1], $0x80, v4, vm0, $0xb8;
	[tilespmem:$0x10200] =	vst v63  }
0xf9: {  	_ = 	snop  }
0xfa: {  	[hbm4b:s6+s2] =	stream.indirect_vreg.scatter [tilespmem:s31], [sflag:$0x1], $0x80, v4, vm0, $0xb8;
	[tilespmem:$0x10200] =	vst v63  }
0xfb: {  	_ = 	snop  }
0xfc: {  	[hbm4b:s3+s2] =	stream.indirect_vreg.scatter [tilespmem:s21], [sflag:$0x1], $0x80, v3, vm0, $0xb8;
	[tilespmem:$0x10200] =	vst v63  }
0xfd: {  	_ = 	snop  }
0xfe: {  	[hbm4b:s4+s2] =	stream.indirect_vreg.scatter [tilespmem:s18], [sflag:$0x1], $0x80, v3, vm0, $0xb8;
	[tilespmem:$0x10200] =	vst v63  }
0xff: {  	s8 =	simm.s32 $0x3200  }
0x100: {  	[hbm4b:s5+s2] =	stream.indirect_vreg.scatter [tilespmem:s8], [sflag:$0x1], $0x80, v3, vm0, $0xb8;
	[tilespmem:$0x10200] =	vst v63  }
0x101: {  	s10 =	simm.s32 $0x3A00  }
0x102: {  	[hbm4b:s6+s2] =	stream.indirect_vreg.scatter [tilespmem:s10], [sflag:$0x1], $0x80, v3, vm0, $0xb8;
	[tilespmem:$0x10200] =	vst v63  }
0x103: {  	v3 =	vld [tilespmem:$0x10];
	_ =	sdelay $0x4  }
0x104: {  	v57 =	vshll.u32 v3, $0x3  }
0x105: {  	v3 =	vand.u32 $0x7, v3;
	v4 =	vand.u32 $0xFFFFFFC0, v57  }
0x106: {  	v3 =	vor.u32 v3, v4  }
0x107: {  	v4 =	vperm.xlane v3, v0;
	_ =	sdelay $0x1  }
0x108: {  	v4 =	vadd.s32 v1, v4;
	_ =	sdelay $0x4  }
0x109: {  	[hbm4b:s3+s2] =	stream.indirect_vreg.scatter [tilespmem:s29], [sflag:$0x1], $0x80, v4, vm0, $0xb8;
	[tilespmem:$0x10200] =	vst v63  }
0x10a: {  	s11 =	simm.s32 $0x4A00;
	v3 =	vperm.xlane v3, v2  }
0x10b: {  	[hbm4b:s4+s2] =	stream.indirect_vreg.scatter [tilespmem:s11], [sflag:$0x1], $0x80, v4, vm0, $0xb8;
	[tilespmem:$0x10200] =	vst v63  }
0x10c: {  	s12 =	simm.s32 $0x5200;
	v3 =	vadd.s32 v1, v3  }
0x10d: {  	[hbm4b:s5+s2] =	stream.indirect_vreg.scatter [tilespmem:s12], [sflag:$0x1], $0x80, v4, vm0, $0xb8;
	[tilespmem:$0x10200] =	vst v63  }
0x10e: {  	s20 =	simm.s32 $0x5A00  }
0x10f: {  	[hbm4b:s6+s2] =	stream.indirect_vreg.scatter [tilespmem:s20], [sflag:$0x1], $0x80, v4, vm0, $0xb8;
	[tilespmem:$0x10200] =	vst v63  }
0x110: {  	s22 =	simm.s32 $0x6200  }
0x111: {  	[hbm4b:s3+s2] =	stream.indirect_vreg.scatter [tilespmem:s22], [sflag:$0x1], $0x80, v3, vm0, $0xb8;
	[tilespmem:$0x10200] =	vst v63  }
0x112: {  	s23 =	simm.s32 $0x6A00  }
0x113: {  	[hbm4b:s4+s2] =	stream.indirect_vreg.scatter [tilespmem:s23], [sflag:$0x1], $0x80, v3, vm0, $0xb8;
	[tilespmem:$0x10200] =	vst v63  }
0x114: {  	_ = 	snop  }
0x115: {  	[hbm4b:s5+s2] =	stream.indirect_vreg.scatter [tilespmem:s16], [sflag:$0x1], $0x80, v3, vm0, $0xb8;
	[tilespmem:$0x10200] =	vst v63  }
0x116: {  	_ = 	snop  }
0x117: {  	[hbm4b:s6+s2] =	stream.indirect_vreg.scatter [tilespmem:s17], [sflag:$0x1], $0x80, v3, vm0, $0xb8;
	[tilespmem:$0x10200] =	vst v63  }
0x118: {  	v3 =	vld [tilespmem:$0x80];
	_ =	sdelay $0x4  }
0x119: {  	v58 =	vshll.u32 v3, $0x3  }
0x11a: {  	v3 =	vand.u32 $0x7, v3;
	v4 =	vand.u32 $0xFFFFFFC0, v58  }
0x11b: {  	v3 =	vor.u32 v3, v4  }
0x11c: {  	v4 =	vperm.xlane v3, v0;
	_ =	sdelay $0x1  }
0x11d: {  	v4 =	vadd.s32 v1, v4;
	_ =	sdelay $0x4  }
0x11e: {  	[hbm4b:s3+s2] =	stream.indirect_vreg.scatter [tilespmem:s26], [sflag:$0x2], $0x80, v4, vm0, $0xb8;
	[tilespmem:$0x10200] =	vst v63  }
0x11f: {  	v3 =	vperm.xlane v3, v2  }
0x120: {  	[hbm4b:s4+s2] =	stream.indirect_vreg.scatter [tilespmem:s7], [sflag:$0x2], $0x80, v4, vm0, $0xb8;
	[tilespmem:$0x10200] =	vst v63  }
0x121: {  	v3 =	vadd.s32 v1, v3  }
0x122: {  	[hbm4b:s5+s2] =	stream.indirect_vreg.scatter [tilespmem:s30], [sflag:$0x2], $0x80, v4, vm0, $0xb8;
	[tilespmem:$0x10200] =	vst v63  }
0x123: {  	_ = 	snop  }
0x124: {  	[hbm4b:s6+s2] =	stream.indirect_vreg.scatter [tilespmem:s31], [sflag:$0x2], $0x80, v4, vm0, $0xb8;
	[tilespmem:$0x10200] =	vst v63  }
0x125: {  	_ = 	snop  }
0x126: {  	[hbm4b:s3+s2] =	stream.indirect_vreg.scatter [tilespmem:s21], [sflag:$0x2], $0x80, v3, vm0, $0xb8;
	[tilespmem:$0x10200] =	vst v63  }
0x127: {  	_ = 	snop  }
0x128: {  	[hbm4b:s4+s2] =	stream.indirect_vreg.scatter [tilespmem:s18], [sflag:$0x2], $0x80, v3, vm0, $0xb8;
	[tilespmem:$0x10200] =	vst v63  }
0x129: {  	_ = 	snop  }
0x12a: {  	[hbm4b:s5+s2] =	stream.indirect_vreg.scatter [tilespmem:s8], [sflag:$0x2], $0x80, v3, vm0, $0xb8;
	[tilespmem:$0x10200] =	vst v63  }
0x12b: {  	_ = 	snop  }
0x12c: {  	[hbm4b:s6+s2] =	stream.indirect_vreg.scatter [tilespmem:s10], [sflag:$0x2], $0x80, v3, vm0, $0xb8;
	[tilespmem:$0x10200] =	vst v63  }
0x12d: {  	v3 =	vld [tilespmem:$0x90];
	_ =	sdelay $0x4  }
0x12e: {  	v59 =	vshll.u32 v3, $0x3  }
0x12f: {  	v3 =	vand.u32 $0x7, v3;
	v4 =	vand.u32 $0xFFFFFFC0, v59  }
0x130: {  	v3 =	vor.u32 v3, v4  }
0x131: {  	v4 =	vperm.xlane v3, v0;
	_ =	sdelay $0x1  }
0x132: {  	v4 =	vadd.s32 v1, v4;
	_ =	sdelay $0x4  }
0x133: {  	[hbm4b:s3+s2] =	stream.indirect_vreg.scatter [tilespmem:s29], [sflag:$0x2], $0x80, v4, vm0, $0xb8;
	[tilespmem:$0x10200] =	vst v63  }
0x134: {  	v3 =	vperm.xlane v3, v2  }
0x135: {  	[hbm4b:s4+s2] =	stream.indirect_vreg.scatter [tilespmem:s11], [sflag:$0x2], $0x80, v4, vm0, $0xb8;
	[tilespmem:$0x10200] =	vst v63  }
0x136: {  	v3 =	vadd.s32 v1, v3  }
0x137: {  	[hbm4b:s5+s2] =	stream.indirect_vreg.scatter [tilespmem:s12], [sflag:$0x2], $0x80, v4, vm0, $0xb8;
	[tilespmem:$0x10200] =	vst v63  }
0x138: {  	_ = 	snop  }
0x139: {  	[hbm4b:s6+s2] =	stream.indirect_vreg.scatter [tilespmem:s20], [sflag:$0x2], $0x80, v4, vm0, $0xb8;
	[tilespmem:$0x10200] =	vst v63  }
0x13a: {  	_ = 	snop  }
0x13b: {  	[hbm4b:s3+s2] =	stream.indirect_vreg.scatter [tilespmem:s22], [sflag:$0x2], $0x80, v3, vm0, $0xb8;
	[tilespmem:$0x10200] =	vst v63  }
0x13c: {  	_ = 	snop  }
0x13d: {  	[hbm4b:s4+s2] =	stream.indirect_vreg.scatter [tilespmem:s23], [sflag:$0x2], $0x80, v3, vm0, $0xb8;
	[tilespmem:$0x10200] =	vst v63  }
0x13e: {  	_ = 	snop  }
0x13f: {  	[hbm4b:s5+s2] =	stream.indirect_vreg.scatter [tilespmem:s16], [sflag:$0x2], $0x80, v3, vm0, $0xb8;
	[tilespmem:$0x10200] =	vst v63  }
0x140: {  	s8 =	simm.s32 $0x3  }
0x141: {  	[hbm4b:s6+s2] =	stream.indirect_vreg.scatter [tilespmem:s17], [sflag:$0x2], $0x80, v3, vm0, $0xb8;
	[tilespmem:$0x10200] =	vst v63  }
0x142: {  	_ =	swait.ge [sflag:s8], $0x8000  }
0x143: {  	[sflag:s8] =	ssyncset.done $0x0  }
0x144: {  	s10 =	simm.s32 $0x4;
	[sflag:s8] =	ssyncadd.s32 $0xFFFF8000  }
0x145: {  	_ =	swait.ge [sflag:s10], $0x8000  }
0x146: {  	[sflag:s10] =	ssyncset.done $0x0  }
0x147: {  	s17 =	rddreg [dreg:$0xd];
	[sflag:s10] =	ssyncadd.s32 $0xFFFF8000  }
0x148: {  	[tilespmem:s19], [sflag:$0x5] =	stream.linear.gather [hbm4b:s17+s2], $0x8000, $0x38;
	[tilespmem:$0x10200] =	vst v63  }
0x149: {  	_ =	swait.ge [sflag:s9], $0x8000  }
0x14a: {  	[sflag:s9] =	ssyncset.done $0x0  }
0x14b: {  	s20 =	simm.s32 $0x100;
	s18 =	rddreg [dreg:$0xe];
	[sflag:s9] =	ssyncadd.s32 $0xFFFF8000  }
0x14c: {  	[tilespmem:s20], [sflag:$0x5] =	stream.linear.gather [hbm4b:s18+s2], $0x20, $0x38;
	[tilespmem:$0x10200] =	vst v63  }
0x14d: {  	_ =	swait.ge [sflag:s9], $0x20  }
0x14e: {  	[sflag:s9] =	ssyncset.done $0x0  }
0x14f: {  	s22 =	simm.s32 $0x180;
	s21 =	rddreg [dreg:$0xf];
	[sflag:s9] =	ssyncadd.s32 $0xFFFFFFE0  }
0x150: {  	[tilespmem:s22], [sflag:$0x5] =	stream.linear.gather [hbm4b:s21+s2], $0x20, $0x38;
	[tilespmem:$0x10200] =	vst v63  }
0x151: {  	_ =	swait.ge [sflag:s9], $0x20  }
0x152: {  	[sflag:s9] =	ssyncset.done $0x0  }
0x153: {  	[sflag:s9] =	ssyncadd.s32 $0xFFFFFFE0  }
0x154: {  	v3 =	vld [tilespmem:$0x100];
	_ =	sdelay $0x4  }
0x155: {  	v60 =	vshll.u32 v3, $0x3  }
0x156: {  	v3 =	vand.u32 $0x7, v3;
	v4 =	vand.u32 $0xFFFFFFC0, v60  }
0x157: {  	v3 =	vor.u32 v3, v4  }
0x158: {  	v4 =	vperm.xlane v3, v0;
	_ =	sdelay $0x1  }
0x159: {  	v4 =	vadd.s32 v1, v4;
	_ =	sdelay $0x4  }
0x15a: {  	[hbm4b:s3+s2] =	stream.indirect_vreg.scatter [tilespmem:s19], [sflag:$0x3], $0x80, v4, vm0, $0xb8;
	[tilespmem:$0x10200] =	vst v63  }
0x15b: {  	s20 =	simm.s32 $0x8A00;
	v3 =	vperm.xlane v3, v2  }
0x15c: {  	[hbm4b:s4+s2] =	stream.indirect_vreg.scatter [tilespmem:s20], [sflag:$0x3], $0x80, v4, vm0, $0xb8;
	[tilespmem:$0x10200] =	vst v63  }
0x15d: {  	s11 =	simm.s32 $0x9200;
	v3 =	vadd.s32 v1, v3  }
0x15e: {  	[hbm4b:s5+s2] =	stream.indirect_vreg.scatter [tilespmem:s11], [sflag:$0x3], $0x80, v4, vm0, $0xb8;
	[tilespmem:$0x10200] =	vst v63  }
0x15f: {  	s21 =	simm.s32 $0x9A00  }
0x160: {  	[hbm4b:s6+s2] =	stream.indirect_vreg.scatter [tilespmem:s21], [sflag:$0x3], $0x80, v4, vm0, $0xb8;
	[tilespmem:$0x10200] =	vst v63  }
0x161: {  	s16 =	simm.s32 $0xA200  }
0x162: {  	[hbm4b:s3+s2] =	stream.indirect_vreg.scatter [tilespmem:s16], [sflag:$0x3], $0x80, v3, vm0, $0xb8;
	[tilespmem:$0x10200] =	vst v63  }
0x163: {  	s17 =	simm.s32 $0xAA00  }
0x164: {  	[hbm4b:s4+s2] =	stream.indirect_vreg.scatter [tilespmem:s17], [sflag:$0x3], $0x80, v3, vm0, $0xb8;
	[tilespmem:$0x10200] =	vst v63  }
0x165: {  	s18 =	simm.s32 $0xB200  }
0x166: {  	[hbm4b:s5+s2] =	stream.indirect_vreg.scatter [tilespmem:s18], [sflag:$0x3], $0x80, v3, vm0, $0xb8;
	[tilespmem:$0x10200] =	vst v63  }
0x167: {  	s22 =	simm.s32 $0xBA00  }
0x168: {  	[hbm4b:s6+s2] =	stream.indirect_vreg.scatter [tilespmem:s22], [sflag:$0x3], $0x80, v3, vm0, $0xb8;
	[tilespmem:$0x10200] =	vst v63  }
0x169: {  	v3 =	vld [tilespmem:$0x110];
	_ =	sdelay $0x4  }
0x16a: {  	v61 =	vshll.u32 v3, $0x3  }
0x16b: {  	v3 =	vand.u32 $0x7, v3;
	v4 =	vand.u32 $0xFFFFFFC0, v61  }
0x16c: {  	v3 =	vor.u32 v3, v4  }
0x16d: {  	v4 =	vperm.xlane v3, v0;
	_ =	sdelay $0x1  }
0x16e: {  	v4 =	vadd.s32 v1, v4;
	_ =	sdelay $0x3  }
0x16f: {  	s23 =	simm.s32 $0xC200  }
0x170: {  	[hbm4b:s3+s2] =	stream.indirect_vreg.scatter [tilespmem:s23], [sflag:$0x3], $0x80, v4, vm0, $0xb8;
	[tilespmem:$0x10200] =	vst v63  }
0x171: {  	s24 =	simm.s32 $0xCA00;
	v3 =	vperm.xlane v3, v2  }
0x172: {  	[hbm4b:s4+s2] =	stream.indirect_vreg.scatter [tilespmem:s24], [sflag:$0x3], $0x80, v4, vm0, $0xb8;
	[tilespmem:$0x10200] =	vst v63  }
0x173: {  	s12 =	simm.s32 $0xD200;
	v3 =	vadd.s32 v1, v3  }
0x174: {  	[hbm4b:s5+s2] =	stream.indirect_vreg.scatter [tilespmem:s12], [sflag:$0x3], $0x80, v4, vm0, $0xb8;
	[tilespmem:$0x10200] =	vst v63  }
0x175: {  	s7 =	simm.s32 $0xDA00  }
0x176: {  	[hbm4b:s6+s2] =	stream.indirect_vreg.scatter [tilespmem:s7], [sflag:$0x3], $0x80, v4, vm0, $0xb8;
	[tilespmem:$0x10200] =	vst v63  }
0x177: {  	s13 =	simm.s32 $0xE200  }
0x178: {  	[hbm4b:s3+s2] =	stream.indirect_vreg.scatter [tilespmem:s13], [sflag:$0x3], $0x80, v3, vm0, $0xb8;
	[tilespmem:$0x10200] =	vst v63  }
0x179: {  	s14 =	simm.s32 $0xEA00  }
0x17a: {  	[hbm4b:s4+s2] =	stream.indirect_vreg.scatter [tilespmem:s14], [sflag:$0x3], $0x80, v3, vm0, $0xb8;
	[tilespmem:$0x10200] =	vst v63  }
0x17b: {  	s15 =	simm.s32 $0xF200  }
0x17c: {  	[hbm4b:s5+s2] =	stream.indirect_vreg.scatter [tilespmem:s15], [sflag:$0x3], $0x80, v3, vm0, $0xb8;
	[tilespmem:$0x10200] =	vst v63  }
0x17d: {  	s25 =	simm.s32 $0xFA00  }
0x17e: {  	[hbm4b:s6+s2] =	stream.indirect_vreg.scatter [tilespmem:s25], [sflag:$0x3], $0x80, v3, vm0, $0xb8;
	[tilespmem:$0x10200] =	vst v63  }
0x17f: {  	v3 =	vld [tilespmem:$0x180];
	_ =	sdelay $0x4  }
0x180: {  	v62 =	vshll.u32 v3, $0x3  }
0x181: {  	v3 =	vand.u32 $0x7, v3;
	v4 =	vand.u32 $0xFFFFFFC0, v62  }
0x182: {  	v3 =	vor.u32 v3, v4  }
0x183: {  	v4 =	vperm.xlane v3, v0;
	_ =	sdelay $0x1  }
0x184: {  	v4 =	vadd.s32 v1, v4;
	_ =	sdelay $0x4  }
0x185: {  	[hbm4b:s3+s2] =	stream.indirect_vreg.scatter [tilespmem:s19], [sflag:$0x4], $0x80, v4, vm0, $0xb8;
	[tilespmem:$0x10200] =	vst v63  }
0x186: {  	v3 =	vperm.xlane v3, v2  }
0x187: {  	[hbm4b:s4+s2] =	stream.indirect_vreg.scatter [tilespmem:s20], [sflag:$0x4], $0x80, v4, vm0, $0xb8;
	[tilespmem:$0x10200] =	vst v63  }
0x188: {  	v3 =	vadd.s32 v1, v3  }
0x189: {  	[hbm4b:s5+s2] =	stream.indirect_vreg.scatter [tilespmem:s11], [sflag:$0x4], $0x80, v4, vm0, $0xb8;
	[tilespmem:$0x10200] =	vst v63  }
0x18a: {  	_ = 	snop  }
0x18b: {  	[hbm4b:s6+s2] =	stream.indirect_vreg.scatter [tilespmem:s21], [sflag:$0x4], $0x80, v4, vm0, $0xb8;
	[tilespmem:$0x10200] =	vst v63  }
0x18c: {  	_ = 	snop  }
0x18d: {  	[hbm4b:s3+s2] =	stream.indirect_vreg.scatter [tilespmem:s16], [sflag:$0x4], $0x80, v3, vm0, $0xb8;
	[tilespmem:$0x10200] =	vst v63  }
0x18e: {  	_ = 	snop  }
0x18f: {  	[hbm4b:s4+s2] =	stream.indirect_vreg.scatter [tilespmem:s17], [sflag:$0x4], $0x80, v3, vm0, $0xb8;
	[tilespmem:$0x10200] =	vst v63  }
0x190: {  	_ = 	snop  }
0x191: {  	[hbm4b:s5+s2] =	stream.indirect_vreg.scatter [tilespmem:s18], [sflag:$0x4], $0x80, v3, vm0, $0xb8;
	[tilespmem:$0x10200] =	vst v63  }
0x192: {  	_ = 	snop  }
0x193: {  	[hbm4b:s6+s2] =	stream.indirect_vreg.scatter [tilespmem:s22], [sflag:$0x4], $0x80, v3, vm0, $0xb8;
	[tilespmem:$0x10200] =	vst v63  }
0x194: {  	v3 =	vld [tilespmem:$0x190];
	_ =	sdelay $0x4  }
0x195: {  	v63 =	vshll.u32 v3, $0x3  }
0x196: {  	v3 =	vand.u32 $0x7, v3;
	v4 =	vand.u32 $0xFFFFFFC0, v63  }
0x197: {  	v3 =	vor.u32 v3, v4  }
0x198: {  	v4 =	vperm.xlane v3, v0;
	_ =	sdelay $0x1  }
0x199: {  	v4 =	vadd.s32 v1, v4;
	_ =	sdelay $0x4  }
0x19a: {  	[hbm4b:s3+s2] =	stream.indirect_vreg.scatter [tilespmem:s23], [sflag:$0x4], $0x80, v4, vm0, $0xb8;
	[tilespmem:$0x10200] =	vst v63  }
0x19b: {  	v3 =	vperm.xlane v3, v2  }
0x19c: {  	[hbm4b:s4+s2] =	stream.indirect_vreg.scatter [tilespmem:s24], [sflag:$0x4], $0x80, v4, vm0, $0xb8;
	[tilespmem:$0x10200] =	vst v63  }
0x19d: {  	v3 =	vadd.s32 v1, v3  }
0x19e: {  	[hbm4b:s5+s2] =	stream.indirect_vreg.scatter [tilespmem:s12], [sflag:$0x4], $0x80, v4, vm0, $0xb8;
	[tilespmem:$0x10200] =	vst v63  }
0x19f: {  	_ = 	snop  }
0x1a0: {  	[hbm4b:s6+s2] =	stream.indirect_vreg.scatter [tilespmem:s7], [sflag:$0x4], $0x80, v4, vm0, $0xb8;
	[tilespmem:$0x10200] =	vst v63  }
0x1a1: {  	_ = 	snop  }
0x1a2: {  	[hbm4b:s3+s2] =	stream.indirect_vreg.scatter [tilespmem:s13], [sflag:$0x4], $0x80, v3, vm0, $0xb8;
	[tilespmem:$0x10200] =	vst v63  }
0x1a3: {  	_ = 	snop  }
0x1a4: {  	[hbm4b:s4+s2] =	stream.indirect_vreg.scatter [tilespmem:s14], [sflag:$0x4], $0x80, v3, vm0, $0xb8;
	[tilespmem:$0x10200] =	vst v63  }
0x1a5: {  	_ = 	snop  }
0x1a6: {  	[hbm4b:s5+s2] =	stream.indirect_vreg.scatter [tilespmem:s15], [sflag:$0x4], $0x80, v3, vm0, $0xb8;
	[tilespmem:$0x10200] =	vst v63  }
0x1a7: {  	_ = 	snop  }
0x1a8: {  	[hbm4b:s6+s2] =	stream.indirect_vreg.scatter [tilespmem:s25], [sflag:$0x4], $0x80, v3, vm0, $0xb8;
	[tilespmem:$0x10200] =	vst v63  }
0x1a9: {  	_ =	swait.ge [sflag:s0], $0x8000  }
0x1aa: {  	[sflag:s0] =	ssyncset.done $0x0  }
0x1ab: {  	[sflag:s0] =	ssyncadd.s32 $0xFFFF8000  }
0x1ac: {  	_ =	swait.ge [sflag:s1], $0x8000  }
0x1ad: {  	[sflag:s1] =	ssyncset.done $0x0  }
0x1ae: {  	[sflag:s1] =	ssyncadd.s32 $0xFFFF8000  }
0x1af: {  	p0 =	sne.s32 s28, $0x1;
	_ =	swait.ge [sflag:s8], $0x8000  }
.Ltmp0:
0x1b0: {  	[sflag:s8] =	ssyncset.done $0x0;
	(pc) =	sbr.rel @p0 .LBB2_1-.Ltmp0, $4  }
0x1b1: {  	[sflag:s8] =	ssyncadd.s32 $0xFFFF8000  }
0x1b2: {  	_ =	swait.ge [sflag:s10], $0x8000  }
0x1b3: {  	[sflag:s10] =	ssyncset.done $0x0  }
0x1b4: {  	s28 =	sadd.s32 $0xFFFFFFFF, s28;
	[sflag:s10] =	ssyncadd.s32 $0xFFFF8000  }
0x1b5: {  	_ =	sfence.sel $0x180000  }
0x1b6: {  	[bflag:$0x0] =	sbarrier.arrive $0xFFFF  }
0x1b7: {  	_ =	strace $0x90000047  }
0x1b8: {  	s0 =	stileid.u32;
	[bflag:$0x2] =	sbarrier.arrive $0xFFFF  }
0x1b9: {  	p0 =	sne.s32 s0, $0x0;
	s0 =	rddreg [dreg:$0x3]  }
0x1ba: {  	s0 =	sadd.s32 @!p0 $0x100000, s0  }
0x1bb: {  	[sflag:s0] =	ssyncadd.tile.s32 @!p0 $0x1;
	_ =	shalt  }
.Lfunc_end2:
_tile_overlayer_lowered:
.L_overlay_start_2:
0x1bc: {  	(tag) =	ssettag $0x2  }
0x1bd: {  	s0 =	rddreg [dreg:$0x0];
	s2 =	stileid.u32  }
0x1be: {  	s1 =	rddreg [dreg:$0x1];
	p0 =	sne.s32 s2, $0x0  }
0x1bf: {  	s3 =	rddreg [dreg:$0x2];
	[bflag:$0x3] =	sbarrier.arrive $0xFFFF;
	s2 =	simm.s32 @!p0 $0x1C05  }
0x1c0: {  	[timem:s3], [sflag:s2] =	dma.local @!p0 [hbm:s0], s1  }
0x1c1: {  	s0 =	simm.s32 @!p0 $0x5  }
0x1c2: {  	_ =	swait.ge @!p0 [sflag:s0], s1  }
0x1c3: {  	s1 =	ssub.s32 @!p0 $0x0, s1;
	[sflag:s0] =	ssyncset.done @!p0 $0x0  }
0x1c4: {  	[sflag:s0] =	ssyncadd.s32 @!p0 s1  }
0x1c5: {  	[bflag:$0x3] =	sbarrier.arrive $0xFFFF  }
0x1c6: {  	_ =	shalt  }

</sc_bundles>
